<compile_context>
chip_gen: v7x
topology: tpu7x:2x2x1
jax: 0.10.2.dev20260603
libtpu: 0.0.44.dev20260713+nightly
codegen_flags: <defaults>
</compile_context>

<pallas_src>
import functools

import jax
import jax.numpy as jnp
from jax import lax
from jax.experimental import pallas as pl
from jax.experimental.pallas import tpu as pltpu
from jax.experimental.pallas import tpu_sc as plsc

N_TOK = 32768
D_EMB = 512
S_DIM = 256

NC = 2
NS = 16
NW = NC * NS
B_PER_W = N_TOK // NW
CH = 64
N_CHUNK = B_PER_W // CH

_sc_mesh = plsc.VectorSubcoreMesh(core_axis_name="c", subcore_axis_name="s")


@functools.partial(
    pl.kernel,
    out_type=jax.ShapeDtypeStruct((N_TOK, D_EMB), jnp.float32),
    mesh=_sc_mesh,
    scratch_types=[
        pltpu.VMEM((N_CHUNK, CH), jnp.int32),
        pltpu.VMEM((CH, D_EMB), jnp.float32),
        pltpu.VMEM((CH, D_EMB), jnp.float32),
        pltpu.SemaphoreType.DMA,
        pltpu.SemaphoreType.DMA,
        pltpu.SemaphoreType.DMA,
    ],
)
def _sc_gather(word_hbm, table_hbm, out_hbm, idx_v, rows_a, rows_b, isem, gsem, ssem):
    wid = lax.axis_index("s") * NC + lax.axis_index("c")
    base = wid * B_PER_W
    idx_loads = [
        pltpu.async_copy(word_hbm.at[pl.ds(base + c * CH, CH)], idx_v.at[c], isem)
        for c in range(N_CHUNK)
    ]
    bufs = (rows_a, rows_b)
    nb = len(bufs)
    gathers = [None] * N_CHUNK
    stores = [None] * N_CHUNK
    for c in range(min(nb, N_CHUNK)):
        idx_loads[c].wait()
        gathers[c] = pltpu.async_copy(
            table_hbm.at[idx_v.at[c]], bufs[c % nb], gsem
        )
    for c in range(N_CHUNK):
        buf = bufs[c % nb]
        gathers[c].wait()
        stores[c] = pltpu.async_copy(
            buf, out_hbm.at[pl.ds(base + c * CH, CH)], ssem
        )
        if c + nb < N_CHUNK:
            stores[c].wait()
            idx_loads[c + nb].wait()
            gathers[c + nb] = pltpu.async_copy(
                table_hbm.at[idx_v.at[c + nb]], buf, gsem
            )
    for c in range(max(0, N_CHUNK - nb), N_CHUNK):
        stores[c].wait()


BM = 4096
KS = D_EMB // 2


def _mlp_body(x1_ref, x2_ref, w1_ref, w2_ref, b_ref, o_ref):
    acc = jnp.dot(
        x1_ref[...].astype(jnp.bfloat16),
        w1_ref[...].astype(jnp.bfloat16),
        preferred_element_type=jnp.float32,
    )
    acc = acc + jnp.dot(
        x2_ref[...].astype(jnp.bfloat16),
        w2_ref[...].astype(jnp.bfloat16),
        preferred_element_type=jnp.float32,
    )
    o_ref[...] = jnp.tanh(acc + b_ref[...])


_tc_mlp = pl.pallas_call(
    _mlp_body,
    grid=(N_TOK // BM,),
    in_specs=[
        pl.BlockSpec((BM, KS), lambda i: (i, 0)),
        pl.BlockSpec((BM, KS), lambda i: (i, 1)),
        pl.BlockSpec((KS, S_DIM), lambda i: (0, 0)),
        pl.BlockSpec((KS, S_DIM), lambda i: (1, 0)),
        pl.BlockSpec((1, S_DIM), lambda i: (0, 0)),
    ],
    out_specs=pl.BlockSpec((BM, S_DIM), lambda i: (i, 0)),
    out_shape=jax.ShapeDtypeStruct((N_TOK, S_DIM), jnp.float32),
)


def kernel(word, word_embeddings, grammar_preterminates, W1, b1):
    del grammar_preterminates
    emb = _sc_gather(word.astype(jnp.int32), word_embeddings)
    return _tc_mlp(emb, emb, W1, W1, b1.reshape(1, S_DIM))

# --- scband reference (transcript-rebuilt; emitter-appended) ---
"""Pipeline reference for scband-nn-cyk-model-26671746908679 (READ-ONLY COPY).

The authoritative reference and input builder live on the scoring server;
editing this copy changes nothing except your own understanding.
"""

import jax, jax.numpy as jnp
import numpy as np

V = 100000
T = 64
D_EMB = 512
S_DIM = 256
N_TOK = 32768


def setup_inputs(seed: int = 0) -> dict:
    key = jax.random.key(seed)
    k1, k2, k3, k4 = jax.random.split(key, 4)
    word = jax.random.randint(k1, (N_TOK,), 0, V)
    word_embeddings = jax.random.normal(k2, (V, D_EMB), dtype=jnp.float32)
    grammar_preterminates = jax.random.uniform(k3, (T, V), dtype=jnp.float32)
    W1 = jax.random.normal(k4, (D_EMB, S_DIM), dtype=jnp.float32) * 0.05
    b1 = jnp.zeros((S_DIM,), dtype=jnp.float32)
    return {
        "word": word,
        "word_embeddings": word_embeddings,
        "grammar_preterminates": grammar_preterminates,
        "W1": W1,
        "b1": b1,
    }


def reference(word, word_embeddings, grammar_preterminates, W1, b1):
    # NN_CYK_Model.forward at t=0 (records just reset):
    # get_terminate_parses(w):
    #   - gather preterminal grammar probabilities grammar_preterminates[:, w]  (T per token)
    #   - feature = preterminate_feature_generation_model(word_embeddings[w])
    # With infuse_structure_only=True the feature is shared across all T parses,
    # and the t=0 forward returns the feature of the highest-probability parse,
    # which equals that shared feature. Batched over a ragged token stream.
    emb = jnp.take(word_embeddings, word, axis=0)                     # [N, D_EMB] gather (memory-bound)
    feature = jnp.tanh(emb @ W1 + b1)                                 # [N, S_DIM]
    probs = jnp.take(grammar_preterminates, word, axis=1).T           # [N, T] column gather
    best_idx = jnp.argmax(probs, axis=-1)                             # heapq.nlargest(1, ...) over parses
    del best_idx  # feature is shared across parse candidates at t=0
    return feature

if __name__ == "__main__":
    import jax
    _d = setup_inputs()
    print(jax.jit(kernel)(*tuple(_d.values())))

</pallas_src>

<mosaic_0001>
#map = affine_map<(d0, d1) -> (0)>
#map1 = affine_map<(d0, d1) -> (0, 0)>
module attributes {stable_mosaic.version = 14 : i64} {
  func.func @_sc_gather(%arg0: i32, %arg1: i32, %arg2: memref<32768xi32, #tpu.memory_space<hbm>>, %arg3: memref<100000x512xf32, #tpu.memory_space<hbm>>, %arg4: memref<32768x512xf32, #tpu.memory_space<hbm>>, %arg5: memref<16x64xi32, #tpu.memory_space<vmem>>, %arg6: memref<64x512xf32, #tpu.memory_space<vmem>>, %arg7: memref<64x512xf32, #tpu.memory_space<vmem>>, %arg8: memref<!tpu.dma_semaphore, #tpu.memory_space<semaphore_mem>>, %arg9: memref<!tpu.dma_semaphore, #tpu.memory_space<semaphore_mem>>, %arg10: memref<!tpu.dma_semaphore, #tpu.memory_space<semaphore_mem>>) attributes {dimension_semantics = [#tpu.dimension_semantics<core_parallel>, #tpu.dimension_semantics<subcore_parallel>], iteration_bounds = array<i64: 2, 16>, scalar_prefetch = 0 : i64, scratch_operands = 6 : i64, tpu.core_type = #tpu.core_type<sc_vector_subcore>, window_params = [{transform_indices = #map}, {transform_indices = #map1}, {transform_indices = #map1}]} {
    %mul3A = arith.constant 2 : i32
    %mul3A_0 = arith.muli %arg1, %mul3A : i32
    %add3A = arith.addi %mul3A_0, %arg0 : i32
    %mul3A_1 = arith.constant 1024 : i32
    %mul3A_2 = arith.muli %add3A, %mul3A_1 : i32
    %add3A_3 = arith.constant 0 : i32
    %add3A_4 = arith.addi %mul3A_2, %add3A_3 : i32
    %dma_start3A = arith.constant 0 : i32
    %dma_start3A_5 = arith.constant 0 : i32
    %dma_start3A_6 = tpu.memref_slice %arg5[%dma_start3A, %dma_start3A_5] : memref<16x64xi32, #tpu.memory_space<vmem>> -> memref<1x64xi32, #tpu.memory_space<vmem>>
    %dma_start3A_7 = tpu.memref_squeeze %dma_start3A_6 : memref<1x64xi32, #tpu.memory_space<vmem>> -> memref<64xi32, #tpu.memory_space<vmem>>
    %dma_start3A_8 = tpu.memref_slice %arg2[%add3A_4] : memref<32768xi32, #tpu.memory_space<hbm>> -> memref<64xi32, #tpu.memory_space<hbm>>
    %dma_start3A_9 = arith.constant 0 : i32
    %dma_start3A_10 = tpu.memref_slice %arg5[%dma_start3A, %dma_start3A_9] : memref<16x64xi32, #tpu.memory_space<vmem>> -> memref<1x64xi32, #tpu.memory_space<vmem>>
    %dma_start3A_11 = tpu.memref_squeeze %dma_start3A_10 : memref<1x64xi32, #tpu.memory_space<vmem>> -> memref<64xi32, #tpu.memory_space<vmem>>
    %dma_start3A_12 = tpu.memref_slice %arg2[%add3A_4] : memref<32768xi32, #tpu.memory_space<hbm>> -> memref<64xi32, #tpu.memory_space<hbm>>
    tpu.enqueue_dma source(%dma_start3A_12 : memref<64xi32, #tpu.memory_space<hbm>>) target(%dma_start3A_11 : memref<64xi32, #tpu.memory_space<vmem>>) target_semaphore(%arg8 : memref<!tpu.dma_semaphore, #tpu.memory_space<semaphore_mem>>)
    %add3A_13 = arith.constant 64 : i32
    %add3A_14 = arith.addi %mul3A_2, %add3A_13 : i32
    %dma_start3A_15 = arith.constant 1 : i32
    %dma_start3A_16 = arith.constant 0 : i32
    %dma_start3A_17 = tpu.memref_slice %arg5[%dma_start3A_15, %dma_start3A_16] : memref<16x64xi32, #tpu.memory_space<vmem>> -> memref<1x64xi32, #tpu.memory_space<vmem>>
    %dma_start3A_18 = tpu.memref_squeeze %dma_start3A_17 : memref<1x64xi32, #tpu.memory_space<vmem>> -> memref<64xi32, #tpu.memory_space<vmem>>
    %dma_start3A_19 = tpu.memref_slice %arg2[%add3A_14] : memref<32768xi32, #tpu.memory_space<hbm>> -> memref<64xi32, #tpu.memory_space<hbm>>
    %dma_start3A_20 = arith.constant 0 : i32
    %dma_start3A_21 = tpu.memref_slice %arg5[%dma_start3A_15, %dma_start3A_20] : memref<16x64xi32, #tpu.memory_space<vmem>> -> memref<1x64xi32, #tpu.memory_space<vmem>>
    %dma_start3A_22 = tpu.memref_squeeze %dma_start3A_21 : memref<1x64xi32, #tpu.memory_space<vmem>> -> memref<64xi32, #tpu.memory_space<vmem>>
    %dma_start3A_23 = tpu.memref_slice %arg2[%add3A_14] : memref<32768xi32, #tpu.memory_space<hbm>> -> memref<64xi32, #tpu.memory_space<hbm>>
    tpu.enqueue_dma source(%dma_start3A_23 : memref<64xi32, #tpu.memory_space<hbm>>) target(%dma_start3A_22 : memref<64xi32, #tpu.memory_space<vmem>>) target_semaphore(%arg8 : memref<!tpu.dma_semaphore, #tpu.memory_space<semaphore_mem>>)
    %add3A_24 = arith.constant 128 : i32
    %add3A_25 = arith.addi %mul3A_2, %add3A_24 : i32
    %dma_start3A_26 = arith.constant 2 : i32
    %dma_start3A_27 = arith.constant 0 : i32
    %dma_start3A_28 = tpu.memref_slice %arg5[%dma_start3A_26, %dma_start3A_27] : memref<16x64xi32, #tpu.memory_space<vmem>> -> memref<1x64xi32, #tpu.memory_space<vmem>>
    %dma_start3A_29 = tpu.memref_squeeze %dma_start3A_28 : memref<1x64xi32, #tpu.memory_space<vmem>> -> memref<64xi32, #tpu.memory_space<vmem>>
    %dma_start3A_30 = tpu.memref_slice %arg2[%add3A_25] : memref<32768xi32, #tpu.memory_space<hbm>> -> memref<64xi32, #tpu.memory_space<hbm>>
    %dma_start3A_31 = arith.constant 0 : i32
    %dma_start3A_32 = tpu.memref_slice %arg5[%dma_start3A_26, %dma_start3A_31] : memref<16x64xi32, #tpu.memory_space<vmem>> -> memref<1x64xi32, #tpu.memory_space<vmem>>
    %dma_start3A_33 = tpu.memref_squeeze %dma_start3A_32 : memref<1x64xi32, #tpu.memory_space<vmem>> -> memref<64xi32, #tpu.memory_space<vmem>>
    %dma_start3A_34 = tpu.memref_slice %arg2[%add3A_25] : memref<32768xi32, #tpu.memory_space<hbm>> -> memref<64xi32, #tpu.memory_space<hbm>>
    tpu.enqueue_dma source(%dma_start3A_34 : memref<64xi32, #tpu.memory_space<hbm>>) target(%dma_start3A_33 : memref<64xi32, #tpu.memory_space<vmem>>) target_semaphore(%arg8 : memref<!tpu.dma_semaphore, #tpu.memory_space<semaphore_mem>>)
    %add3A_35 = arith.constant 192 : i32
    %add3A_36 = arith.addi %mul3A_2, %add3A_35 : i32
    %dma_start3A_37 = arith.constant 3 : i32
    %dma_start3A_38 = arith.constant 0 : i32
    %dma_start3A_39 = tpu.memref_slice %arg5[%dma_start3A_37, %dma_start3A_38] : memref<16x64xi32, #tpu.memory_space<vmem>> -> memref<1x64xi32, #tpu.memory_space<vmem>>
    %dma_start3A_40 = tpu.memref_squeeze %dma_start3A_39 : memref<1x64xi32, #tpu.memory_space<vmem>> -> memref<64xi32, #tpu.memory_space<vmem>>
    %dma_start3A_41 = tpu.memref_slice %arg2[%add3A_36] : memref<32768xi32, #tpu.memory_space<hbm>> -> memref<64xi32, #tpu.memory_space<hbm>>
    %dma_start3A_42 = arith.constant 0 : i32
    %dma_start3A_43 = tpu.memref_slice %arg5[%dma_start3A_37, %dma_start3A_42] : memref<16x64xi32, #tpu.memory_space<vmem>> -> memref<1x64xi32, #tpu.memory_space<vmem>>
    %dma_start3A_44 = tpu.memref_squeeze %dma_start3A_43 : memref<1x64xi32, #tpu.memory_space<vmem>> -> memref<64xi32, #tpu.memory_space<vmem>>
    %dma_start3A_45 = tpu.memref_slice %arg2[%add3A_36] : memref<32768xi32, #tpu.memory_space<hbm>> -> memref<64xi32, #tpu.memory_space<hbm>>
    tpu.enqueue_dma source(%dma_start3A_45 : memref<64xi32, #tpu.memory_space<hbm>>) target(%dma_start3A_44 : memref<64xi32, #tpu.memory_space<vmem>>) target_semaphore(%arg8 : memref<!tpu.dma_semaphore, #tpu.memory_space<semaphore_mem>>)
    %add3A_46 = arith.constant 256 : i32
    %add3A_47 = arith.addi %mul3A_2, %add3A_46 : i32
    %dma_start3A_48 = arith.constant 4 : i32
    %dma_start3A_49 = arith.constant 0 : i32
    %dma_start3A_50 = tpu.memref_slice %arg5[%dma_start3A_48, %dma_start3A_49] : memref<16x64xi32, #tpu.memory_space<vmem>> -> memref<1x64xi32, #tpu.memory_space<vmem>>
    %dma_start3A_51 = tpu.memref_squeeze %dma_start3A_50 : memref<1x64xi32, #tpu.memory_space<vmem>> -> memref<64xi32, #tpu.memory_space<vmem>>
    %dma_start3A_52 = tpu.memref_slice %arg2[%add3A_47] : memref<32768xi32, #tpu.memory_space<hbm>> -> memref<64xi32, #tpu.memory_space<hbm>>
    %dma_start3A_53 = arith.constant 0 : i32
    %dma_start3A_54 = tpu.memref_slice %arg5[%dma_start3A_48, %dma_start3A_53] : memref<16x64xi32, #tpu.memory_space<vmem>> -> memref<1x64xi32, #tpu.memory_space<vmem>>
    %dma_start3A_55 = tpu.memref_squeeze %dma_start3A_54 : memref<1x64xi32, #tpu.memory_space<vmem>> -> memref<64xi32, #tpu.memory_space<vmem>>
    %dma_start3A_56 = tpu.memref_slice %arg2[%add3A_47] : memref<32768xi32, #tpu.memory_space<hbm>> -> memref<64xi32, #tpu.memory_space<hbm>>
    tpu.enqueue_dma source(%dma_start3A_56 : memref<64xi32, #tpu.memory_space<hbm>>) target(%dma_start3A_55 : memref<64xi32, #tpu.memory_space<vmem>>) target_semaphore(%arg8 : memref<!tpu.dma_semaphore, #tpu.memory_space<semaphore_mem>>)
    %add3A_57 = arith.constant 320 : i32
    %add3A_58 = arith.addi %mul3A_2, %add3A_57 : i32
    %dma_start3A_59 = arith.constant 5 : i32
    %dma_start3A_60 = arith.constant 0 : i32
    %dma_start3A_61 = tpu.memref_slice %arg5[%dma_start3A_59, %dma_start3A_60] : memref<16x64xi32, #tpu.memory_space<vmem>> -> memref<1x64xi32, #tpu.memory_space<vmem>>
    %dma_start3A_62 = tpu.memref_squeeze %dma_start3A_61 : memref<1x64xi32, #tpu.memory_space<vmem>> -> memref<64xi32, #tpu.memory_space<vmem>>
    %dma_start3A_63 = tpu.memref_slice %arg2[%add3A_58] : memref<32768xi32, #tpu.memory_space<hbm>> -> memref<64xi32, #tpu.memory_space<hbm>>
    %dma_start3A_64 = arith.constant 0 : i32
    %dma_start3A_65 = tpu.memref_slice %arg5[%dma_start3A_59, %dma_start3A_64] : memref<16x64xi32, #tpu.memory_space<vmem>> -> memref<1x64xi32, #tpu.memory_space<vmem>>
    %dma_start3A_66 = tpu.memref_squeeze %dma_start3A_65 : memref<1x64xi32, #tpu.memory_space<vmem>> -> memref<64xi32, #tpu.memory_space<vmem>>
    %dma_start3A_67 = tpu.memref_slice %arg2[%add3A_58] : memref<32768xi32, #tpu.memory_space<hbm>> -> memref<64xi32, #tpu.memory_space<hbm>>
    tpu.enqueue_dma source(%dma_start3A_67 : memref<64xi32, #tpu.memory_space<hbm>>) target(%dma_start3A_66 : memref<64xi32, #tpu.memory_space<vmem>>) target_semaphore(%arg8 : memref<!tpu.dma_semaphore, #tpu.memory_space<semaphore_mem>>)
    %add3A_68 = arith.constant 384 : i32
    %add3A_69 = arith.addi %mul3A_2, %add3A_68 : i32
    %dma_start3A_70 = arith.constant 6 : i32
    %dma_start3A_71 = arith.constant 0 : i32
    %dma_start3A_72 = tpu.memref_slice %arg5[%dma_start3A_70, %dma_start3A_71] : memref<16x64xi32, #tpu.memory_space<vmem>> -> memref<1x64xi32, #tpu.memory_space<vmem>>
    %dma_start3A_73 = tpu.memref_squeeze %dma_start3A_72 : memref<1x64xi32, #tpu.memory_space<vmem>> -> memref<64xi32, #tpu.memory_space<vmem>>
    %dma_start3A_74 = tpu.memref_slice %arg2[%add3A_69] : memref<32768xi32, #tpu.memory_space<hbm>> -> memref<64xi32, #tpu.memory_space<hbm>>
    %dma_start3A_75 = arith.constant 0 : i32
    %dma_start3A_76 = tpu.memref_slice %arg5[%dma_start3A_70, %dma_start3A_75] : memref<16x64xi32, #tpu.memory_space<vmem>> -> memref<1x64xi32, #tpu.memory_space<vmem>>
    %dma_start3A_77 = tpu.memref_squeeze %dma_start3A_76 : memref<1x64xi32, #tpu.memory_space<vmem>> -> memref<64xi32, #tpu.memory_space<vmem>>
    %dma_start3A_78 = tpu.memref_slice %arg2[%add3A_69] : memref<32768xi32, #tpu.memory_space<hbm>> -> memref<64xi32, #tpu.memory_space<hbm>>
    tpu.enqueue_dma source(%dma_start3A_78 : memref<64xi32, #tpu.memory_space<hbm>>) target(%dma_start3A_77 : memref<64xi32, #tpu.memory_space<vmem>>) target_semaphore(%arg8 : memref<!tpu.dma_semaphore, #tpu.memory_space<semaphore_mem>>)
    %add3A_79 = arith.constant 448 : i32
    %add3A_80 = arith.addi %mul3A_2, %add3A_79 : i32
    %dma_start3A_81 = arith.constant 7 : i32
    %dma_start3A_82 = arith.constant 0 : i32
    %dma_start3A_83 = tpu.memref_slice %arg5[%dma_start3A_81, %dma_start3A_82] : memref<16x64xi32, #tpu.memory_space<vmem>> -> memref<1x64xi32, #tpu.memory_space<vmem>>
    %dma_start3A_84 = tpu.memref_squeeze %dma_start3A_83 : memref<1x64xi32, #tpu.memory_space<vmem>> -> memref<64xi32, #tpu.memory_space<vmem>>
    %dma_start3A_85 = tpu.memref_slice %arg2[%add3A_80] : memref<32768xi32, #tpu.memory_space<hbm>> -> memref<64xi32, #tpu.memory_space<hbm>>
    %dma_start3A_86 = arith.constant 0 : i32
    %dma_start3A_87 = tpu.memref_slice %arg5[%dma_start3A_81, %dma_start3A_86] : memref<16x64xi32, #tpu.memory_space<vmem>> -> memref<1x64xi32, #tpu.memory_space<vmem>>
    %dma_start3A_88 = tpu.memref_squeeze %dma_start3A_87 : memref<1x64xi32, #tpu.memory_space<vmem>> -> memref<64xi32, #tpu.memory_space<vmem>>
    %dma_start3A_89 = tpu.memref_slice %arg2[%add3A_80] : memref<32768xi32, #tpu.memory_space<hbm>> -> memref<64xi32, #tpu.memory_space<hbm>>
    tpu.enqueue_dma source(%dma_start3A_89 : memref<64xi32, #tpu.memory_space<hbm>>) target(%dma_start3A_88 : memref<64xi32, #tpu.memory_space<vmem>>) target_semaphore(%arg8 : memref<!tpu.dma_semaphore, #tpu.memory_space<semaphore_mem>>)
    %add3A_90 = arith.constant 512 : i32
    %add3A_91 = arith.addi %mul3A_2, %add3A_90 : i32
    %dma_start3A_92 = arith.constant 8 : i32
    %dma_start3A_93 = arith.constant 0 : i32
    %dma_start3A_94 = tpu.memref_slice %arg5[%dma_start3A_92, %dma_start3A_93] : memref<16x64xi32, #tpu.memory_space<vmem>> -> memref<1x64xi32, #tpu.memory_space<vmem>>
    %dma_start3A_95 = tpu.memref_squeeze %dma_start3A_94 : memref<1x64xi32, #tpu.memory_space<vmem>> -> memref<64xi32, #tpu.memory_space<vmem>>
    %dma_start3A_96 = tpu.memref_slice %arg2[%add3A_91] : memref<32768xi32, #tpu.memory_space<hbm>> -> memref<64xi32, #tpu.memory_space<hbm>>
    %dma_start3A_97 = arith.constant 0 : i32
    %dma_start3A_98 = tpu.memref_slice %arg5[%dma_start3A_92, %dma_start3A_97] : memref<16x64xi32, #tpu.memory_space<vmem>> -> memref<1x64xi32, #tpu.memory_space<vmem>>
    %dma_start3A_99 = tpu.memref_squeeze %dma_start3A_98 : memref<1x64xi32, #tpu.memory_space<vmem>> -> memref<64xi32, #tpu.memory_space<vmem>>
    %dma_start3A_100 = tpu.memref_slice %arg2[%add3A_91] : memref<32768xi32, #tpu.memory_space<hbm>> -> memref<64xi32, #tpu.memory_space<hbm>>
    tpu.enqueue_dma source(%dma_start3A_100 : memref<64xi32, #tpu.memory_space<hbm>>) target(%dma_start3A_99 : memref<64xi32, #tpu.memory_space<vmem>>) target_semaphore(%arg8 : memref<!tpu.dma_semaphore, #tpu.memory_space<semaphore_mem>>)
    %add3A_101 = arith.constant 576 : i32
    %add3A_102 = arith.addi %mul3A_2, %add3A_101 : i32
    %dma_start3A_103 = arith.constant 9 : i32
    %dma_start3A_104 = arith.constant 0 : i32
    %dma_start3A_105 = tpu.memref_slice %arg5[%dma_start3A_103, %dma_start3A_104] : memref<16x64xi32, #tpu.memory_space<vmem>> -> memref<1x64xi32, #tpu.memory_space<vmem>>
    %dma_start3A_106 = tpu.memref_squeeze %dma_start3A_105 : memref<1x64xi32, #tpu.memory_space<vmem>> -> memref<64xi32, #tpu.memory_space<vmem>>
    %dma_start3A_107 = tpu.memref_slice %arg2[%add3A_102] : memref<32768xi32, #tpu.memory_space<hbm>> -> memref<64xi32, #tpu.memory_space<hbm>>
    %dma_start3A_108 = arith.constant 0 : i32
    %dma_start3A_109 = tpu.memref_slice %arg5[%dma_start3A_103, %dma_start3A_108] : memref<16x64xi32, #tpu.memory_space<vmem>> -> memref<1x64xi32, #tpu.memory_space<vmem>>
    %dma_start3A_110 = tpu.memref_squeeze %dma_start3A_109 : memref<1x64xi32, #tpu.memory_space<vmem>> -> memref<64xi32, #tpu.memory_space<vmem>>
    %dma_start3A_111 = tpu.memref_slice %arg2[%add3A_102] : memref<32768xi32, #tpu.memory_space<hbm>> -> memref<64xi32, #tpu.memory_space<hbm>>
    tpu.enqueue_dma source(%dma_start3A_111 : memref<64xi32, #tpu.memory_space<hbm>>) target(%dma_start3A_110 : memref<64xi32, #tpu.memory_space<vmem>>) target_semaphore(%arg8 : memref<!tpu.dma_semaphore, #tpu.memory_space<semaphore_mem>>)
    %add3A_112 = arith.constant 640 : i32
    %add3A_113 = arith.addi %mul3A_2, %add3A_112 : i32
    %dma_start3A_114 = arith.constant 10 : i32
    %dma_start3A_115 = arith.constant 0 : i32
    %dma_start3A_116 = tpu.memref_slice %arg5[%dma_start3A_114, %dma_start3A_115] : memref<16x64xi32, #tpu.memory_space<vmem>> -> memref<1x64xi32, #tpu.memory_space<vmem>>
    %dma_start3A_117 = tpu.memref_squeeze %dma_start3A_116 : memref<1x64xi32, #tpu.memory_space<vmem>> -> memref<64xi32, #tpu.memory_space<vmem>>
    %dma_start3A_118 = tpu.memref_slice %arg2[%add3A_113] : memref<32768xi32, #tpu.memory_space<hbm>> -> memref<64xi32, #tpu.memory_space<hbm>>
    %dma_start3A_119 = arith.constant 0 : i32
    %dma_start3A_120 = tpu.memref_slice %arg5[%dma_start3A_114, %dma_start3A_119] : memref<16x64xi32, #tpu.memory_space<vmem>> -> memref<1x64xi32, #tpu.memory_space<vmem>>
    %dma_start3A_121 = tpu.memref_squeeze %dma_start3A_120 : memref<1x64xi32, #tpu.memory_space<vmem>> -> memref<64xi32, #tpu.memory_space<vmem>>
    %dma_start3A_122 = tpu.memref_slice %arg2[%add3A_113] : memref<32768xi32, #tpu.memory_space<hbm>> -> memref<64xi32, #tpu.memory_space<hbm>>
    tpu.enqueue_dma source(%dma_start3A_122 : memref<64xi32, #tpu.memory_space<hbm>>) target(%dma_start3A_121 : memref<64xi32, #tpu.memory_space<vmem>>) target_semaphore(%arg8 : memref<!tpu.dma_semaphore, #tpu.memory_space<semaphore_mem>>)
    %add3A_123 = arith.constant 704 : i32
    %add3A_124 = arith.addi %mul3A_2, %add3A_123 : i32
    %dma_start3A_125 = arith.constant 11 : i32
    %dma_start3A_126 = arith.constant 0 : i32
    %dma_start3A_127 = tpu.memref_slice %arg5[%dma_start3A_125, %dma_start3A_126] : memref<16x64xi32, #tpu.memory_space<vmem>> -> memref<1x64xi32, #tpu.memory_space<vmem>>
    %dma_start3A_128 = tpu.memref_squeeze %dma_start3A_127 : memref<1x64xi32, #tpu.memory_space<vmem>> -> memref<64xi32, #tpu.memory_space<vmem>>
    %dma_start3A_129 = tpu.memref_slice %arg2[%add3A_124] : memref<32768xi32, #tpu.memory_space<hbm>> -> memref<64xi32, #tpu.memory_space<hbm>>
    %dma_start3A_130 = arith.constant 0 : i32
    %dma_start3A_131 = tpu.memref_slice %arg5[%dma_start3A_125, %dma_start3A_130] : memref<16x64xi32, #tpu.memory_space<vmem>> -> memref<1x64xi32, #tpu.memory_space<vmem>>
    %dma_start3A_132 = tpu.memref_squeeze %dma_start3A_131 : memref<1x64xi32, #tpu.memory_space<vmem>> -> memref<64xi32, #tpu.memory_space<vmem>>
    %dma_start3A_133 = tpu.memref_slice %arg2[%add3A_124] : memref<32768xi32, #tpu.memory_space<hbm>> -> memref<64xi32, #tpu.memory_space<hbm>>
    tpu.enqueue_dma source(%dma_start3A_133 : memref<64xi32, #tpu.memory_space<hbm>>) target(%dma_start3A_132 : memref<64xi32, #tpu.memory_space<vmem>>) target_semaphore(%arg8 : memref<!tpu.dma_semaphore, #tpu.memory_space<semaphore_mem>>)
    %add3A_134 = arith.constant 768 : i32
    %add3A_135 = arith.addi %mul3A_2, %add3A_134 : i32
    %dma_start3A_136 = arith.constant 12 : i32
    %dma_start3A_137 = arith.constant 0 : i32
    %dma_start3A_138 = tpu.memref_slice %arg5[%dma_start3A_136, %dma_start3A_137] : memref<16x64xi32, #tpu.memory_space<vmem>> -> memref<1x64xi32, #tpu.memory_space<vmem>>
    %dma_start3A_139 = tpu.memref_squeeze %dma_start3A_138 : memref<1x64xi32, #tpu.memory_space<vmem>> -> memref<64xi32, #tpu.memory_space<vmem>>
    %dma_start3A_140 = tpu.memref_slice %arg2[%add3A_135] : memref<32768xi32, #tpu.memory_space<hbm>> -> memref<64xi32, #tpu.memory_space<hbm>>
    %dma_start3A_141 = arith.constant 0 : i32
    %dma_start3A_142 = tpu.memref_slice %arg5[%dma_start3A_136, %dma_start3A_141] : memref<16x64xi32, #tpu.memory_space<vmem>> -> memref<1x64xi32, #tpu.memory_space<vmem>>
    %dma_start3A_143 = tpu.memref_squeeze %dma_start3A_142 : memref<1x64xi32, #tpu.memory_space<vmem>> -> memref<64xi32, #tpu.memory_space<vmem>>
    %dma_start3A_144 = tpu.memref_slice %arg2[%add3A_135] : memref<32768xi32, #tpu.memory_space<hbm>> -> memref<64xi32, #tpu.memory_space<hbm>>
    tpu.enqueue_dma source(%dma_start3A_144 : memref<64xi32, #tpu.memory_space<hbm>>) target(%dma_start3A_143 : memref<64xi32, #tpu.memory_space<vmem>>) target_semaphore(%arg8 : memref<!tpu.dma_semaphore, #tpu.memory_space<semaphore_mem>>)
    %add3A_145 = arith.constant 832 : i32
    %add3A_146 = arith.addi %mul3A_2, %add3A_145 : i32
    %dma_start3A_147 = arith.constant 13 : i32
    %dma_start3A_148 = arith.constant 0 : i32
    %dma_start3A_149 = tpu.memref_slice %arg5[%dma_start3A_147, %dma_start3A_148] : memref<16x64xi32, #tpu.memory_space<vmem>> -> memref<1x64xi32, #tpu.memory_space<vmem>>
    %dma_start3A_150 = tpu.memref_squeeze %dma_start3A_149 : memref<1x64xi32, #tpu.memory_space<vmem>> -> memref<64xi32, #tpu.memory_space<vmem>>
    %dma_start3A_151 = tpu.memref_slice %arg2[%add3A_146] : memref<32768xi32, #tpu.memory_space<hbm>> -> memref<64xi32, #tpu.memory_space<hbm>>
    %dma_start3A_152 = arith.constant 0 : i32
    %dma_start3A_153 = tpu.memref_slice %arg5[%dma_start3A_147, %dma_start3A_152] : memref<16x64xi32, #tpu.memory_space<vmem>> -> memref<1x64xi32, #tpu.memory_space<vmem>>
    %dma_start3A_154 = tpu.memref_squeeze %dma_start3A_153 : memref<1x64xi32, #tpu.memory_space<vmem>> -> memref<64xi32, #tpu.memory_space<vmem>>
    %dma_start3A_155 = tpu.memref_slice %arg2[%add3A_146] : memref<32768xi32, #tpu.memory_space<hbm>> -> memref<64xi32, #tpu.memory_space<hbm>>
    tpu.enqueue_dma source(%dma_start3A_155 : memref<64xi32, #tpu.memory_space<hbm>>) target(%dma_start3A_154 : memref<64xi32, #tpu.memory_space<vmem>>) target_semaphore(%arg8 : memref<!tpu.dma_semaphore, #tpu.memory_space<semaphore_mem>>)
    %add3A_156 = arith.constant 896 : i32
    %add3A_157 = arith.addi %mul3A_2, %add3A_156 : i32
    %dma_start3A_158 = arith.constant 14 : i32
    %dma_start3A_159 = arith.constant 0 : i32
    %dma_start3A_160 = tpu.memref_slice %arg5[%dma_start3A_158, %dma_start3A_159] : memref<16x64xi32, #tpu.memory_space<vmem>> -> memref<1x64xi32, #tpu.memory_space<vmem>>
    %dma_start3A_161 = tpu.memref_squeeze %dma_start3A_160 : memref<1x64xi32, #tpu.memory_space<vmem>> -> memref<64xi32, #tpu.memory_space<vmem>>
    %dma_start3A_162 = tpu.memref_slice %arg2[%add3A_157] : memref<32768xi32, #tpu.memory_space<hbm>> -> memref<64xi32, #tpu.memory_space<hbm>>
    %dma_start3A_163 = arith.constant 0 : i32
    %dma_start3A_164 = tpu.memref_slice %arg5[%dma_start3A_158, %dma_start3A_163] : memref<16x64xi32, #tpu.memory_space<vmem>> -> memref<1x64xi32, #tpu.memory_space<vmem>>
    %dma_start3A_165 = tpu.memref_squeeze %dma_start3A_164 : memref<1x64xi32, #tpu.memory_space<vmem>> -> memref<64xi32, #tpu.memory_space<vmem>>
    %dma_start3A_166 = tpu.memref_slice %arg2[%add3A_157] : memref<32768xi32, #tpu.memory_space<hbm>> -> memref<64xi32, #tpu.memory_space<hbm>>
    tpu.enqueue_dma source(%dma_start3A_166 : memref<64xi32, #tpu.memory_space<hbm>>) target(%dma_start3A_165 : memref<64xi32, #tpu.memory_space<vmem>>) target_semaphore(%arg8 : memref<!tpu.dma_semaphore, #tpu.memory_space<semaphore_mem>>)
    %add3A_167 = arith.constant 960 : i32
    %add3A_168 = arith.addi %mul3A_2, %add3A_167 : i32
    %dma_start3A_169 = arith.constant 15 : i32
    %dma_start3A_170 = arith.constant 0 : i32
    %dma_start3A_171 = tpu.memref_slice %arg5[%dma_start3A_169, %dma_start3A_170] : memref<16x64xi32, #tpu.memory_space<vmem>> -> memref<1x64xi32, #tpu.memory_space<vmem>>
    %dma_start3A_172 = tpu.memref_squeeze %dma_start3A_171 : memref<1x64xi32, #tpu.memory_space<vmem>> -> memref<64xi32, #tpu.memory_space<vmem>>
    %dma_start3A_173 = tpu.memref_slice %arg2[%add3A_168] : memref<32768xi32, #tpu.memory_space<hbm>> -> memref<64xi32, #tpu.memory_space<hbm>>
    %dma_start3A_174 = arith.constant 0 : i32
    %dma_start3A_175 = tpu.memref_slice %arg5[%dma_start3A_169, %dma_start3A_174] : memref<16x64xi32, #tpu.memory_space<vmem>> -> memref<1x64xi32, #tpu.memory_space<vmem>>
    %dma_start3A_176 = tpu.memref_squeeze %dma_start3A_175 : memref<1x64xi32, #tpu.memory_space<vmem>> -> memref<64xi32, #tpu.memory_space<vmem>>
    %dma_start3A_177 = tpu.memref_slice %arg2[%add3A_168] : memref<32768xi32, #tpu.memory_space<hbm>> -> memref<64xi32, #tpu.memory_space<hbm>>
    tpu.enqueue_dma source(%dma_start3A_177 : memref<64xi32, #tpu.memory_space<hbm>>) target(%dma_start3A_176 : memref<64xi32, #tpu.memory_space<vmem>>) target_semaphore(%arg8 : memref<!tpu.dma_semaphore, #tpu.memory_space<semaphore_mem>>)
    %dma_wait3A = arith.constant 0 : i32
    %dma_wait3A_178 = arith.constant 0 : i32
    %dma_wait3A_179 = tpu.memref_slice %arg5[%dma_wait3A, %dma_wait3A_178] : memref<16x64xi32, #tpu.memory_space<vmem>> -> memref<1x64xi32, #tpu.memory_space<vmem>>
    %dma_wait3A_180 = tpu.memref_squeeze %dma_wait3A_179 : memref<1x64xi32, #tpu.memory_space<vmem>> -> memref<64xi32, #tpu.memory_space<vmem>>
    %dma_wait3A_181 = tpu.memref_slice %arg2[%add3A_4] : memref<32768xi32, #tpu.memory_space<hbm>> -> memref<64xi32, #tpu.memory_space<hbm>>
    %dma_wait3A_182 = arith.constant 0 : i32
    %dma_wait3A_183 = tpu.memref_slice %arg5[%dma_wait3A, %dma_wait3A_182] : memref<16x64xi32, #tpu.memory_space<vmem>> -> memref<1x64xi32, #tpu.memory_space<vmem>>
    %dma_wait3A_184 = tpu.memref_squeeze %dma_wait3A_183 : memref<1x64xi32, #tpu.memory_space<vmem>> -> memref<64xi32, #tpu.memory_space<vmem>>
    %dma_wait3A_185 = tpu.memref_slice %arg2[%add3A_4] : memref<32768xi32, #tpu.memory_space<hbm>> -> memref<64xi32, #tpu.memory_space<hbm>>
    tpu.wait_dma2 semaphore(%arg8 : memref<!tpu.dma_semaphore, #tpu.memory_space<semaphore_mem>>) src(%dma_wait3A_185 : memref<64xi32, #tpu.memory_space<hbm>>) dst(%dma_wait3A_184 : memref<64xi32, #tpu.memory_space<vmem>>)
    %dma_start3A_186 = arith.constant 0 : i32
    %dma_start3A_187 = arith.constant 0 : i32
    %dma_start3A_188 = tpu.memref_slice %arg5[%dma_start3A_186, %dma_start3A_187] : memref<16x64xi32, #tpu.memory_space<vmem>> -> memref<1x64xi32, #tpu.memory_space<vmem>>
    %dma_start3A_189 = tpu.memref_squeeze %dma_start3A_188 : memref<1x64xi32, #tpu.memory_space<vmem>> -> memref<64xi32, #tpu.memory_space<vmem>>
    %dma_start3A_190 = arith.constant 0 : i32
    %dma_start3A_191 = arith.constant 0 : i32
    %dma_start3A_192 = tpu.memref_slice %arg3[%dma_start3A_190, %dma_start3A_191] : memref<100000x512xf32, #tpu.memory_space<hbm>> -> memref<100000x512xf32, #tpu.memory_space<hbm>>
    tpu.enqueue_indirect_dma source(%dma_start3A_192 : memref<100000x512xf32, #tpu.memory_space<hbm>>) target(%arg6 : memref<64x512xf32, #tpu.memory_space<vmem>>) offsets(%dma_start3A_189 : memref<64xi32, #tpu.memory_space<vmem>>) semaphore(%arg9 : memref<!tpu.dma_semaphore, #tpu.memory_space<semaphore_mem>>)
    %dma_wait3A_193 = arith.constant 1 : i32
    %dma_wait3A_194 = arith.constant 0 : i32
    %dma_wait3A_195 = tpu.memref_slice %arg5[%dma_wait3A_193, %dma_wait3A_194] : memref<16x64xi32, #tpu.memory_space<vmem>> -> memref<1x64xi32, #tpu.memory_space<vmem>>
    %dma_wait3A_196 = tpu.memref_squeeze %dma_wait3A_195 : memref<1x64xi32, #tpu.memory_space<vmem>> -> memref<64xi32, #tpu.memory_space<vmem>>
    %dma_wait3A_197 = tpu.memref_slice %arg2[%add3A_14] : memref<32768xi32, #tpu.memory_space<hbm>> -> memref<64xi32, #tpu.memory_space<hbm>>
    %dma_wait3A_198 = arith.constant 0 : i32
    %dma_wait3A_199 = tpu.memref_slice %arg5[%dma_wait3A_193, %dma_wait3A_198] : memref<16x64xi32, #tpu.memory_space<vmem>> -> memref<1x64xi32, #tpu.memory_space<vmem>>
    %dma_wait3A_200 = tpu.memref_squeeze %dma_wait3A_199 : memref<1x64xi32, #tpu.memory_space<vmem>> -> memref<64xi32, #tpu.memory_space<vmem>>
    %dma_wait3A_201 = tpu.memref_slice %arg2[%add3A_14] : memref<32768xi32, #tpu.memory_space<hbm>> -> memref<64xi32, #tpu.memory_space<hbm>>
    tpu.wait_dma2 semaphore(%arg8 : memref<!tpu.dma_semaphore, #tpu.memory_space<semaphore_mem>>) src(%dma_wait3A_201 : memref<64xi32, #tpu.memory_space<hbm>>) dst(%dma_wait3A_200 : memref<64xi32, #tpu.memory_space<vmem>>)
    %dma_start3A_202 = arith.constant 1 : i32
    %dma_start3A_203 = arith.constant 0 : i32
    %dma_start3A_204 = tpu.memref_slice %arg5[%dma_start3A_202, %dma_start3A_203] : memref<16x64xi32, #tpu.memory_space<vmem>> -> memref<1x64xi32, #tpu.memory_space<vmem>>
    %dma_start3A_205 = tpu.memref_squeeze %dma_start3A_204 : memref<1x64xi32, #tpu.memory_space<vmem>> -> memref<64xi32, #tpu.memory_space<vmem>>
    %dma_start3A_206 = arith.constant 0 : i32
    %dma_start3A_207 = arith.constant 0 : i32
    %dma_start3A_208 = tpu.memref_slice %arg3[%dma_start3A_206, %dma_start3A_207] : memref<100000x512xf32, #tpu.memory_space<hbm>> -> memref<100000x512xf32, #tpu.memory_space<hbm>>
    tpu.enqueue_indirect_dma source(%dma_start3A_208 : memref<100000x512xf32, #tpu.memory_space<hbm>>) target(%arg7 : memref<64x512xf32, #tpu.memory_space<vmem>>) offsets(%dma_start3A_205 : memref<64xi32, #tpu.memory_space<vmem>>) semaphore(%arg9 : memref<!tpu.dma_semaphore, #tpu.memory_space<semaphore_mem>>)
    %dma_wait3A_209 = arith.constant 0 : i32
    %dma_wait3A_210 = arith.constant 0 : i32
    %dma_wait3A_211 = tpu.memref_slice %arg5[%dma_wait3A_209, %dma_wait3A_210] : memref<16x64xi32, #tpu.memory_space<vmem>> -> memref<1x64xi32, #tpu.memory_space<vmem>>
    %dma_wait3A_212 = tpu.memref_squeeze %dma_wait3A_211 : memref<1x64xi32, #tpu.memory_space<vmem>> -> memref<64xi32, #tpu.memory_space<vmem>>
    %dma_wait3A_213 = arith.constant 0 : i32
    %dma_wait3A_214 = arith.constant 0 : i32
    %dma_wait3A_215 = tpu.memref_slice %arg3[%dma_wait3A_213, %dma_wait3A_214] : memref<100000x512xf32, #tpu.memory_space<hbm>> -> memref<100000x512xf32, #tpu.memory_space<hbm>>
    tpu.wait_indirect_dma semaphore(%arg9 : memref<!tpu.dma_semaphore, #tpu.memory_space<semaphore_mem>>) src(%dma_wait3A_215 : memref<100000x512xf32, #tpu.memory_space<hbm>>) dst(%arg6 : memref<64x512xf32, #tpu.memory_space<vmem>>)
    %add3A_216 = arith.constant 0 : i32
    %add3A_217 = arith.addi %mul3A_2, %add3A_216 : i32
    %dma_start3A_218 = arith.constant 0 : i32
    %dma_start3A_219 = tpu.memref_slice %arg4[%add3A_217, %dma_start3A_218] : memref<32768x512xf32, #tpu.memory_space<hbm>> -> memref<64x512xf32, #tpu.memory_space<hbm>>
    %dma_start3A_220 = arith.constant 0 : i32
    %dma_start3A_221 = tpu.memref_slice %arg4[%add3A_217, %dma_start3A_220] : memref<32768x512xf32, #tpu.memory_space<hbm>> -> memref<64x512xf32, #tpu.memory_space<hbm>>
    tpu.enqueue_dma source(%arg6 : memref<64x512xf32, #tpu.memory_space<vmem>>) target(%dma_start3A_221 : memref<64x512xf32, #tpu.memory_space<hbm>>) target_semaphore(%arg10 : memref<!tpu.dma_semaphore, #tpu.memory_space<semaphore_mem>>)
    %dma_wait3A_222 = arith.constant 0 : i32
    %dma_wait3A_223 = tpu.memref_slice %arg4[%add3A_217, %dma_wait3A_222] : memref<32768x512xf32, #tpu.memory_space<hbm>> -> memref<64x512xf32, #tpu.memory_space<hbm>>
    %dma_wait3A_224 = arith.constant 0 : i32
    %dma_wait3A_225 = tpu.memref_slice %arg4[%add3A_217, %dma_wait3A_224] : memref<32768x512xf32, #tpu.memory_space<hbm>> -> memref<64x512xf32, #tpu.memory_space<hbm>>
    tpu.wait_dma2 semaphore(%arg10 : memref<!tpu.dma_semaphore, #tpu.memory_space<semaphore_mem>>) src(%arg6 : memref<64x512xf32, #tpu.memory_space<vmem>>) dst(%dma_wait3A_225 : memref<64x512xf32, #tpu.memory_space<hbm>>)
    %dma_wait3A_226 = arith.constant 2 : i32
    %dma_wait3A_227 = arith.constant 0 : i32
    %dma_wait3A_228 = tpu.memref_slice %arg5[%dma_wait3A_226, %dma_wait3A_227] : memref<16x64xi32, #tpu.memory_space<vmem>> -> memref<1x64xi32, #tpu.memory_space<vmem>>
    %dma_wait3A_229 = tpu.memref_squeeze %dma_wait3A_228 : memref<1x64xi32, #tpu.memory_space<vmem>> -> memref<64xi32, #tpu.memory_space<vmem>>
    %dma_wait3A_230 = tpu.memref_slice %arg2[%add3A_25] : memref<32768xi32, #tpu.memory_space<hbm>> -> memref<64xi32, #tpu.memory_space<hbm>>
    %dma_wait3A_231 = arith.constant 0 : i32
    %dma_wait3A_232 = tpu.memref_slice %arg5[%dma_wait3A_226, %dma_wait3A_231] : memref<16x64xi32, #tpu.memory_space<vmem>> -> memref<1x64xi32, #tpu.memory_space<vmem>>
    %dma_wait3A_233 = tpu.memref_squeeze %dma_wait3A_232 : memref<1x64xi32, #tpu.memory_space<vmem>> -> memref<64xi32, #tpu.memory_space<vmem>>
    %dma_wait3A_234 = tpu.memref_slice %arg2[%add3A_25] : memref<32768xi32, #tpu.memory_space<hbm>> -> memref<64xi32, #tpu.memory_space<hbm>>
    tpu.wait_dma2 semaphore(%arg8 : memref<!tpu.dma_semaphore, #tpu.memory_space<semaphore_mem>>) src(%dma_wait3A_234 : memref<64xi32, #tpu.memory_space<hbm>>) dst(%dma_wait3A_233 : memref<64xi32, #tpu.memory_space<vmem>>)
    %dma_start3A_235 = arith.constant 2 : i32
    %dma_start3A_236 = arith.constant 0 : i32
    %dma_start3A_237 = tpu.memref_slice %arg5[%dma_start3A_235, %dma_start3A_236] : memref<16x64xi32, #tpu.memory_space<vmem>> -> memref<1x64xi32, #tpu.memory_space<vmem>>
    %dma_start3A_238 = tpu.memref_squeeze %dma_start3A_237 : memref<1x64xi32, #tpu.memory_space<vmem>> -> memref<64xi32, #tpu.memory_space<vmem>>
    %dma_start3A_239 = arith.constant 0 : i32
    %dma_start3A_240 = arith.constant 0 : i32
    %dma_start3A_241 = tpu.memref_slice %arg3[%dma_start3A_239, %dma_start3A_240] : memref<100000x512xf32, #tpu.memory_space<hbm>> -> memref<100000x512xf32, #tpu.memory_space<hbm>>
    tpu.enqueue_indirect_dma source(%dma_start3A_241 : memref<100000x512xf32, #tpu.memory_space<hbm>>) target(%arg6 : memref<64x512xf32, #tpu.memory_space<vmem>>) offsets(%dma_start3A_238 : memref<64xi32, #tpu.memory_space<vmem>>) semaphore(%arg9 : memref<!tpu.dma_semaphore, #tpu.memory_space<semaphore_mem>>)
    %dma_wait3A_242 = arith.constant 1 : i32
    %dma_wait3A_243 = arith.constant 0 : i32
    %dma_wait3A_244 = tpu.memref_slice %arg5[%dma_wait3A_242, %dma_wait3A_243] : memref<16x64xi32, #tpu.memory_space<vmem>> -> memref<1x64xi32, #tpu.memory_space<vmem>>
    %dma_wait3A_245 = tpu.memref_squeeze %dma_wait3A_244 : memref<1x64xi32, #tpu.memory_space<vmem>> -> memref<64xi32, #tpu.memory_space<vmem>>
    %dma_wait3A_246 = arith.constant 0 : i32
    %dma_wait3A_247 = arith.constant 0 : i32
    %dma_wait3A_248 = tpu.memref_slice %arg3[%dma_wait3A_246, %dma_wait3A_247] : memref<100000x512xf32, #tpu.memory_space<hbm>> -> memref<100000x512xf32, #tpu.memory_space<hbm>>
    tpu.wait_indirect_dma semaphore(%arg9 : memref<!tpu.dma_semaphore, #tpu.memory_space<semaphore_mem>>) src(%dma_wait3A_248 : memref<100000x512xf32, #tpu.memory_space<hbm>>) dst(%arg7 : memref<64x512xf32, #tpu.memory_space<vmem>>)
    %add3A_249 = arith.constant 64 : i32
    %add3A_250 = arith.addi %mul3A_2, %add3A_249 : i32
    %dma_start3A_251 = arith.constant 0 : i32
    %dma_start3A_252 = tpu.memref_slice %arg4[%add3A_250, %dma_start3A_251] : memref<32768x512xf32, #tpu.memory_space<hbm>> -> memref<64x512xf32, #tpu.memory_space<hbm>>
    %dma_start3A_253 = arith.constant 0 : i32
    %dma_start3A_254 = tpu.memref_slice %arg4[%add3A_250, %dma_start3A_253] : memref<32768x512xf32, #tpu.memory_space<hbm>> -> memref<64x512xf32, #tpu.memory_space<hbm>>
    tpu.enqueue_dma source(%arg7 : memref<64x512xf32, #tpu.memory_space<vmem>>) target(%dma_start3A_254 : memref<64x512xf32, #tpu.memory_space<hbm>>) target_semaphore(%arg10 : memref<!tpu.dma_semaphore, #tpu.memory_space<semaphore_mem>>)
    %dma_wait3A_255 = arith.constant 0 : i32
    %dma_wait3A_256 = tpu.memref_slice %arg4[%add3A_250, %dma_wait3A_255] : memref<32768x512xf32, #tpu.memory_space<hbm>> -> memref<64x512xf32, #tpu.memory_space<hbm>>
    %dma_wait3A_257 = arith.constant 0 : i32
    %dma_wait3A_258 = tpu.memref_slice %arg4[%add3A_250, %dma_wait3A_257] : memref<32768x512xf32, #tpu.memory_space<hbm>> -> memref<64x512xf32, #tpu.memory_space<hbm>>
    tpu.wait_dma2 semaphore(%arg10 : memref<!tpu.dma_semaphore, #tpu.memory_space<semaphore_mem>>) src(%arg7 : memref<64x512xf32, #tpu.memory_space<vmem>>) dst(%dma_wait3A_258 : memref<64x512xf32, #tpu.memory_space<hbm>>)
    %dma_wait3A_259 = arith.constant 3 : i32
    %dma_wait3A_260 = arith.constant 0 : i32
    %dma_wait3A_261 = tpu.memref_slice %arg5[%dma_wait3A_259, %dma_wait3A_260] : memref<16x64xi32, #tpu.memory_space<vmem>> -> memref<1x64xi32, #tpu.memory_space<vmem>>
    %dma_wait3A_262 = tpu.memref_squeeze %dma_wait3A_261 : memref<1x64xi32, #tpu.memory_space<vmem>> -> memref<64xi32, #tpu.memory_space<vmem>>
    %dma_wait3A_263 = tpu.memref_slice %arg2[%add3A_36] : memref<32768xi32, #tpu.memory_space<hbm>> -> memref<64xi32, #tpu.memory_space<hbm>>
    %dma_wait3A_264 = arith.constant 0 : i32
    %dma_wait3A_265 = tpu.memref_slice %arg5[%dma_wait3A_259, %dma_wait3A_264] : memref<16x64xi32, #tpu.memory_space<vmem>> -> memref<1x64xi32, #tpu.memory_space<vmem>>
    %dma_wait3A_266 = tpu.memref_squeeze %dma_wait3A_265 : memref<1x64xi32, #tpu.memory_space<vmem>> -> memref<64xi32, #tpu.memory_space<vmem>>
    %dma_wait3A_267 = tpu.memref_slice %arg2[%add3A_36] : memref<32768xi32, #tpu.memory_space<hbm>> -> memref<64xi32, #tpu.memory_space<hbm>>
    tpu.wait_dma2 semaphore(%arg8 : memref<!tpu.dma_semaphore, #tpu.memory_space<semaphore_mem>>) src(%dma_wait3A_267 : memref<64xi32, #tpu.memory_space<hbm>>) dst(%dma_wait3A_266 : memref<64xi32, #tpu.memory_space<vmem>>)
    %dma_start3A_268 = arith.constant 3 : i32
    %dma_start3A_269 = arith.constant 0 : i32
    %dma_start3A_270 = tpu.memref_slice %arg5[%dma_start3A_268, %dma_start3A_269] : memref<16x64xi32, #tpu.memory_space<vmem>> -> memref<1x64xi32, #tpu.memory_space<vmem>>
    %dma_start3A_271 = tpu.memref_squeeze %dma_start3A_270 : memref<1x64xi32, #tpu.memory_space<vmem>> -> memref<64xi32, #tpu.memory_space<vmem>>
    %dma_start3A_272 = arith.constant 0 : i32
    %dma_start3A_273 = arith.constant 0 : i32
    %dma_start3A_274 = tpu.memref_slice %arg3[%dma_start3A_272, %dma_start3A_273] : memref<100000x512xf32, #tpu.memory_space<hbm>> -> memref<100000x512xf32, #tpu.memory_space<hbm>>
    tpu.enqueue_indirect_dma source(%dma_start3A_274 : memref<100000x512xf32, #tpu.memory_space<hbm>>) target(%arg7 : memref<64x512xf32, #tpu.memory_space<vmem>>) offsets(%dma_start3A_271 : memref<64xi32, #tpu.memory_space<vmem>>) semaphore(%arg9 : memref<!tpu.dma_semaphore, #tpu.memory_space<semaphore_mem>>)
    %dma_wait3A_275 = arith.constant 2 : i32
    %dma_wait3A_276 = arith.constant 0 : i32
    %dma_wait3A_277 = tpu.memref_slice %arg5[%dma_wait3A_275, %dma_wait3A_276] : memref<16x64xi32, #tpu.memory_space<vmem>> -> memref<1x64xi32, #tpu.memory_space<vmem>>
    %dma_wait3A_278 = tpu.memref_squeeze %dma_wait3A_277 : memref<1x64xi32, #tpu.memory_space<vmem>> -> memref<64xi32, #tpu.memory_space<vmem>>
    %dma_wait3A_279 = arith.constant 0 : i32
    %dma_wait3A_280 = arith.constant 0 : i32
    %dma_wait3A_281 = tpu.memref_slice %arg3[%dma_wait3A_279, %dma_wait3A_280] : memref<100000x512xf32, #tpu.memory_space<hbm>> -> memref<100000x512xf32, #tpu.memory_space<hbm>>
    tpu.wait_indirect_dma semaphore(%arg9 : memref<!tpu.dma_semaphore, #tpu.memory_space<semaphore_mem>>) src(%dma_wait3A_281 : memref<100000x512xf32, #tpu.memory_space<hbm>>) dst(%arg6 : memref<64x512xf32, #tpu.memory_space<vmem>>)
    %add3A_282 = arith.constant 128 : i32
    %add3A_283 = arith.addi %mul3A_2, %add3A_282 : i32
    %dma_start3A_284 = arith.constant 0 : i32
    %dma_start3A_285 = tpu.memref_slice %arg4[%add3A_283, %dma_start3A_284] : memref<32768x512xf32, #tpu.memory_space<hbm>> -> memref<64x512xf32, #tpu.memory_space<hbm>>
    %dma_start3A_286 = arith.constant 0 : i32
    %dma_start3A_287 = tpu.memref_slice %arg4[%add3A_283, %dma_start3A_286] : memref<32768x512xf32, #tpu.memory_space<hbm>> -> memref<64x512xf32, #tpu.memory_space<hbm>>
    tpu.enqueue_dma source(%arg6 : memref<64x512xf32, #tpu.memory_space<vmem>>) target(%dma_start3A_287 : memref<64x512xf32, #tpu.memory_space<hbm>>) target_semaphore(%arg10 : memref<!tpu.dma_semaphore, #tpu.memory_space<semaphore_mem>>)
    %dma_wait3A_288 = arith.constant 0 : i32
    %dma_wait3A_289 = tpu.memref_slice %arg4[%add3A_283, %dma_wait3A_288] : memref<32768x512xf32, #tpu.memory_space<hbm>> -> memref<64x512xf32, #tpu.memory_space<hbm>>
    %dma_wait3A_290 = arith.constant 0 : i32
    %dma_wait3A_291 = tpu.memref_slice %arg4[%add3A_283, %dma_wait3A_290] : memref<32768x512xf32, #tpu.memory_space<hbm>> -> memref<64x512xf32, #tpu.memory_space<hbm>>
    tpu.wait_dma2 semaphore(%arg10 : memref<!tpu.dma_semaphore, #tpu.memory_space<semaphore_mem>>) src(%arg6 : memref<64x512xf32, #tpu.memory_space<vmem>>) dst(%dma_wait3A_291 : memref<64x512xf32, #tpu.memory_space<hbm>>)
    %dma_wait3A_292 = arith.constant 4 : i32
    %dma_wait3A_293 = arith.constant 0 : i32
    %dma_wait3A_294 = tpu.memref_slice %arg5[%dma_wait3A_292, %dma_wait3A_293] : memref<16x64xi32, #tpu.memory_space<vmem>> -> memref<1x64xi32, #tpu.memory_space<vmem>>
    %dma_wait3A_295 = tpu.memref_squeeze %dma_wait3A_294 : memref<1x64xi32, #tpu.memory_space<vmem>> -> memref<64xi32, #tpu.memory_space<vmem>>
    %dma_wait3A_296 = tpu.memref_slice %arg2[%add3A_47] : memref<32768xi32, #tpu.memory_space<hbm>> -> memref<64xi32, #tpu.memory_space<hbm>>
    %dma_wait3A_297 = arith.constant 0 : i32
    %dma_wait3A_298 = tpu.memref_slice %arg5[%dma_wait3A_292, %dma_wait3A_297] : memref<16x64xi32, #tpu.memory_space<vmem>> -> memref<1x64xi32, #tpu.memory_space<vmem>>
    %dma_wait3A_299 = tpu.memref_squeeze %dma_wait3A_298 : memref<1x64xi32, #tpu.memory_space<vmem>> -> memref<64xi32, #tpu.memory_space<vmem>>
    %dma_wait3A_300 = tpu.memref_slice %arg2[%add3A_47] : memref<32768xi32, #tpu.memory_space<hbm>> -> memref<64xi32, #tpu.memory_space<hbm>>
    tpu.wait_dma2 semaphore(%arg8 : memref<!tpu.dma_semaphore, #tpu.memory_space<semaphore_mem>>) src(%dma_wait3A_300 : memref<64xi32, #tpu.memory_space<hbm>>) dst(%dma_wait3A_299 : memref<64xi32, #tpu.memory_space<vmem>>)
    %dma_start3A_301 = arith.constant 4 : i32
    %dma_start3A_302 = arith.constant 0 : i32
    %dma_start3A_303 = tpu.memref_slice %arg5[%dma_start3A_301, %dma_start3A_302] : memref<16x64xi32, #tpu.memory_space<vmem>> -> memref<1x64xi32, #tpu.memory_space<vmem>>
    %dma_start3A_304 = tpu.memref_squeeze %dma_start3A_303 : memref<1x64xi32, #tpu.memory_space<vmem>> -> memref<64xi32, #tpu.memory_space<vmem>>
    %dma_start3A_305 = arith.constant 0 : i32
    %dma_start3A_306 = arith.constant 0 : i32
    %dma_start3A_307 = tpu.memref_slice %arg3[%dma_start3A_305, %dma_start3A_306] : memref<100000x512xf32, #tpu.memory_space<hbm>> -> memref<100000x512xf32, #tpu.memory_space<hbm>>
    tpu.enqueue_indirect_dma source(%dma_start3A_307 : memref<100000x512xf32, #tpu.memory_space<hbm>>) target(%arg6 : memref<64x512xf32, #tpu.memory_space<vmem>>) offsets(%dma_start3A_304 : memref<64xi32, #tpu.memory_space<vmem>>) semaphore(%arg9 : memref<!tpu.dma_semaphore, #tpu.memory_space<semaphore_mem>>)
    %dma_wait3A_308 = arith.constant 3 : i32
    %dma_wait3A_309 = arith.constant 0 : i32
    %dma_wait3A_310 = tpu.memref_slice %arg5[%dma_wait3A_308, %dma_wait3A_309] : memref<16x64xi32, #tpu.memory_space<vmem>> -> memref<1x64xi32, #tpu.memory_space<vmem>>
    %dma_wait3A_311 = tpu.memref_squeeze %dma_wait3A_310 : memref<1x64xi32, #tpu.memory_space<vmem>> -> memref<64xi32, #tpu.memory_space<vmem>>
    %dma_wait3A_312 = arith.constant 0 : i32
    %dma_wait3A_313 = arith.constant 0 : i32
    %dma_wait3A_314 = tpu.memref_slice %arg3[%dma_wait3A_312, %dma_wait3A_313] : memref<100000x512xf32, #tpu.memory_space<hbm>> -> memref<100000x512xf32, #tpu.memory_space<hbm>>
    tpu.wait_indirect_dma semaphore(%arg9 : memref<!tpu.dma_semaphore, #tpu.memory_space<semaphore_mem>>) src(%dma_wait3A_314 : memref<100000x512xf32, #tpu.memory_space<hbm>>) dst(%arg7 : memref<64x512xf32, #tpu.memory_space<vmem>>)
    %add3A_315 = arith.constant 192 : i32
    %add3A_316 = arith.addi %mul3A_2, %add3A_315 : i32
    %dma_start3A_317 = arith.constant 0 : i32
    %dma_start3A_318 = tpu.memref_slice %arg4[%add3A_316, %dma_start3A_317] : memref<32768x512xf32, #tpu.memory_space<hbm>> -> memref<64x512xf32, #tpu.memory_space<hbm>>
    %dma_start3A_319 = arith.constant 0 : i32
    %dma_start3A_320 = tpu.memref_slice %arg4[%add3A_316, %dma_start3A_319] : memref<32768x512xf32, #tpu.memory_space<hbm>> -> memref<64x512xf32, #tpu.memory_space<hbm>>
    tpu.enqueue_dma source(%arg7 : memref<64x512xf32, #tpu.memory_space<vmem>>) target(%dma_start3A_320 : memref<64x512xf32, #tpu.memory_space<hbm>>) target_semaphore(%arg10 : memref<!tpu.dma_semaphore, #tpu.memory_space<semaphore_mem>>)
    %dma_wait3A_321 = arith.constant 0 : i32
    %dma_wait3A_322 = tpu.memref_slice %arg4[%add3A_316, %dma_wait3A_321] : memref<32768x512xf32, #tpu.memory_space<hbm>> -> memref<64x512xf32, #tpu.memory_space<hbm>>
    %dma_wait3A_323 = arith.constant 0 : i32
    %dma_wait3A_324 = tpu.memref_slice %arg4[%add3A_316, %dma_wait3A_323] : memref<32768x512xf32, #tpu.memory_space<hbm>> -> memref<64x512xf32, #tpu.memory_space<hbm>>
    tpu.wait_dma2 semaphore(%arg10 : memref<!tpu.dma_semaphore, #tpu.memory_space<semaphore_mem>>) src(%arg7 : memref<64x512xf32, #tpu.memory_space<vmem>>) dst(%dma_wait3A_324 : memref<64x512xf32, #tpu.memory_space<hbm>>)
    %dma_wait3A_325 = arith.constant 5 : i32
    %dma_wait3A_326 = arith.constant 0 : i32
    %dma_wait3A_327 = tpu.memref_slice %arg5[%dma_wait3A_325, %dma_wait3A_326] : memref<16x64xi32, #tpu.memory_space<vmem>> -> memref<1x64xi32, #tpu.memory_space<vmem>>
    %dma_wait3A_328 = tpu.memref_squeeze %dma_wait3A_327 : memref<1x64xi32, #tpu.memory_space<vmem>> -> memref<64xi32, #tpu.memory_space<vmem>>
    %dma_wait3A_329 = tpu.memref_slice %arg2[%add3A_58] : memref<32768xi32, #tpu.memory_space<hbm>> -> memref<64xi32, #tpu.memory_space<hbm>>
    %dma_wait3A_330 = arith.constant 0 : i32
    %dma_wait3A_331 = tpu.memref_slice %arg5[%dma_wait3A_325, %dma_wait3A_330] : memref<16x64xi32, #tpu.memory_space<vmem>> -> memref<1x64xi32, #tpu.memory_space<vmem>>
    %dma_wait3A_332 = tpu.memref_squeeze %dma_wait3A_331 : memref<1x64xi32, #tpu.memory_space<vmem>> -> memref<64xi32, #tpu.memory_space<vmem>>
    %dma_wait3A_333 = tpu.memref_slice %arg2[%add3A_58] : memref<32768xi32, #tpu.memory_space<hbm>> -> memref<64xi32, #tpu.memory_space<hbm>>
    tpu.wait_dma2 semaphore(%arg8 : memref<!tpu.dma_semaphore, #tpu.memory_space<semaphore_mem>>) src(%dma_wait3A_333 : memref<64xi32, #tpu.memory_space<hbm>>) dst(%dma_wait3A_332 : memref<64xi32, #tpu.memory_space<vmem>>)
    %dma_start3A_334 = arith.constant 5 : i32
    %dma_start3A_335 = arith.constant 0 : i32
    %dma_start3A_336 = tpu.memref_slice %arg5[%dma_start3A_334, %dma_start3A_335] : memref<16x64xi32, #tpu.memory_space<vmem>> -> memref<1x64xi32, #tpu.memory_space<vmem>>
    %dma_start3A_337 = tpu.memref_squeeze %dma_start3A_336 : memref<1x64xi32, #tpu.memory_space<vmem>> -> memref<64xi32, #tpu.memory_space<vmem>>
    %dma_start3A_338 = arith.constant 0 : i32
    %dma_start3A_339 = arith.constant 0 : i32
    %dma_start3A_340 = tpu.memref_slice %arg3[%dma_start3A_338, %dma_start3A_339] : memref<100000x512xf32, #tpu.memory_space<hbm>> -> memref<100000x512xf32, #tpu.memory_space<hbm>>
    tpu.enqueue_indirect_dma source(%dma_start3A_340 : memref<100000x512xf32, #tpu.memory_space<hbm>>) target(%arg7 : memref<64x512xf32, #tpu.memory_space<vmem>>) offsets(%dma_start3A_337 : memref<64xi32, #tpu.memory_space<vmem>>) semaphore(%arg9 : memref<!tpu.dma_semaphore, #tpu.memory_space<semaphore_mem>>)
    %dma_wait3A_341 = arith.constant 4 : i32
    %dma_wait3A_342 = arith.constant 0 : i32
    %dma_wait3A_343 = tpu.memref_slice %arg5[%dma_wait3A_341, %dma_wait3A_342] : memref<16x64xi32, #tpu.memory_space<vmem>> -> memref<1x64xi32, #tpu.memory_space<vmem>>
    %dma_wait3A_344 = tpu.memref_squeeze %dma_wait3A_343 : memref<1x64xi32, #tpu.memory_space<vmem>> -> memref<64xi32, #tpu.memory_space<vmem>>
    %dma_wait3A_345 = arith.constant 0 : i32
    %dma_wait3A_346 = arith.constant 0 : i32
    %dma_wait3A_347 = tpu.memref_slice %arg3[%dma_wait3A_345, %dma_wait3A_346] : memref<100000x512xf32, #tpu.memory_space<hbm>> -> memref<100000x512xf32, #tpu.memory_space<hbm>>
    tpu.wait_indirect_dma semaphore(%arg9 : memref<!tpu.dma_semaphore, #tpu.memory_space<semaphore_mem>>) src(%dma_wait3A_347 : memref<100000x512xf32, #tpu.memory_space<hbm>>) dst(%arg6 : memref<64x512xf32, #tpu.memory_space<vmem>>)
    %add3A_348 = arith.constant 256 : i32
    %add3A_349 = arith.addi %mul3A_2, %add3A_348 : i32
    %dma_start3A_350 = arith.constant 0 : i32
    %dma_start3A_351 = tpu.memref_slice %arg4[%add3A_349, %dma_start3A_350] : memref<32768x512xf32, #tpu.memory_space<hbm>> -> memref<64x512xf32, #tpu.memory_space<hbm>>
    %dma_start3A_352 = arith.constant 0 : i32
    %dma_start3A_353 = tpu.memref_slice %arg4[%add3A_349, %dma_start3A_352] : memref<32768x512xf32, #tpu.memory_space<hbm>> -> memref<64x512xf32, #tpu.memory_space<hbm>>
    tpu.enqueue_dma source(%arg6 : memref<64x512xf32, #tpu.memory_space<vmem>>) target(%dma_start3A_353 : memref<64x512xf32, #tpu.memory_space<hbm>>) target_semaphore(%arg10 : memref<!tpu.dma_semaphore, #tpu.memory_space<semaphore_mem>>)
    %dma_wait3A_354 = arith.constant 0 : i32
    %dma_wait3A_355 = tpu.memref_slice %arg4[%add3A_349, %dma_wait3A_354] : memref<32768x512xf32, #tpu.memory_space<hbm>> -> memref<64x512xf32, #tpu.memory_space<hbm>>
    %dma_wait3A_356 = arith.constant 0 : i32
    %dma_wait3A_357 = tpu.memref_slice %arg4[%add3A_349, %dma_wait3A_356] : memref<32768x512xf32, #tpu.memory_space<hbm>> -> memref<64x512xf32, #tpu.memory_space<hbm>>
    tpu.wait_dma2 semaphore(%arg10 : memref<!tpu.dma_semaphore, #tpu.memory_space<semaphore_mem>>) src(%arg6 : memref<64x512xf32, #tpu.memory_space<vmem>>) dst(%dma_wait3A_357 : memref<64x512xf32, #tpu.memory_space<hbm>>)
    %dma_wait3A_358 = arith.constant 6 : i32
    %dma_wait3A_359 = arith.constant 0 : i32
    %dma_wait3A_360 = tpu.memref_slice %arg5[%dma_wait3A_358, %dma_wait3A_359] : memref<16x64xi32, #tpu.memory_space<vmem>> -> memref<1x64xi32, #tpu.memory_space<vmem>>
    %dma_wait3A_361 = tpu.memref_squeeze %dma_wait3A_360 : memref<1x64xi32, #tpu.memory_space<vmem>> -> memref<64xi32, #tpu.memory_space<vmem>>
    %dma_wait3A_362 = tpu.memref_slice %arg2[%add3A_69] : memref<32768xi32, #tpu.memory_space<hbm>> -> memref<64xi32, #tpu.memory_space<hbm>>
    %dma_wait3A_363 = arith.constant 0 : i32
    %dma_wait3A_364 = tpu.memref_slice %arg5[%dma_wait3A_358, %dma_wait3A_363] : memref<16x64xi32, #tpu.memory_space<vmem>> -> memref<1x64xi32, #tpu.memory_space<vmem>>
    %dma_wait3A_365 = tpu.memref_squeeze %dma_wait3A_364 : memref<1x64xi32, #tpu.memory_space<vmem>> -> memref<64xi32, #tpu.memory_space<vmem>>
    %dma_wait3A_366 = tpu.memref_slice %arg2[%add3A_69] : memref<32768xi32, #tpu.memory_space<hbm>> -> memref<64xi32, #tpu.memory_space<hbm>>
    tpu.wait_dma2 semaphore(%arg8 : memref<!tpu.dma_semaphore, #tpu.memory_space<semaphore_mem>>) src(%dma_wait3A_366 : memref<64xi32, #tpu.memory_space<hbm>>) dst(%dma_wait3A_365 : memref<64xi32, #tpu.memory_space<vmem>>)
    %dma_start3A_367 = arith.constant 6 : i32
    %dma_start3A_368 = arith.constant 0 : i32
    %dma_start3A_369 = tpu.memref_slice %arg5[%dma_start3A_367, %dma_start3A_368] : memref<16x64xi32, #tpu.memory_space<vmem>> -> memref<1x64xi32, #tpu.memory_space<vmem>>
    %dma_start3A_370 = tpu.memref_squeeze %dma_start3A_369 : memref<1x64xi32, #tpu.memory_space<vmem>> -> memref<64xi32, #tpu.memory_space<vmem>>
    %dma_start3A_371 = arith.constant 0 : i32
    %dma_start3A_372 = arith.constant 0 : i32
    %dma_start3A_373 = tpu.memref_slice %arg3[%dma_start3A_371, %dma_start3A_372] : memref<100000x512xf32, #tpu.memory_space<hbm>> -> memref<100000x512xf32, #tpu.memory_space<hbm>>
    tpu.enqueue_indirect_dma source(%dma_start3A_373 : memref<100000x512xf32, #tpu.memory_space<hbm>>) target(%arg6 : memref<64x512xf32, #tpu.memory_space<vmem>>) offsets(%dma_start3A_370 : memref<64xi32, #tpu.memory_space<vmem>>) semaphore(%arg9 : memref<!tpu.dma_semaphore, #tpu.memory_space<semaphore_mem>>)
    %dma_wait3A_374 = arith.constant 5 : i32
    %dma_wait3A_375 = arith.constant 0 : i32
    %dma_wait3A_376 = tpu.memref_slice %arg5[%dma_wait3A_374, %dma_wait3A_375] : memref<16x64xi32, #tpu.memory_space<vmem>> -> memref<1x64xi32, #tpu.memory_space<vmem>>
    %dma_wait3A_377 = tpu.memref_squeeze %dma_wait3A_376 : memref<1x64xi32, #tpu.memory_space<vmem>> -> memref<64xi32, #tpu.memory_space<vmem>>
    %dma_wait3A_378 = arith.constant 0 : i32
    %dma_wait3A_379 = arith.constant 0 : i32
    %dma_wait3A_380 = tpu.memref_slice %arg3[%dma_wait3A_378, %dma_wait3A_379] : memref<100000x512xf32, #tpu.memory_space<hbm>> -> memref<100000x512xf32, #tpu.memory_space<hbm>>
    tpu.wait_indirect_dma semaphore(%arg9 : memref<!tpu.dma_semaphore, #tpu.memory_space<semaphore_mem>>) src(%dma_wait3A_380 : memref<100000x512xf32, #tpu.memory_space<hbm>>) dst(%arg7 : memref<64x512xf32, #tpu.memory_space<vmem>>)
    %add3A_381 = arith.constant 320 : i32
    %add3A_382 = arith.addi %mul3A_2, %add3A_381 : i32
    %dma_start3A_383 = arith.constant 0 : i32
    %dma_start3A_384 = tpu.memref_slice %arg4[%add3A_382, %dma_start3A_383] : memref<32768x512xf32, #tpu.memory_space<hbm>> -> memref<64x512xf32, #tpu.memory_space<hbm>>
    %dma_start3A_385 = arith.constant 0 : i32
    %dma_start3A_386 = tpu.memref_slice %arg4[%add3A_382, %dma_start3A_385] : memref<32768x512xf32, #tpu.memory_space<hbm>> -> memref<64x512xf32, #tpu.memory_space<hbm>>
    tpu.enqueue_dma source(%arg7 : memref<64x512xf32, #tpu.memory_space<vmem>>) target(%dma_start3A_386 : memref<64x512xf32, #tpu.memory_space<hbm>>) target_semaphore(%arg10 : memref<!tpu.dma_semaphore, #tpu.memory_space<semaphore_mem>>)
    %dma_wait3A_387 = arith.constant 0 : i32
    %dma_wait3A_388 = tpu.memref_slice %arg4[%add3A_382, %dma_wait3A_387] : memref<32768x512xf32, #tpu.memory_space<hbm>> -> memref<64x512xf32, #tpu.memory_space<hbm>>
    %dma_wait3A_389 = arith.constant 0 : i32
    %dma_wait3A_390 = tpu.memref_slice %arg4[%add3A_382, %dma_wait3A_389] : memref<32768x512xf32, #tpu.memory_space<hbm>> -> memref<64x512xf32, #tpu.memory_space<hbm>>
    tpu.wait_dma2 semaphore(%arg10 : memref<!tpu.dma_semaphore, #tpu.memory_space<semaphore_mem>>) src(%arg7 : memref<64x512xf32, #tpu.memory_space<vmem>>) dst(%dma_wait3A_390 : memref<64x512xf32, #tpu.memory_space<hbm>>)
    %dma_wait3A_391 = arith.constant 7 : i32
    %dma_wait3A_392 = arith.constant 0 : i32
    %dma_wait3A_393 = tpu.memref_slice %arg5[%dma_wait3A_391, %dma_wait3A_392] : memref<16x64xi32, #tpu.memory_space<vmem>> -> memref<1x64xi32, #tpu.memory_space<vmem>>
    %dma_wait3A_394 = tpu.memref_squeeze %dma_wait3A_393 : memref<1x64xi32, #tpu.memory_space<vmem>> -> memref<64xi32, #tpu.memory_space<vmem>>
    %dma_wait3A_395 = tpu.memref_slice %arg2[%add3A_80] : memref<32768xi32, #tpu.memory_space<hbm>> -> memref<64xi32, #tpu.memory_space<hbm>>
    %dma_wait3A_396 = arith.constant 0 : i32
    %dma_wait3A_397 = tpu.memref_slice %arg5[%dma_wait3A_391, %dma_wait3A_396] : memref<16x64xi32, #tpu.memory_space<vmem>> -> memref<1x64xi32, #tpu.memory_space<vmem>>
    %dma_wait3A_398 = tpu.memref_squeeze %dma_wait3A_397 : memref<1x64xi32, #tpu.memory_space<vmem>> -> memref<64xi32, #tpu.memory_space<vmem>>
    %dma_wait3A_399 = tpu.memref_slice %arg2[%add3A_80] : memref<32768xi32, #tpu.memory_space<hbm>> -> memref<64xi32, #tpu.memory_space<hbm>>
    tpu.wait_dma2 semaphore(%arg8 : memref<!tpu.dma_semaphore, #tpu.memory_space<semaphore_mem>>) src(%dma_wait3A_399 : memref<64xi32, #tpu.memory_space<hbm>>) dst(%dma_wait3A_398 : memref<64xi32, #tpu.memory_space<vmem>>)
    %dma_start3A_400 = arith.constant 7 : i32
    %dma_start3A_401 = arith.constant 0 : i32
    %dma_start3A_402 = tpu.memref_slice %arg5[%dma_start3A_400, %dma_start3A_401] : memref<16x64xi32, #tpu.memory_space<vmem>> -> memref<1x64xi32, #tpu.memory_space<vmem>>
    %dma_start3A_403 = tpu.memref_squeeze %dma_start3A_402 : memref<1x64xi32, #tpu.memory_space<vmem>> -> memref<64xi32, #tpu.memory_space<vmem>>
    %dma_start3A_404 = arith.constant 0 : i32
    %dma_start3A_405 = arith.constant 0 : i32
    %dma_start3A_406 = tpu.memref_slice %arg3[%dma_start3A_404, %dma_start3A_405] : memref<100000x512xf32, #tpu.memory_space<hbm>> -> memref<100000x512xf32, #tpu.memory_space<hbm>>
    tpu.enqueue_indirect_dma source(%dma_start3A_406 : memref<100000x512xf32, #tpu.memory_space<hbm>>) target(%arg7 : memref<64x512xf32, #tpu.memory_space<vmem>>) offsets(%dma_start3A_403 : memref<64xi32, #tpu.memory_space<vmem>>) semaphore(%arg9 : memref<!tpu.dma_semaphore, #tpu.memory_space<semaphore_mem>>)
    %dma_wait3A_407 = arith.constant 6 : i32
    %dma_wait3A_408 = arith.constant 0 : i32
    %dma_wait3A_409 = tpu.memref_slice %arg5[%dma_wait3A_407, %dma_wait3A_408] : memref<16x64xi32, #tpu.memory_space<vmem>> -> memref<1x64xi32, #tpu.memory_space<vmem>>
    %dma_wait3A_410 = tpu.memref_squeeze %dma_wait3A_409 : memref<1x64xi32, #tpu.memory_space<vmem>> -> memref<64xi32, #tpu.memory_space<vmem>>
    %dma_wait3A_411 = arith.constant 0 : i32
    %dma_wait3A_412 = arith.constant 0 : i32
    %dma_wait3A_413 = tpu.memref_slice %arg3[%dma_wait3A_411, %dma_wait3A_412] : memref<100000x512xf32, #tpu.memory_space<hbm>> -> memref<100000x512xf32, #tpu.memory_space<hbm>>
    tpu.wait_indirect_dma semaphore(%arg9 : memref<!tpu.dma_semaphore, #tpu.memory_space<semaphore_mem>>) src(%dma_wait3A_413 : memref<100000x512xf32, #tpu.memory_space<hbm>>) dst(%arg6 : memref<64x512xf32, #tpu.memory_space<vmem>>)
    %add3A_414 = arith.constant 384 : i32
    %add3A_415 = arith.addi %mul3A_2, %add3A_414 : i32
    %dma_start3A_416 = arith.constant 0 : i32
    %dma_start3A_417 = tpu.memref_slice %arg4[%add3A_415, %dma_start3A_416] : memref<32768x512xf32, #tpu.memory_space<hbm>> -> memref<64x512xf32, #tpu.memory_space<hbm>>
    %dma_start3A_418 = arith.constant 0 : i32
    %dma_start3A_419 = tpu.memref_slice %arg4[%add3A_415, %dma_start3A_418] : memref<32768x512xf32, #tpu.memory_space<hbm>> -> memref<64x512xf32, #tpu.memory_space<hbm>>
    tpu.enqueue_dma source(%arg6 : memref<64x512xf32, #tpu.memory_space<vmem>>) target(%dma_start3A_419 : memref<64x512xf32, #tpu.memory_space<hbm>>) target_semaphore(%arg10 : memref<!tpu.dma_semaphore, #tpu.memory_space<semaphore_mem>>)
    %dma_wait3A_420 = arith.constant 0 : i32
    %dma_wait3A_421 = tpu.memref_slice %arg4[%add3A_415, %dma_wait3A_420] : memref<32768x512xf32, #tpu.memory_space<hbm>> -> memref<64x512xf32, #tpu.memory_space<hbm>>
    %dma_wait3A_422 = arith.constant 0 : i32
    %dma_wait3A_423 = tpu.memref_slice %arg4[%add3A_415, %dma_wait3A_422] : memref<32768x512xf32, #tpu.memory_space<hbm>> -> memref<64x512xf32, #tpu.memory_space<hbm>>
    tpu.wait_dma2 semaphore(%arg10 : memref<!tpu.dma_semaphore, #tpu.memory_space<semaphore_mem>>) src(%arg6 : memref<64x512xf32, #tpu.memory_space<vmem>>) dst(%dma_wait3A_423 : memref<64x512xf32, #tpu.memory_space<hbm>>)
    %dma_wait3A_424 = arith.constant 8 : i32
    %dma_wait3A_425 = arith.constant 0 : i32
    %dma_wait3A_426 = tpu.memref_slice %arg5[%dma_wait3A_424, %dma_wait3A_425] : memref<16x64xi32, #tpu.memory_space<vmem>> -> memref<1x64xi32, #tpu.memory_space<vmem>>
    %dma_wait3A_427 = tpu.memref_squeeze %dma_wait3A_426 : memref<1x64xi32, #tpu.memory_space<vmem>> -> memref<64xi32, #tpu.memory_space<vmem>>
    %dma_wait3A_428 = tpu.memref_slice %arg2[%add3A_91] : memref<32768xi32, #tpu.memory_space<hbm>> -> memref<64xi32, #tpu.memory_space<hbm>>
    %dma_wait3A_429 = arith.constant 0 : i32
    %dma_wait3A_430 = tpu.memref_slice %arg5[%dma_wait3A_424, %dma_wait3A_429] : memref<16x64xi32, #tpu.memory_space<vmem>> -> memref<1x64xi32, #tpu.memory_space<vmem>>
    %dma_wait3A_431 = tpu.memref_squeeze %dma_wait3A_430 : memref<1x64xi32, #tpu.memory_space<vmem>> -> memref<64xi32, #tpu.memory_space<vmem>>
    %dma_wait3A_432 = tpu.memref_slice %arg2[%add3A_91] : memref<32768xi32, #tpu.memory_space<hbm>> -> memref<64xi32, #tpu.memory_space<hbm>>
    tpu.wait_dma2 semaphore(%arg8 : memref<!tpu.dma_semaphore, #tpu.memory_space<semaphore_mem>>) src(%dma_wait3A_432 : memref<64xi32, #tpu.memory_space<hbm>>) dst(%dma_wait3A_431 : memref<64xi32, #tpu.memory_space<vmem>>)
    %dma_start3A_433 = arith.constant 8 : i32
    %dma_start3A_434 = arith.constant 0 : i32
    %dma_start3A_435 = tpu.memref_slice %arg5[%dma_start3A_433, %dma_start3A_434] : memref<16x64xi32, #tpu.memory_space<vmem>> -> memref<1x64xi32, #tpu.memory_space<vmem>>
    %dma_start3A_436 = tpu.memref_squeeze %dma_start3A_435 : memref<1x64xi32, #tpu.memory_space<vmem>> -> memref<64xi32, #tpu.memory_space<vmem>>
    %dma_start3A_437 = arith.constant 0 : i32
    %dma_start3A_438 = arith.constant 0 : i32
    %dma_start3A_439 = tpu.memref_slice %arg3[%dma_start3A_437, %dma_start3A_438] : memref<100000x512xf32, #tpu.memory_space<hbm>> -> memref<100000x512xf32, #tpu.memory_space<hbm>>
    tpu.enqueue_indirect_dma source(%dma_start3A_439 : memref<100000x512xf32, #tpu.memory_space<hbm>>) target(%arg6 : memref<64x512xf32, #tpu.memory_space<vmem>>) offsets(%dma_start3A_436 : memref<64xi32, #tpu.memory_space<vmem>>) semaphore(%arg9 : memref<!tpu.dma_semaphore, #tpu.memory_space<semaphore_mem>>)
    %dma_wait3A_440 = arith.constant 7 : i32
    %dma_wait3A_441 = arith.constant 0 : i32
    %dma_wait3A_442 = tpu.memref_slice %arg5[%dma_wait3A_440, %dma_wait3A_441] : memref<16x64xi32, #tpu.memory_space<vmem>> -> memref<1x64xi32, #tpu.memory_space<vmem>>
    %dma_wait3A_443 = tpu.memref_squeeze %dma_wait3A_442 : memref<1x64xi32, #tpu.memory_space<vmem>> -> memref<64xi32, #tpu.memory_space<vmem>>
    %dma_wait3A_444 = arith.constant 0 : i32
    %dma_wait3A_445 = arith.constant 0 : i32
    %dma_wait3A_446 = tpu.memref_slice %arg3[%dma_wait3A_444, %dma_wait3A_445] : memref<100000x512xf32, #tpu.memory_space<hbm>> -> memref<100000x512xf32, #tpu.memory_space<hbm>>
    tpu.wait_indirect_dma semaphore(%arg9 : memref<!tpu.dma_semaphore, #tpu.memory_space<semaphore_mem>>) src(%dma_wait3A_446 : memref<100000x512xf32, #tpu.memory_space<hbm>>) dst(%arg7 : memref<64x512xf32, #tpu.memory_space<vmem>>)
    %add3A_447 = arith.constant 448 : i32
    %add3A_448 = arith.addi %mul3A_2, %add3A_447 : i32
    %dma_start3A_449 = arith.constant 0 : i32
    %dma_start3A_450 = tpu.memref_slice %arg4[%add3A_448, %dma_start3A_449] : memref<32768x512xf32, #tpu.memory_space<hbm>> -> memref<64x512xf32, #tpu.memory_space<hbm>>
    %dma_start3A_451 = arith.constant 0 : i32
    %dma_start3A_452 = tpu.memref_slice %arg4[%add3A_448, %dma_start3A_451] : memref<32768x512xf32, #tpu.memory_space<hbm>> -> memref<64x512xf32, #tpu.memory_space<hbm>>
    tpu.enqueue_dma source(%arg7 : memref<64x512xf32, #tpu.memory_space<vmem>>) target(%dma_start3A_452 : memref<64x512xf32, #tpu.memory_space<hbm>>) target_semaphore(%arg10 : memref<!tpu.dma_semaphore, #tpu.memory_space<semaphore_mem>>)
    %dma_wait3A_453 = arith.constant 0 : i32
    %dma_wait3A_454 = tpu.memref_slice %arg4[%add3A_448, %dma_wait3A_453] : memref<32768x512xf32, #tpu.memory_space<hbm>> -> memref<64x512xf32, #tpu.memory_space<hbm>>
    %dma_wait3A_455 = arith.constant 0 : i32
    %dma_wait3A_456 = tpu.memref_slice %arg4[%add3A_448, %dma_wait3A_455] : memref<32768x512xf32, #tpu.memory_space<hbm>> -> memref<64x512xf32, #tpu.memory_space<hbm>>
    tpu.wait_dma2 semaphore(%arg10 : memref<!tpu.dma_semaphore, #tpu.memory_space<semaphore_mem>>) src(%arg7 : memref<64x512xf32, #tpu.memory_space<vmem>>) dst(%dma_wait3A_456 : memref<64x512xf32, #tpu.memory_space<hbm>>)
    %dma_wait3A_457 = arith.constant 9 : i32
    %dma_wait3A_458 = arith.constant 0 : i32
    %dma_wait3A_459 = tpu.memref_slice %arg5[%dma_wait3A_457, %dma_wait3A_458] : memref<16x64xi32, #tpu.memory_space<vmem>> -> memref<1x64xi32, #tpu.memory_space<vmem>>
    %dma_wait3A_460 = tpu.memref_squeeze %dma_wait3A_459 : memref<1x64xi32, #tpu.memory_space<vmem>> -> memref<64xi32, #tpu.memory_space<vmem>>
    %dma_wait3A_461 = tpu.memref_slice %arg2[%add3A_102] : memref<32768xi32, #tpu.memory_space<hbm>> -> memref<64xi32, #tpu.memory_space<hbm>>
    %dma_wait3A_462 = arith.constant 0 : i32
    %dma_wait3A_463 = tpu.memref_slice %arg5[%dma_wait3A_457, %dma_wait3A_462] : memref<16x64xi32, #tpu.memory_space<vmem>> -> memref<1x64xi32, #tpu.memory_space<vmem>>
    %dma_wait3A_464 = tpu.memref_squeeze %dma_wait3A_463 : memref<1x64xi32, #tpu.memory_space<vmem>> -> memref<64xi32, #tpu.memory_space<vmem>>
    %dma_wait3A_465 = tpu.memref_slice %arg2[%add3A_102] : memref<32768xi32, #tpu.memory_space<hbm>> -> memref<64xi32, #tpu.memory_space<hbm>>
    tpu.wait_dma2 semaphore(%arg8 : memref<!tpu.dma_semaphore, #tpu.memory_space<semaphore_mem>>) src(%dma_wait3A_465 : memref<64xi32, #tpu.memory_space<hbm>>) dst(%dma_wait3A_464 : memref<64xi32, #tpu.memory_space<vmem>>)
    %dma_start3A_466 = arith.constant 9 : i32
    %dma_start3A_467 = arith.constant 0 : i32
    %dma_start3A_468 = tpu.memref_slice %arg5[%dma_start3A_466, %dma_start3A_467] : memref<16x64xi32, #tpu.memory_space<vmem>> -> memref<1x64xi32, #tpu.memory_space<vmem>>
    %dma_start3A_469 = tpu.memref_squeeze %dma_start3A_468 : memref<1x64xi32, #tpu.memory_space<vmem>> -> memref<64xi32, #tpu.memory_space<vmem>>
    %dma_start3A_470 = arith.constant 0 : i32
    %dma_start3A_471 = arith.constant 0 : i32
    %dma_start3A_472 = tpu.memref_slice %arg3[%dma_start3A_470, %dma_start3A_471] : memref<100000x512xf32, #tpu.memory_space<hbm>> -> memref<100000x512xf32, #tpu.memory_space<hbm>>
    tpu.enqueue_indirect_dma source(%dma_start3A_472 : memref<100000x512xf32, #tpu.memory_space<hbm>>) target(%arg7 : memref<64x512xf32, #tpu.memory_space<vmem>>) offsets(%dma_start3A_469 : memref<64xi32, #tpu.memory_space<vmem>>) semaphore(%arg9 : memref<!tpu.dma_semaphore, #tpu.memory_space<semaphore_mem>>)
    %dma_wait3A_473 = arith.constant 8 : i32
    %dma_wait3A_474 = arith.constant 0 : i32
    %dma_wait3A_475 = tpu.memref_slice %arg5[%dma_wait3A_473, %dma_wait3A_474] : memref<16x64xi32, #tpu.memory_space<vmem>> -> memref<1x64xi32, #tpu.memory_space<vmem>>
    %dma_wait3A_476 = tpu.memref_squeeze %dma_wait3A_475 : memref<1x64xi32, #tpu.memory_space<vmem>> -> memref<64xi32, #tpu.memory_space<vmem>>
    %dma_wait3A_477 = arith.constant 0 : i32
    %dma_wait3A_478 = arith.constant 0 : i32
    %dma_wait3A_479 = tpu.memref_slice %arg3[%dma_wait3A_477, %dma_wait3A_478] : memref<100000x512xf32, #tpu.memory_space<hbm>> -> memref<100000x512xf32, #tpu.memory_space<hbm>>
    tpu.wait_indirect_dma semaphore(%arg9 : memref<!tpu.dma_semaphore, #tpu.memory_space<semaphore_mem>>) src(%dma_wait3A_479 : memref<100000x512xf32, #tpu.memory_space<hbm>>) dst(%arg6 : memref<64x512xf32, #tpu.memory_space<vmem>>)
    %add3A_480 = arith.constant 512 : i32
    %add3A_481 = arith.addi %mul3A_2, %add3A_480 : i32
    %dma_start3A_482 = arith.constant 0 : i32
    %dma_start3A_483 = tpu.memref_slice %arg4[%add3A_481, %dma_start3A_482] : memref<32768x512xf32, #tpu.memory_space<hbm>> -> memref<64x512xf32, #tpu.memory_space<hbm>>
    %dma_start3A_484 = arith.constant 0 : i32
    %dma_start3A_485 = tpu.memref_slice %arg4[%add3A_481, %dma_start3A_484] : memref<32768x512xf32, #tpu.memory_space<hbm>> -> memref<64x512xf32, #tpu.memory_space<hbm>>
    tpu.enqueue_dma source(%arg6 : memref<64x512xf32, #tpu.memory_space<vmem>>) target(%dma_start3A_485 : memref<64x512xf32, #tpu.memory_space<hbm>>) target_semaphore(%arg10 : memref<!tpu.dma_semaphore, #tpu.memory_space<semaphore_mem>>)
    %dma_wait3A_486 = arith.constant 0 : i32
    %dma_wait3A_487 = tpu.memref_slice %arg4[%add3A_481, %dma_wait3A_486] : memref<32768x512xf32, #tpu.memory_space<hbm>> -> memref<64x512xf32, #tpu.memory_space<hbm>>
    %dma_wait3A_488 = arith.constant 0 : i32
    %dma_wait3A_489 = tpu.memref_slice %arg4[%add3A_481, %dma_wait3A_488] : memref<32768x512xf32, #tpu.memory_space<hbm>> -> memref<64x512xf32, #tpu.memory_space<hbm>>
    tpu.wait_dma2 semaphore(%arg10 : memref<!tpu.dma_semaphore, #tpu.memory_space<semaphore_mem>>) src(%arg6 : memref<64x512xf32, #tpu.memory_space<vmem>>) dst(%dma_wait3A_489 : memref<64x512xf32, #tpu.memory_space<hbm>>)
    %dma_wait3A_490 = arith.constant 10 : i32
    %dma_wait3A_491 = arith.constant 0 : i32
    %dma_wait3A_492 = tpu.memref_slice %arg5[%dma_wait3A_490, %dma_wait3A_491] : memref<16x64xi32, #tpu.memory_space<vmem>> -> memref<1x64xi32, #tpu.memory_space<vmem>>
    %dma_wait3A_493 = tpu.memref_squeeze %dma_wait3A_492 : memref<1x64xi32, #tpu.memory_space<vmem>> -> memref<64xi32, #tpu.memory_space<vmem>>
    %dma_wait3A_494 = tpu.memref_slice %arg2[%add3A_113] : memref<32768xi32, #tpu.memory_space<hbm>> -> memref<64xi32, #tpu.memory_space<hbm>>
    %dma_wait3A_495 = arith.constant 0 : i32
    %dma_wait3A_496 = tpu.memref_slice %arg5[%dma_wait3A_490, %dma_wait3A_495] : memref<16x64xi32, #tpu.memory_space<vmem>> -> memref<1x64xi32, #tpu.memory_space<vmem>>
    %dma_wait3A_497 = tpu.memref_squeeze %dma_wait3A_496 : memref<1x64xi32, #tpu.memory_space<vmem>> -> memref<64xi32, #tpu.memory_space<vmem>>
    %dma_wait3A_498 = tpu.memref_slice %arg2[%add3A_113] : memref<32768xi32, #tpu.memory_space<hbm>> -> memref<64xi32, #tpu.memory_space<hbm>>
    tpu.wait_dma2 semaphore(%arg8 : memref<!tpu.dma_semaphore, #tpu.memory_space<semaphore_mem>>) src(%dma_wait3A_498 : memref<64xi32, #tpu.memory_space<hbm>>) dst(%dma_wait3A_497 : memref<64xi32, #tpu.memory_space<vmem>>)
    %dma_start3A_499 = arith.constant 10 : i32
    %dma_start3A_500 = arith.constant 0 : i32
    %dma_start3A_501 = tpu.memref_slice %arg5[%dma_start3A_499, %dma_start3A_500] : memref<16x64xi32, #tpu.memory_space<vmem>> -> memref<1x64xi32, #tpu.memory_space<vmem>>
    %dma_start3A_502 = tpu.memref_squeeze %dma_start3A_501 : memref<1x64xi32, #tpu.memory_space<vmem>> -> memref<64xi32, #tpu.memory_space<vmem>>
    %dma_start3A_503 = arith.constant 0 : i32
    %dma_start3A_504 = arith.constant 0 : i32
    %dma_start3A_505 = tpu.memref_slice %arg3[%dma_start3A_503, %dma_start3A_504] : memref<100000x512xf32, #tpu.memory_space<hbm>> -> memref<100000x512xf32, #tpu.memory_space<hbm>>
    tpu.enqueue_indirect_dma source(%dma_start3A_505 : memref<100000x512xf32, #tpu.memory_space<hbm>>) target(%arg6 : memref<64x512xf32, #tpu.memory_space<vmem>>) offsets(%dma_start3A_502 : memref<64xi32, #tpu.memory_space<vmem>>) semaphore(%arg9 : memref<!tpu.dma_semaphore, #tpu.memory_space<semaphore_mem>>)
    %dma_wait3A_506 = arith.constant 9 : i32
    %dma_wait3A_507 = arith.constant 0 : i32
    %dma_wait3A_508 = tpu.memref_slice %arg5[%dma_wait3A_506, %dma_wait3A_507] : memref<16x64xi32, #tpu.memory_space<vmem>> -> memref<1x64xi32, #tpu.memory_space<vmem>>
    %dma_wait3A_509 = tpu.memref_squeeze %dma_wait3A_508 : memref<1x64xi32, #tpu.memory_space<vmem>> -> memref<64xi32, #tpu.memory_space<vmem>>
    %dma_wait3A_510 = arith.constant 0 : i32
    %dma_wait3A_511 = arith.constant 0 : i32
    %dma_wait3A_512 = tpu.memref_slice %arg3[%dma_wait3A_510, %dma_wait3A_511] : memref<100000x512xf32, #tpu.memory_space<hbm>> -> memref<100000x512xf32, #tpu.memory_space<hbm>>
    tpu.wait_indirect_dma semaphore(%arg9 : memref<!tpu.dma_semaphore, #tpu.memory_space<semaphore_mem>>) src(%dma_wait3A_512 : memref<100000x512xf32, #tpu.memory_space<hbm>>) dst(%arg7 : memref<64x512xf32, #tpu.memory_space<vmem>>)
    %add3A_513 = arith.constant 576 : i32
    %add3A_514 = arith.addi %mul3A_2, %add3A_513 : i32
    %dma_start3A_515 = arith.constant 0 : i32
    %dma_start3A_516 = tpu.memref_slice %arg4[%add3A_514, %dma_start3A_515] : memref<32768x512xf32, #tpu.memory_space<hbm>> -> memref<64x512xf32, #tpu.memory_space<hbm>>
    %dma_start3A_517 = arith.constant 0 : i32
    %dma_start3A_518 = tpu.memref_slice %arg4[%add3A_514, %dma_start3A_517] : memref<32768x512xf32, #tpu.memory_space<hbm>> -> memref<64x512xf32, #tpu.memory_space<hbm>>
    tpu.enqueue_dma source(%arg7 : memref<64x512xf32, #tpu.memory_space<vmem>>) target(%dma_start3A_518 : memref<64x512xf32, #tpu.memory_space<hbm>>) target_semaphore(%arg10 : memref<!tpu.dma_semaphore, #tpu.memory_space<semaphore_mem>>)
    %dma_wait3A_519 = arith.constant 0 : i32
    %dma_wait3A_520 = tpu.memref_slice %arg4[%add3A_514, %dma_wait3A_519] : memref<32768x512xf32, #tpu.memory_space<hbm>> -> memref<64x512xf32, #tpu.memory_space<hbm>>
    %dma_wait3A_521 = arith.constant 0 : i32
    %dma_wait3A_522 = tpu.memref_slice %arg4[%add3A_514, %dma_wait3A_521] : memref<32768x512xf32, #tpu.memory_space<hbm>> -> memref<64x512xf32, #tpu.memory_space<hbm>>
    tpu.wait_dma2 semaphore(%arg10 : memref<!tpu.dma_semaphore, #tpu.memory_space<semaphore_mem>>) src(%arg7 : memref<64x512xf32, #tpu.memory_space<vmem>>) dst(%dma_wait3A_522 : memref<64x512xf32, #tpu.memory_space<hbm>>)
    %dma_wait3A_523 = arith.constant 11 : i32
    %dma_wait3A_524 = arith.constant 0 : i32
    %dma_wait3A_525 = tpu.memref_slice %arg5[%dma_wait3A_523, %dma_wait3A_524] : memref<16x64xi32, #tpu.memory_space<vmem>> -> memref<1x64xi32, #tpu.memory_space<vmem>>
    %dma_wait3A_526 = tpu.memref_squeeze %dma_wait3A_525 : memref<1x64xi32, #tpu.memory_space<vmem>> -> memref<64xi32, #tpu.memory_space<vmem>>
    %dma_wait3A_527 = tpu.memref_slice %arg2[%add3A_124] : memref<32768xi32, #tpu.memory_space<hbm>> -> memref<64xi32, #tpu.memory_space<hbm>>
    %dma_wait3A_528 = arith.constant 0 : i32
    %dma_wait3A_529 = tpu.memref_slice %arg5[%dma_wait3A_523, %dma_wait3A_528] : memref<16x64xi32, #tpu.memory_space<vmem>> -> memref<1x64xi32, #tpu.memory_space<vmem>>
    %dma_wait3A_530 = tpu.memref_squeeze %dma_wait3A_529 : memref<1x64xi32, #tpu.memory_space<vmem>> -> memref<64xi32, #tpu.memory_space<vmem>>
    %dma_wait3A_531 = tpu.memref_slice %arg2[%add3A_124] : memref<32768xi32, #tpu.memory_space<hbm>> -> memref<64xi32, #tpu.memory_space<hbm>>
    tpu.wait_dma2 semaphore(%arg8 : memref<!tpu.dma_semaphore, #tpu.memory_space<semaphore_mem>>) src(%dma_wait3A_531 : memref<64xi32, #tpu.memory_space<hbm>>) dst(%dma_wait3A_530 : memref<64xi32, #tpu.memory_space<vmem>>)
    %dma_start3A_532 = arith.constant 11 : i32
    %dma_start3A_533 = arith.constant 0 : i32
    %dma_start3A_534 = tpu.memref_slice %arg5[%dma_start3A_532, %dma_start3A_533] : memref<16x64xi32, #tpu.memory_space<vmem>> -> memref<1x64xi32, #tpu.memory_space<vmem>>
    %dma_start3A_535 = tpu.memref_squeeze %dma_start3A_534 : memref<1x64xi32, #tpu.memory_space<vmem>> -> memref<64xi32, #tpu.memory_space<vmem>>
    %dma_start3A_536 = arith.constant 0 : i32
    %dma_start3A_537 = arith.constant 0 : i32
    %dma_start3A_538 = tpu.memref_slice %arg3[%dma_start3A_536, %dma_start3A_537] : memref<100000x512xf32, #tpu.memory_space<hbm>> -> memref<100000x512xf32, #tpu.memory_space<hbm>>
    tpu.enqueue_indirect_dma source(%dma_start3A_538 : memref<100000x512xf32, #tpu.memory_space<hbm>>) target(%arg7 : memref<64x512xf32, #tpu.memory_space<vmem>>) offsets(%dma_start3A_535 : memref<64xi32, #tpu.memory_space<vmem>>) semaphore(%arg9 : memref<!tpu.dma_semaphore, #tpu.memory_space<semaphore_mem>>)
    %dma_wait3A_539 = arith.constant 10 : i32
    %dma_wait3A_540 = arith.constant 0 : i32
    %dma_wait3A_541 = tpu.memref_slice %arg5[%dma_wait3A_539, %dma_wait3A_540] : memref<16x64xi32, #tpu.memory_space<vmem>> -> memref<1x64xi32, #tpu.memory_space<vmem>>
    %dma_wait3A_542 = tpu.memref_squeeze %dma_wait3A_541 : memref<1x64xi32, #tpu.memory_space<vmem>> -> memref<64xi32, #tpu.memory_space<vmem>>
    %dma_wait3A_543 = arith.constant 0 : i32
    %dma_wait3A_544 = arith.constant 0 : i32
    %dma_wait3A_545 = tpu.memref_slice %arg3[%dma_wait3A_543, %dma_wait3A_544] : memref<100000x512xf32, #tpu.memory_space<hbm>> -> memref<100000x512xf32, #tpu.memory_space<hbm>>
    tpu.wait_indirect_dma semaphore(%arg9 : memref<!tpu.dma_semaphore, #tpu.memory_space<semaphore_mem>>) src(%dma_wait3A_545 : memref<100000x512xf32, #tpu.memory_space<hbm>>) dst(%arg6 : memref<64x512xf32, #tpu.memory_space<vmem>>)
    %add3A_546 = arith.constant 640 : i32
    %add3A_547 = arith.addi %mul3A_2, %add3A_546 : i32
    %dma_start3A_548 = arith.constant 0 : i32
    %dma_start3A_549 = tpu.memref_slice %arg4[%add3A_547, %dma_start3A_548] : memref<32768x512xf32, #tpu.memory_space<hbm>> -> memref<64x512xf32, #tpu.memory_space<hbm>>
    %dma_start3A_550 = arith.constant 0 : i32
    %dma_start3A_551 = tpu.memref_slice %arg4[%add3A_547, %dma_start3A_550] : memref<32768x512xf32, #tpu.memory_space<hbm>> -> memref<64x512xf32, #tpu.memory_space<hbm>>
    tpu.enqueue_dma source(%arg6 : memref<64x512xf32, #tpu.memory_space<vmem>>) target(%dma_start3A_551 : memref<64x512xf32, #tpu.memory_space<hbm>>) target_semaphore(%arg10 : memref<!tpu.dma_semaphore, #tpu.memory_space<semaphore_mem>>)
    %dma_wait3A_552 = arith.constant 0 : i32
    %dma_wait3A_553 = tpu.memref_slice %arg4[%add3A_547, %dma_wait3A_552] : memref<32768x512xf32, #tpu.memory_space<hbm>> -> memref<64x512xf32, #tpu.memory_space<hbm>>
    %dma_wait3A_554 = arith.constant 0 : i32
    %dma_wait3A_555 = tpu.memref_slice %arg4[%add3A_547, %dma_wait3A_554] : memref<32768x512xf32, #tpu.memory_space<hbm>> -> memref<64x512xf32, #tpu.memory_space<hbm>>
    tpu.wait_dma2 semaphore(%arg10 : memref<!tpu.dma_semaphore, #tpu.memory_space<semaphore_mem>>) src(%arg6 : memref<64x512xf32, #tpu.memory_space<vmem>>) dst(%dma_wait3A_555 : memref<64x512xf32, #tpu.memory_space<hbm>>)
    %dma_wait3A_556 = arith.constant 12 : i32
    %dma_wait3A_557 = arith.constant 0 : i32
    %dma_wait3A_558 = tpu.memref_slice %arg5[%dma_wait3A_556, %dma_wait3A_557] : memref<16x64xi32, #tpu.memory_space<vmem>> -> memref<1x64xi32, #tpu.memory_space<vmem>>
    %dma_wait3A_559 = tpu.memref_squeeze %dma_wait3A_558 : memref<1x64xi32, #tpu.memory_space<vmem>> -> memref<64xi32, #tpu.memory_space<vmem>>
    %dma_wait3A_560 = tpu.memref_slice %arg2[%add3A_135] : memref<32768xi32, #tpu.memory_space<hbm>> -> memref<64xi32, #tpu.memory_space<hbm>>
    %dma_wait3A_561 = arith.constant 0 : i32
    %dma_wait3A_562 = tpu.memref_slice %arg5[%dma_wait3A_556, %dma_wait3A_561] : memref<16x64xi32, #tpu.memory_space<vmem>> -> memref<1x64xi32, #tpu.memory_space<vmem>>
    %dma_wait3A_563 = tpu.memref_squeeze %dma_wait3A_562 : memref<1x64xi32, #tpu.memory_space<vmem>> -> memref<64xi32, #tpu.memory_space<vmem>>
    %dma_wait3A_564 = tpu.memref_slice %arg2[%add3A_135] : memref<32768xi32, #tpu.memory_space<hbm>> -> memref<64xi32, #tpu.memory_space<hbm>>
    tpu.wait_dma2 semaphore(%arg8 : memref<!tpu.dma_semaphore, #tpu.memory_space<semaphore_mem>>) src(%dma_wait3A_564 : memref<64xi32, #tpu.memory_space<hbm>>) dst(%dma_wait3A_563 : memref<64xi32, #tpu.memory_space<vmem>>)
    %dma_start3A_565 = arith.constant 12 : i32
    %dma_start3A_566 = arith.constant 0 : i32
    %dma_start3A_567 = tpu.memref_slice %arg5[%dma_start3A_565, %dma_start3A_566] : memref<16x64xi32, #tpu.memory_space<vmem>> -> memref<1x64xi32, #tpu.memory_space<vmem>>
    %dma_start3A_568 = tpu.memref_squeeze %dma_start3A_567 : memref<1x64xi32, #tpu.memory_space<vmem>> -> memref<64xi32, #tpu.memory_space<vmem>>
    %dma_start3A_569 = arith.constant 0 : i32
    %dma_start3A_570 = arith.constant 0 : i32
    %dma_start3A_571 = tpu.memref_slice %arg3[%dma_start3A_569, %dma_start3A_570] : memref<100000x512xf32, #tpu.memory_space<hbm>> -> memref<100000x512xf32, #tpu.memory_space<hbm>>
    tpu.enqueue_indirect_dma source(%dma_start3A_571 : memref<100000x512xf32, #tpu.memory_space<hbm>>) target(%arg6 : memref<64x512xf32, #tpu.memory_space<vmem>>) offsets(%dma_start3A_568 : memref<64xi32, #tpu.memory_space<vmem>>) semaphore(%arg9 : memref<!tpu.dma_semaphore, #tpu.memory_space<semaphore_mem>>)
    %dma_wait3A_572 = arith.constant 11 : i32
    %dma_wait3A_573 = arith.constant 0 : i32
    %dma_wait3A_574 = tpu.memref_slice %arg5[%dma_wait3A_572, %dma_wait3A_573] : memref<16x64xi32, #tpu.memory_space<vmem>> -> memref<1x64xi32, #tpu.memory_space<vmem>>
    %dma_wait3A_575 = tpu.memref_squeeze %dma_wait3A_574 : memref<1x64xi32, #tpu.memory_space<vmem>> -> memref<64xi32, #tpu.memory_space<vmem>>
    %dma_wait3A_576 = arith.constant 0 : i32
    %dma_wait3A_577 = arith.constant 0 : i32
    %dma_wait3A_578 = tpu.memref_slice %arg3[%dma_wait3A_576, %dma_wait3A_577] : memref<100000x512xf32, #tpu.memory_space<hbm>> -> memref<100000x512xf32, #tpu.memory_space<hbm>>
    tpu.wait_indirect_dma semaphore(%arg9 : memref<!tpu.dma_semaphore, #tpu.memory_space<semaphore_mem>>) src(%dma_wait3A_578 : memref<100000x512xf32, #tpu.memory_space<hbm>>) dst(%arg7 : memref<64x512xf32, #tpu.memory_space<vmem>>)
    %add3A_579 = arith.constant 704 : i32
    %add3A_580 = arith.addi %mul3A_2, %add3A_579 : i32
    %dma_start3A_581 = arith.constant 0 : i32
    %dma_start3A_582 = tpu.memref_slice %arg4[%add3A_580, %dma_start3A_581] : memref<32768x512xf32, #tpu.memory_space<hbm>> -> memref<64x512xf32, #tpu.memory_space<hbm>>
    %dma_start3A_583 = arith.constant 0 : i32
    %dma_start3A_584 = tpu.memref_slice %arg4[%add3A_580, %dma_start3A_583] : memref<32768x512xf32, #tpu.memory_space<hbm>> -> memref<64x512xf32, #tpu.memory_space<hbm>>
    tpu.enqueue_dma source(%arg7 : memref<64x512xf32, #tpu.memory_space<vmem>>) target(%dma_start3A_584 : memref<64x512xf32, #tpu.memory_space<hbm>>) target_semaphore(%arg10 : memref<!tpu.dma_semaphore, #tpu.memory_space<semaphore_mem>>)
    %dma_wait3A_585 = arith.constant 0 : i32
    %dma_wait3A_586 = tpu.memref_slice %arg4[%add3A_580, %dma_wait3A_585] : memref<32768x512xf32, #tpu.memory_space<hbm>> -> memref<64x512xf32, #tpu.memory_space<hbm>>
    %dma_wait3A_587 = arith.constant 0 : i32
    %dma_wait3A_588 = tpu.memref_slice %arg4[%add3A_580, %dma_wait3A_587] : memref<32768x512xf32, #tpu.memory_space<hbm>> -> memref<64x512xf32, #tpu.memory_space<hbm>>
    tpu.wait_dma2 semaphore(%arg10 : memref<!tpu.dma_semaphore, #tpu.memory_space<semaphore_mem>>) src(%arg7 : memref<64x512xf32, #tpu.memory_space<vmem>>) dst(%dma_wait3A_588 : memref<64x512xf32, #tpu.memory_space<hbm>>)
    %dma_wait3A_589 = arith.constant 13 : i32
    %dma_wait3A_590 = arith.constant 0 : i32
    %dma_wait3A_591 = tpu.memref_slice %arg5[%dma_wait3A_589, %dma_wait3A_590] : memref<16x64xi32, #tpu.memory_space<vmem>> -> memref<1x64xi32, #tpu.memory_space<vmem>>
    %dma_wait3A_592 = tpu.memref_squeeze %dma_wait3A_591 : memref<1x64xi32, #tpu.memory_space<vmem>> -> memref<64xi32, #tpu.memory_space<vmem>>
    %dma_wait3A_593 = tpu.memref_slice %arg2[%add3A_146] : memref<32768xi32, #tpu.memory_space<hbm>> -> memref<64xi32, #tpu.memory_space<hbm>>
    %dma_wait3A_594 = arith.constant 0 : i32
    %dma_wait3A_595 = tpu.memref_slice %arg5[%dma_wait3A_589, %dma_wait3A_594] : memref<16x64xi32, #tpu.memory_space<vmem>> -> memref<1x64xi32, #tpu.memory_space<vmem>>
    %dma_wait3A_596 = tpu.memref_squeeze %dma_wait3A_595 : memref<1x64xi32, #tpu.memory_space<vmem>> -> memref<64xi32, #tpu.memory_space<vmem>>
    %dma_wait3A_597 = tpu.memref_slice %arg2[%add3A_146] : memref<32768xi32, #tpu.memory_space<hbm>> -> memref<64xi32, #tpu.memory_space<hbm>>
    tpu.wait_dma2 semaphore(%arg8 : memref<!tpu.dma_semaphore, #tpu.memory_space<semaphore_mem>>) src(%dma_wait3A_597 : memref<64xi32, #tpu.memory_space<hbm>>) dst(%dma_wait3A_596 : memref<64xi32, #tpu.memory_space<vmem>>)
    %dma_start3A_598 = arith.constant 13 : i32
    %dma_start3A_599 = arith.constant 0 : i32
    %dma_start3A_600 = tpu.memref_slice %arg5[%dma_start3A_598, %dma_start3A_599] : memref<16x64xi32, #tpu.memory_space<vmem>> -> memref<1x64xi32, #tpu.memory_space<vmem>>
    %dma_start3A_601 = tpu.memref_squeeze %dma_start3A_600 : memref<1x64xi32, #tpu.memory_space<vmem>> -> memref<64xi32, #tpu.memory_space<vmem>>
    %dma_start3A_602 = arith.constant 0 : i32
    %dma_start3A_603 = arith.constant 0 : i32
    %dma_start3A_604 = tpu.memref_slice %arg3[%dma_start3A_602, %dma_start3A_603] : memref<100000x512xf32, #tpu.memory_space<hbm>> -> memref<100000x512xf32, #tpu.memory_space<hbm>>
    tpu.enqueue_indirect_dma source(%dma_start3A_604 : memref<100000x512xf32, #tpu.memory_space<hbm>>) target(%arg7 : memref<64x512xf32, #tpu.memory_space<vmem>>) offsets(%dma_start3A_601 : memref<64xi32, #tpu.memory_space<vmem>>) semaphore(%arg9 : memref<!tpu.dma_semaphore, #tpu.memory_space<semaphore_mem>>)
    %dma_wait3A_605 = arith.constant 12 : i32
    %dma_wait3A_606 = arith.constant 0 : i32
    %dma_wait3A_607 = tpu.memref_slice %arg5[%dma_wait3A_605, %dma_wait3A_606] : memref<16x64xi32, #tpu.memory_space<vmem>> -> memref<1x64xi32, #tpu.memory_space<vmem>>
    %dma_wait3A_608 = tpu.memref_squeeze %dma_wait3A_607 : memref<1x64xi32, #tpu.memory_space<vmem>> -> memref<64xi32, #tpu.memory_space<vmem>>
    %dma_wait3A_609 = arith.constant 0 : i32
    %dma_wait3A_610 = arith.constant 0 : i32
    %dma_wait3A_611 = tpu.memref_slice %arg3[%dma_wait3A_609, %dma_wait3A_610] : memref<100000x512xf32, #tpu.memory_space<hbm>> -> memref<100000x512xf32, #tpu.memory_space<hbm>>
    tpu.wait_indirect_dma semaphore(%arg9 : memref<!tpu.dma_semaphore, #tpu.memory_space<semaphore_mem>>) src(%dma_wait3A_611 : memref<100000x512xf32, #tpu.memory_space<hbm>>) dst(%arg6 : memref<64x512xf32, #tpu.memory_space<vmem>>)
    %add3A_612 = arith.constant 768 : i32
    %add3A_613 = arith.addi %mul3A_2, %add3A_612 : i32
    %dma_start3A_614 = arith.constant 0 : i32
    %dma_start3A_615 = tpu.memref_slice %arg4[%add3A_613, %dma_start3A_614] : memref<32768x512xf32, #tpu.memory_space<hbm>> -> memref<64x512xf32, #tpu.memory_space<hbm>>
    %dma_start3A_616 = arith.constant 0 : i32
    %dma_start3A_617 = tpu.memref_slice %arg4[%add3A_613, %dma_start3A_616] : memref<32768x512xf32, #tpu.memory_space<hbm>> -> memref<64x512xf32, #tpu.memory_space<hbm>>
    tpu.enqueue_dma source(%arg6 : memref<64x512xf32, #tpu.memory_space<vmem>>) target(%dma_start3A_617 : memref<64x512xf32, #tpu.memory_space<hbm>>) target_semaphore(%arg10 : memref<!tpu.dma_semaphore, #tpu.memory_space<semaphore_mem>>)
    %dma_wait3A_618 = arith.constant 0 : i32
    %dma_wait3A_619 = tpu.memref_slice %arg4[%add3A_613, %dma_wait3A_618] : memref<32768x512xf32, #tpu.memory_space<hbm>> -> memref<64x512xf32, #tpu.memory_space<hbm>>
    %dma_wait3A_620 = arith.constant 0 : i32
    %dma_wait3A_621 = tpu.memref_slice %arg4[%add3A_613, %dma_wait3A_620] : memref<32768x512xf32, #tpu.memory_space<hbm>> -> memref<64x512xf32, #tpu.memory_space<hbm>>
    tpu.wait_dma2 semaphore(%arg10 : memref<!tpu.dma_semaphore, #tpu.memory_space<semaphore_mem>>) src(%arg6 : memref<64x512xf32, #tpu.memory_space<vmem>>) dst(%dma_wait3A_621 : memref<64x512xf32, #tpu.memory_space<hbm>>)
    %dma_wait3A_622 = arith.constant 14 : i32
    %dma_wait3A_623 = arith.constant 0 : i32
    %dma_wait3A_624 = tpu.memref_slice %arg5[%dma_wait3A_622, %dma_wait3A_623] : memref<16x64xi32, #tpu.memory_space<vmem>> -> memref<1x64xi32, #tpu.memory_space<vmem>>
    %dma_wait3A_625 = tpu.memref_squeeze %dma_wait3A_624 : memref<1x64xi32, #tpu.memory_space<vmem>> -> memref<64xi32, #tpu.memory_space<vmem>>
    %dma_wait3A_626 = tpu.memref_slice %arg2[%add3A_157] : memref<32768xi32, #tpu.memory_space<hbm>> -> memref<64xi32, #tpu.memory_space<hbm>>
    %dma_wait3A_627 = arith.constant 0 : i32
    %dma_wait3A_628 = tpu.memref_slice %arg5[%dma_wait3A_622, %dma_wait3A_627] : memref<16x64xi32, #tpu.memory_space<vmem>> -> memref<1x64xi32, #tpu.memory_space<vmem>>
    %dma_wait3A_629 = tpu.memref_squeeze %dma_wait3A_628 : memref<1x64xi32, #tpu.memory_space<vmem>> -> memref<64xi32, #tpu.memory_space<vmem>>
    %dma_wait3A_630 = tpu.memref_slice %arg2[%add3A_157] : memref<32768xi32, #tpu.memory_space<hbm>> -> memref<64xi32, #tpu.memory_space<hbm>>
    tpu.wait_dma2 semaphore(%arg8 : memref<!tpu.dma_semaphore, #tpu.memory_space<semaphore_mem>>) src(%dma_wait3A_630 : memref<64xi32, #tpu.memory_space<hbm>>) dst(%dma_wait3A_629 : memref<64xi32, #tpu.memory_space<vmem>>)
    %dma_start3A_631 = arith.constant 14 : i32
    %dma_start3A_632 = arith.constant 0 : i32
    %dma_start3A_633 = tpu.memref_slice %arg5[%dma_start3A_631, %dma_start3A_632] : memref<16x64xi32, #tpu.memory_space<vmem>> -> memref<1x64xi32, #tpu.memory_space<vmem>>
    %dma_start3A_634 = tpu.memref_squeeze %dma_start3A_633 : memref<1x64xi32, #tpu.memory_space<vmem>> -> memref<64xi32, #tpu.memory_space<vmem>>
    %dma_start3A_635 = arith.constant 0 : i32
    %dma_start3A_636 = arith.constant 0 : i32
    %dma_start3A_637 = tpu.memref_slice %arg3[%dma_start3A_635, %dma_start3A_636] : memref<100000x512xf32, #tpu.memory_space<hbm>> -> memref<100000x512xf32, #tpu.memory_space<hbm>>
    tpu.enqueue_indirect_dma source(%dma_start3A_637 : memref<100000x512xf32, #tpu.memory_space<hbm>>) target(%arg6 : memref<64x512xf32, #tpu.memory_space<vmem>>) offsets(%dma_start3A_634 : memref<64xi32, #tpu.memory_space<vmem>>) semaphore(%arg9 : memref<!tpu.dma_semaphore, #tpu.memory_space<semaphore_mem>>)
    %dma_wait3A_638 = arith.constant 13 : i32
    %dma_wait3A_639 = arith.constant 0 : i32
    %dma_wait3A_640 = tpu.memref_slice %arg5[%dma_wait3A_638, %dma_wait3A_639] : memref<16x64xi32, #tpu.memory_space<vmem>> -> memref<1x64xi32, #tpu.memory_space<vmem>>
    %dma_wait3A_641 = tpu.memref_squeeze %dma_wait3A_640 : memref<1x64xi32, #tpu.memory_space<vmem>> -> memref<64xi32, #tpu.memory_space<vmem>>
    %dma_wait3A_642 = arith.constant 0 : i32
    %dma_wait3A_643 = arith.constant 0 : i32
    %dma_wait3A_644 = tpu.memref_slice %arg3[%dma_wait3A_642, %dma_wait3A_643] : memref<100000x512xf32, #tpu.memory_space<hbm>> -> memref<100000x512xf32, #tpu.memory_space<hbm>>
    tpu.wait_indirect_dma semaphore(%arg9 : memref<!tpu.dma_semaphore, #tpu.memory_space<semaphore_mem>>) src(%dma_wait3A_644 : memref<100000x512xf32, #tpu.memory_space<hbm>>) dst(%arg7 : memref<64x512xf32, #tpu.memory_space<vmem>>)
    %add3A_645 = arith.constant 832 : i32
    %add3A_646 = arith.addi %mul3A_2, %add3A_645 : i32
    %dma_start3A_647 = arith.constant 0 : i32
    %dma_start3A_648 = tpu.memref_slice %arg4[%add3A_646, %dma_start3A_647] : memref<32768x512xf32, #tpu.memory_space<hbm>> -> memref<64x512xf32, #tpu.memory_space<hbm>>
    %dma_start3A_649 = arith.constant 0 : i32
    %dma_start3A_650 = tpu.memref_slice %arg4[%add3A_646, %dma_start3A_649] : memref<32768x512xf32, #tpu.memory_space<hbm>> -> memref<64x512xf32, #tpu.memory_space<hbm>>
    tpu.enqueue_dma source(%arg7 : memref<64x512xf32, #tpu.memory_space<vmem>>) target(%dma_start3A_650 : memref<64x512xf32, #tpu.memory_space<hbm>>) target_semaphore(%arg10 : memref<!tpu.dma_semaphore, #tpu.memory_space<semaphore_mem>>)
    %dma_wait3A_651 = arith.constant 0 : i32
    %dma_wait3A_652 = tpu.memref_slice %arg4[%add3A_646, %dma_wait3A_651] : memref<32768x512xf32, #tpu.memory_space<hbm>> -> memref<64x512xf32, #tpu.memory_space<hbm>>
    %dma_wait3A_653 = arith.constant 0 : i32
    %dma_wait3A_654 = tpu.memref_slice %arg4[%add3A_646, %dma_wait3A_653] : memref<32768x512xf32, #tpu.memory_space<hbm>> -> memref<64x512xf32, #tpu.memory_space<hbm>>
    tpu.wait_dma2 semaphore(%arg10 : memref<!tpu.dma_semaphore, #tpu.memory_space<semaphore_mem>>) src(%arg7 : memref<64x512xf32, #tpu.memory_space<vmem>>) dst(%dma_wait3A_654 : memref<64x512xf32, #tpu.memory_space<hbm>>)
    %dma_wait3A_655 = arith.constant 15 : i32
    %dma_wait3A_656 = arith.constant 0 : i32
    %dma_wait3A_657 = tpu.memref_slice %arg5[%dma_wait3A_655, %dma_wait3A_656] : memref<16x64xi32, #tpu.memory_space<vmem>> -> memref<1x64xi32, #tpu.memory_space<vmem>>
    %dma_wait3A_658 = tpu.memref_squeeze %dma_wait3A_657 : memref<1x64xi32, #tpu.memory_space<vmem>> -> memref<64xi32, #tpu.memory_space<vmem>>
    %dma_wait3A_659 = tpu.memref_slice %arg2[%add3A_168] : memref<32768xi32, #tpu.memory_space<hbm>> -> memref<64xi32, #tpu.memory_space<hbm>>
    %dma_wait3A_660 = arith.constant 0 : i32
    %dma_wait3A_661 = tpu.memref_slice %arg5[%dma_wait3A_655, %dma_wait3A_660] : memref<16x64xi32, #tpu.memory_space<vmem>> -> memref<1x64xi32, #tpu.memory_space<vmem>>
    %dma_wait3A_662 = tpu.memref_squeeze %dma_wait3A_661 : memref<1x64xi32, #tpu.memory_space<vmem>> -> memref<64xi32, #tpu.memory_space<vmem>>
    %dma_wait3A_663 = tpu.memref_slice %arg2[%add3A_168] : memref<32768xi32, #tpu.memory_space<hbm>> -> memref<64xi32, #tpu.memory_space<hbm>>
    tpu.wait_dma2 semaphore(%arg8 : memref<!tpu.dma_semaphore, #tpu.memory_space<semaphore_mem>>) src(%dma_wait3A_663 : memref<64xi32, #tpu.memory_space<hbm>>) dst(%dma_wait3A_662 : memref<64xi32, #tpu.memory_space<vmem>>)
    %dma_start3A_664 = arith.constant 15 : i32
    %dma_start3A_665 = arith.constant 0 : i32
    %dma_start3A_666 = tpu.memref_slice %arg5[%dma_start3A_664, %dma_start3A_665] : memref<16x64xi32, #tpu.memory_space<vmem>> -> memref<1x64xi32, #tpu.memory_space<vmem>>
    %dma_start3A_667 = tpu.memref_squeeze %dma_start3A_666 : memref<1x64xi32, #tpu.memory_space<vmem>> -> memref<64xi32, #tpu.memory_space<vmem>>
    %dma_start3A_668 = arith.constant 0 : i32
    %dma_start3A_669 = arith.constant 0 : i32
    %dma_start3A_670 = tpu.memref_slice %arg3[%dma_start3A_668, %dma_start3A_669] : memref<100000x512xf32, #tpu.memory_space<hbm>> -> memref<100000x512xf32, #tpu.memory_space<hbm>>
    tpu.enqueue_indirect_dma source(%dma_start3A_670 : memref<100000x512xf32, #tpu.memory_space<hbm>>) target(%arg7 : memref<64x512xf32, #tpu.memory_space<vmem>>) offsets(%dma_start3A_667 : memref<64xi32, #tpu.memory_space<vmem>>) semaphore(%arg9 : memref<!tpu.dma_semaphore, #tpu.memory_space<semaphore_mem>>)
    %dma_wait3A_671 = arith.constant 14 : i32
    %dma_wait3A_672 = arith.constant 0 : i32
    %dma_wait3A_673 = tpu.memref_slice %arg5[%dma_wait3A_671, %dma_wait3A_672] : memref<16x64xi32, #tpu.memory_space<vmem>> -> memref<1x64xi32, #tpu.memory_space<vmem>>
    %dma_wait3A_674 = tpu.memref_squeeze %dma_wait3A_673 : memref<1x64xi32, #tpu.memory_space<vmem>> -> memref<64xi32, #tpu.memory_space<vmem>>
    %dma_wait3A_675 = arith.constant 0 : i32
    %dma_wait3A_676 = arith.constant 0 : i32
    %dma_wait3A_677 = tpu.memref_slice %arg3[%dma_wait3A_675, %dma_wait3A_676] : memref<100000x512xf32, #tpu.memory_space<hbm>> -> memref<100000x512xf32, #tpu.memory_space<hbm>>
    tpu.wait_indirect_dma semaphore(%arg9 : memref<!tpu.dma_semaphore, #tpu.memory_space<semaphore_mem>>) src(%dma_wait3A_677 : memref<100000x512xf32, #tpu.memory_space<hbm>>) dst(%arg6 : memref<64x512xf32, #tpu.memory_space<vmem>>)
    %add3A_678 = arith.constant 896 : i32
    %add3A_679 = arith.addi %mul3A_2, %add3A_678 : i32
    %dma_start3A_680 = arith.constant 0 : i32
    %dma_start3A_681 = tpu.memref_slice %arg4[%add3A_679, %dma_start3A_680] : memref<32768x512xf32, #tpu.memory_space<hbm>> -> memref<64x512xf32, #tpu.memory_space<hbm>>
    %dma_start3A_682 = arith.constant 0 : i32
    %dma_start3A_683 = tpu.memref_slice %arg4[%add3A_679, %dma_start3A_682] : memref<32768x512xf32, #tpu.memory_space<hbm>> -> memref<64x512xf32, #tpu.memory_space<hbm>>
    tpu.enqueue_dma source(%arg6 : memref<64x512xf32, #tpu.memory_space<vmem>>) target(%dma_start3A_683 : memref<64x512xf32, #tpu.memory_space<hbm>>) target_semaphore(%arg10 : memref<!tpu.dma_semaphore, #tpu.memory_space<semaphore_mem>>)
    %dma_wait3A_684 = arith.constant 15 : i32
    %dma_wait3A_685 = arith.constant 0 : i32
    %dma_wait3A_686 = tpu.memref_slice %arg5[%dma_wait3A_684, %dma_wait3A_685] : memref<16x64xi32, #tpu.memory_space<vmem>> -> memref<1x64xi32, #tpu.memory_space<vmem>>
    %dma_wait3A_687 = tpu.memref_squeeze %dma_wait3A_686 : memref<1x64xi32, #tpu.memory_space<vmem>> -> memref<64xi32, #tpu.memory_space<vmem>>
    %dma_wait3A_688 = arith.constant 0 : i32
    %dma_wait3A_689 = arith.constant 0 : i32
    %dma_wait3A_690 = tpu.memref_slice %arg3[%dma_wait3A_688, %dma_wait3A_689] : memref<100000x512xf32, #tpu.memory_space<hbm>> -> memref<100000x512xf32, #tpu.memory_space<hbm>>
    tpu.wait_indirect_dma semaphore(%arg9 : memref<!tpu.dma_semaphore, #tpu.memory_space<semaphore_mem>>) src(%dma_wait3A_690 : memref<100000x512xf32, #tpu.memory_space<hbm>>) dst(%arg7 : memref<64x512xf32, #tpu.memory_space<vmem>>)
    %add3A_691 = arith.constant 960 : i32
    %add3A_692 = arith.addi %mul3A_2, %add3A_691 : i32
    %dma_start3A_693 = arith.constant 0 : i32
    %dma_start3A_694 = tpu.memref_slice %arg4[%add3A_692, %dma_start3A_693] : memref<32768x512xf32, #tpu.memory_space<hbm>> -> memref<64x512xf32, #tpu.memory_space<hbm>>
    %dma_start3A_695 = arith.constant 0 : i32
    %dma_start3A_696 = tpu.memref_slice %arg4[%add3A_692, %dma_start3A_695] : memref<32768x512xf32, #tpu.memory_space<hbm>> -> memref<64x512xf32, #tpu.memory_space<hbm>>
    tpu.enqueue_dma source(%arg7 : memref<64x512xf32, #tpu.memory_space<vmem>>) target(%dma_start3A_696 : memref<64x512xf32, #tpu.memory_space<hbm>>) target_semaphore(%arg10 : memref<!tpu.dma_semaphore, #tpu.memory_space<semaphore_mem>>)
    %dma_wait3A_697 = arith.constant 0 : i32
    %dma_wait3A_698 = tpu.memref_slice %arg4[%add3A_679, %dma_wait3A_697] : memref<32768x512xf32, #tpu.memory_space<hbm>> -> memref<64x512xf32, #tpu.memory_space<hbm>>
    %dma_wait3A_699 = arith.constant 0 : i32
    %dma_wait3A_700 = tpu.memref_slice %arg4[%add3A_679, %dma_wait3A_699] : memref<32768x512xf32, #tpu.memory_space<hbm>> -> memref<64x512xf32, #tpu.memory_space<hbm>>
    tpu.wait_dma2 semaphore(%arg10 : memref<!tpu.dma_semaphore, #tpu.memory_space<semaphore_mem>>) src(%arg6 : memref<64x512xf32, #tpu.memory_space<vmem>>) dst(%dma_wait3A_700 : memref<64x512xf32, #tpu.memory_space<hbm>>)
    %dma_wait3A_701 = arith.constant 0 : i32
    %dma_wait3A_702 = tpu.memref_slice %arg4[%add3A_692, %dma_wait3A_701] : memref<32768x512xf32, #tpu.memory_space<hbm>> -> memref<64x512xf32, #tpu.memory_space<hbm>>
    %dma_wait3A_703 = arith.constant 0 : i32
    %dma_wait3A_704 = tpu.memref_slice %arg4[%add3A_692, %dma_wait3A_703] : memref<32768x512xf32, #tpu.memory_space<hbm>> -> memref<64x512xf32, #tpu.memory_space<hbm>>
    tpu.wait_dma2 semaphore(%arg10 : memref<!tpu.dma_semaphore, #tpu.memory_space<semaphore_mem>>) src(%arg7 : memref<64x512xf32, #tpu.memory_space<vmem>>) dst(%dma_wait3A_704 : memref<64x512xf32, #tpu.memory_space<hbm>>)
    return
  }
}

module attributes {stable_mosaic.version = 14 : i64} {
  func.func @_mlp_body(%arg0: i32, %arg1: memref<4096x256xf32, #tpu.memory_space<vmem>>, %arg2: memref<4096x256xf32, #tpu.memory_space<vmem>>, %arg3: memref<256x256xf32, #tpu.memory_space<vmem>>, %arg4: memref<256x256xf32, #tpu.memory_space<vmem>>, %arg5: memref<1x256xf32, #tpu.memory_space<vmem>>, %arg6: memref<4096x256xf32, #tpu.memory_space<vmem>>) attributes {dimension_semantics = [#tpu.dimension_semantics<arbitrary>], iteration_bounds = array<i64: 8>, scalar_prefetch = 0 : i64, scratch_operands = 0 : i64, tpu.core_type = #tpu.core_type<tc>, window_params = [{transform_indices = @transform_0, window_bounds = array<i64: 4096, 256>}, {transform_indices = @transform_1, window_bounds = array<i64: 4096, 256>}, {transform_indices = @transform_2, window_bounds = array<i64: 256, 256>}, {transform_indices = @transform_3, window_bounds = array<i64: 256, 256>}, {pipeline_mode = #tpu.pipeline_mode<synchronous>, transform_indices = @transform_4, window_bounds = array<i64: 1, 256>}, {transform_indices = @transform_5, window_bounds = array<i64: 4096, 256>}]} {
    %get3A = arith.constant 0 : index
    %get3A_0 = arith.constant 0 : index
    %get3A_1 = vector.load %arg1[%get3A, %get3A_0] : memref<4096x256xf32, #tpu.memory_space<vmem>>, vector<4096x256xf32>
    %convert_element_type3A = arith.truncf %get3A_1 : vector<4096x256xf32> to vector<4096x256xbf16>
    %get3A_2 = arith.constant 0 : index
    %get3A_3 = arith.constant 0 : index
    %get3A_4 = vector.load %arg3[%get3A_2, %get3A_3] : memref<256x256xf32, #tpu.memory_space<vmem>>, vector<256x256xf32>
    %convert_element_type3A_5 = arith.truncf %get3A_4 : vector<256x256xf32> to vector<256x256xbf16>
    %dot_general3A = arith.constant dense<0.000000e+00> : vector<4096x256xf32>
    %dot_general3A_6 = tpu.matmul %convert_element_type3A, %convert_element_type3A_5, %dot_general3A {dimension_numbers = #tpu.dot_dimension_numbers<[1], [0], [0], [1], [0, 0, 1, 1], [], []>, transpose_lhs_hint = false} : vector<4096x256xbf16>, vector<256x256xbf16>, vector<4096x256xf32> -> vector<4096x256xf32>
    %get3A_7 = arith.constant 0 : index
    %get3A_8 = arith.constant 0 : index
    %get3A_9 = vector.load %arg2[%get3A_7, %get3A_8] : memref<4096x256xf32, #tpu.memory_space<vmem>>, vector<4096x256xf32>
    %convert_element_type3A_10 = arith.truncf %get3A_9 : vector<4096x256xf32> to vector<4096x256xbf16>
    %get3A_11 = arith.constant 0 : index
    %get3A_12 = arith.constant 0 : index
    %get3A_13 = vector.load %arg4[%get3A_11, %get3A_12] : memref<256x256xf32, #tpu.memory_space<vmem>>, vector<256x256xf32>
    %convert_element_type3A_14 = arith.truncf %get3A_13 : vector<256x256xf32> to vector<256x256xbf16>
    %dot_general3A_15 = arith.constant dense<0.000000e+00> : vector<4096x256xf32>
    %dot_general3A_16 = tpu.matmul %convert_element_type3A_10, %convert_element_type3A_14, %dot_general3A_15 {dimension_numbers = #tpu.dot_dimension_numbers<[1], [0], [0], [1], [0, 0, 1, 1], [], []>, transpose_lhs_hint = false} : vector<4096x256xbf16>, vector<256x256xbf16>, vector<4096x256xf32> -> vector<4096x256xf32>
    %add3A = arith.addf %dot_general3A_6, %dot_general3A_16 : vector<4096x256xf32>
    %get3A_17 = arith.constant 0 : index
    %get3A_18 = arith.constant 0 : index
    %get3A_19 = vector.load %arg5[%get3A_17, %get3A_18] : memref<1x256xf32, #tpu.memory_space<vmem>>, vector<1x256xf32>
    %add3A_20 = vector.broadcast %get3A_19 : vector<1x256xf32> to vector<4096x256xf32>
    %add3A_21 = arith.addf %add3A, %add3A_20 : vector<4096x256xf32>
    %tanh3A = math.tanh %add3A_21 : vector<4096x256xf32>
    %swap3A = arith.constant 0 : index
    %swap3A_22 = arith.constant 0 : index
    %swap3A_23 = vector.load %arg6[%swap3A, %swap3A_22] : memref<4096x256xf32, #tpu.memory_space<vmem>>, vector<4096x256xf32>
    tpu.vector_store %arg6[%swap3A, %swap3A_22], %tanh3A {strides = array<i32>} : memref<4096x256xf32, #tpu.memory_space<vmem>>, vector<4096x256xf32>,
    return
  }
  func.func @transform_0(%arg0: i32) -> (i32, i32) {
    %c0_i32 = arith.constant 0 : i32
    %c0_i32_0 = arith.constant 0 : i32
    return %arg0, %c0_i32 : i32, i32
  }
  func.func @transform_1(%arg0: i32) -> (i32, i32) {
    %c1_i32 = arith.constant 1 : i32
    %c0_i32 = arith.constant 0 : i32
    return %arg0, %c1_i32 : i32, i32
  }
  func.func @transform_2(%arg0: i32) -> (i32, i32) {
    %c0_i32 = arith.constant 0 : i32
    %c0_i32_0 = arith.constant 0 : i32
    %c0_i32_1 = arith.constant 0 : i32
    return %c0_i32, %c0_i32_0 : i32, i32
  }
  func.func @transform_3(%arg0: i32) -> (i32, i32) {
    %c1_i32 = arith.constant 1 : i32
    %c0_i32 = arith.constant 0 : i32
    %c0_i32_0 = arith.constant 0 : i32
    return %c1_i32, %c0_i32 : i32, i32
  }
  func.func @transform_4(%arg0: i32) -> (i32, i32) {
    %c0_i32 = arith.constant 0 : i32
    %c0_i32_0 = arith.constant 0 : i32
    %c0_i32_1 = arith.constant 0 : i32
    return %c0_i32, %c0_i32_0 : i32, i32
  }
  func.func @transform_5(%arg0: i32) -> (i32, i32) {
    %c0_i32 = arith.constant 0 : i32
    %c0_i32_0 = arith.constant 0 : i32
    return %arg0, %c0_i32 : i32, i32
  }
}

</mosaic_0001>

<sc_bundles>
// kernel: kernel.4.cloned.1.call-start
scs
__scs_entry_jumppad:
0x0: {  	(pc) =	sbr.rel $0x88, $3  }
0x1: {  	(tag) =	ssettag $0x0;
	lr =	simm.s32 $0x1  }
0x2: {  	[smem:$0x3F9D] =	sst lr;
	_ =	strace $0xD0000000  }
0x3: {  	_ = 	snop  }
0x4: {  	_ = 	snop  }
0x5: {  	_ = 	snop  }
0x6: {  	_ = 	snop  }
0x7: {  	_ = 	snop  }
__scs_overlays_trampoline_lowered:
0x8: {  	[smem:$0x3FAC] =	sst s0  }
0x9: {  	[smem:$0x3FAD] =	sst s1  }
0xa: {  	[smem:$0x3FAE] =	sst s2  }
0xb: {  	[smem:$0x3FAF] =	sst s3  }
0xc: {  	[smem:$0x3FB0] =	sst s4  }
0xd: {  	[smem:$0x3FB1] =	sst s5  }
0xe: {  	[smem:$0x3FB2] =	sst s6  }
0xf: {  	[smem:$0x3FB3] =	sst s7  }
0x10: {  	[smem:$0x3FB4] =	sst s8  }
0x11: {  	[smem:$0x3FB5] =	sst s9;
	s0 =	simm.s32 @!p0 $0x0  }
0x12: {  	s1 =	sld [smem:$0x3F9B];
	s0 =	simm.s32 @p0 $0x1  }
0x13: {  	[smem:$0x3FB6] =	sst s0;
	s0 =	simm.s32 @!p1 $0x0  }
0x14: {  	s2 =	sld [smem:$0x3F9A];
	s0 =	simm.s32 @p1 $0x1  }
0x15: {  	[smem:$0x3FB7] =	sst s0;
	s0 =	simm.s32 @!p2 $0x0  }
0x16: {  	s3 =	sld [smem:$0x3FDB];
	s0 =	simm.s32 @p2 $0x1  }
0x17: {  	s4 =	simm.s32 $0x1BF5;
	[smem:$0x3FB9] =	sst s0  }
0x18: {  	s0 =	sld [smem:$0x3F9C];
	_ =	swait.ge [sflag:s4], $0x0  }
0x19: {  	s7 =	sld [smem:$0x3F9D]  }
0x1a: {  	s8 =	sadd.s32 $0xFFFFE003, lr  }
0x1b: {  	s9 =	sadd.s32 $0xFFFFFEF7, lr;
	s5 =	simm.s32 $0xFFFFFFFF;
	p2 =	slt.u32 s8, $0xFFFFF086  }
0x1c: {  	p1 =	slt.u32 s9, $0xF7A;
	s5 =	simm.s32 @!p2 $0x0  }
0x1d: {  	s5 =	simm.s32 @p1 $0x1;
	p0 =	seq.s32 s7, s2  }
0x1e: {  	s7 =	smul.u32 @!p0 $0xF7A, s2;
	p2 =	seq.s32 @!p0 s5, $0x0  }
0x1f: {  	s9 =	smul.u32 $0xF7A, s1;
	s8 =	simm.s32 @!p0 $0x1BF5;
	p2 =	por !p2, p0  }
0x20: {  	[sflag:s8] =	ssyncset.s32 @!p0 $0xFFFFF086;
	s6 =	sadd.s32 @!p0 s3, s7;
	s7 =	simm.s32 @!p0 $0x108  }
0x21: {  	s3 =	sadd.s32 s3, s9;
	s6 =	sadd.s32 @!p0 $0x88, s6;
	s7 =	simm.s32 @p2 $0x1082  }
0x22: {  	[simem:s7], [sflag:s8] =	dma.local @!p0 [hbm:s6], $0xF7A  }
0x23: {  	s9 =	sor.u32 $0xD0000000, s2;
	s6 =	simm.s32 $0x108;
	_ =	swait.ge @!p0 [sflag:s8], $0x0  }
0x24: {  	s3 =	sadd.s32 $0x88, s3;
	s6 =	simm.s32 @!p1 $0x1082;
	[sflag:s4] =	ssyncset.s32 $0xFFFFF086  }
0x25: {  	[simem:s6], [sflag:s4] =	dma.local [hbm:s3], $0xF7A  }
0x26: {  	[smem:$0x3F9D] =	sst s1;
	(tag) =	ssettag s2;
	_ =	strace s9  }
0x27: {  	s1 =	sld [smem:$0x3FAD]  }
0x28: {  	s2 =	sld [smem:$0x3FAE]  }
0x29: {  	s4 =	sld [smem:$0x3FB0]  }
0x2a: {  	p0 =	seq.s32 s5, $0x0;
	s5 =	sld [smem:$0x3FB1]  }
0x2b: {  	s6 =	sld [smem:$0x3FB2]  }
0x2c: {  	s7 =	sld [smem:$0x3FB3]  }
0x2d: {  	s3 =	simm.s32 $0x108;
	s8 =	sld [smem:$0x3FB4]  }
0x2e: {  	s3 =	simm.s32 @!p0 $0x1082;
	s9 =	sld [smem:$0x3FB5]  }
0x2f: {  	lr =	sadd.s32 s0, s3;
	s0 =	sld [smem:$0x3FAC]  }
0x30: {  	s3 =	sld [smem:$0x3FAF]  }
0x31: {  	[smem:$0x3FB8] =	sst s10  }
0x32: {  	s10 =	sld [smem:$0x3FB6];
	_ =	sdelay $0x3  }
0x33: {  	p0 =	seq.s32 s10, $0x1;
	s10 =	sld [smem:$0x3FB8];
	_ =	sdelay $0x3  }
0x34: {  	[smem:$0x3FB8] =	sst s10  }
0x35: {  	s10 =	sld [smem:$0x3FB7];
	_ =	sdelay $0x3  }
0x36: {  	p1 =	seq.s32 s10, $0x1;
	s10 =	sld [smem:$0x3FB8];
	_ =	sdelay $0x3  }
0x37: {  	[smem:$0x3FB8] =	sst s10  }
0x38: {  	s10 =	sld [smem:$0x3FB9]  }
0x39: {  	_ = 	snop;
	(pc) =	sbr.ind lr, $3  }
0x3a: {  	_ = 	snop  }
0x3b: {  	_ = 	snop  }
0x3c: {  	p2 =	seq.s32 s10, $0x1;
	s10 =	sld [smem:$0x3FB8]  }
0x3d: {  	_ =	shalt  }
0x3e: {  	_ =	shalt  }
0x3f: {  	_ =	shalt  }
0x40: {  	_ =	shalt  }
0x41: {  	_ =	shalt  }
0x42: {  	_ =	shalt  }
0x43: {  	_ =	shalt  }
0x44: {  	_ =	shalt  }
0x45: {  	_ =	shalt  }
0x46: {  	_ =	shalt  }
0x47: {  	_ =	shalt  }
0x48: {  	_ =	shalt  }
0x49: {  	_ =	shalt  }
0x4a: {  	_ =	shalt  }
0x4b: {  	_ =	shalt  }
0x4c: {  	_ =	shalt  }
0x4d: {  	_ =	shalt  }
0x4e: {  	_ =	shalt  }
0x4f: {  	_ =	shalt  }
0x50: {  	_ =	shalt  }
0x51: {  	_ =	shalt  }
0x52: {  	_ =	shalt  }
0x53: {  	_ =	shalt  }
0x54: {  	_ =	shalt  }
0x55: {  	_ =	shalt  }
0x56: {  	_ =	shalt  }
0x57: {  	_ =	shalt  }
0x58: {  	_ =	shalt  }
0x59: {  	_ =	shalt  }
0x5a: {  	_ =	shalt  }
0x5b: {  	_ =	shalt  }
0x5c: {  	_ =	shalt  }
0x5d: {  	_ =	shalt  }
0x5e: {  	_ =	shalt  }
0x5f: {  	_ =	shalt  }
0x60: {  	_ =	shalt  }
0x61: {  	_ =	shalt  }
0x62: {  	_ =	shalt  }
0x63: {  	_ =	shalt  }
0x64: {  	_ =	shalt  }
0x65: {  	_ =	shalt  }
0x66: {  	_ =	shalt  }
0x67: {  	_ =	shalt  }
0x68: {  	_ =	shalt  }
0x69: {  	_ =	shalt  }
0x6a: {  	_ =	shalt  }
0x6b: {  	_ =	shalt  }
0x6c: {  	_ =	shalt  }
0x6d: {  	_ =	shalt  }
0x6e: {  	_ =	shalt  }
0x6f: {  	_ =	shalt  }
0x70: {  	_ =	shalt  }
0x71: {  	_ =	shalt  }
0x72: {  	_ =	shalt  }
0x73: {  	_ =	shalt  }
0x74: {  	_ =	shalt  }
0x75: {  	_ =	shalt  }
0x76: {  	_ =	shalt  }
0x77: {  	_ =	shalt  }
0x78: {  	_ =	shalt  }
0x79: {  	_ =	shalt  }
0x7a: {  	_ =	shalt  }
0x7b: {  	_ =	shalt  }
0x7c: {  	_ =	shalt  }
0x7d: {  	_ =	shalt  }
0x7e: {  	_ =	shalt  }
0x7f: {  	_ =	shalt  }
0x80: {  	_ =	shalt  }
0x81: {  	_ =	shalt  }
0x82: {  	_ =	shalt  }
0x83: {  	_ =	shalt  }
0x84: {  	_ =	shalt  }
0x85: {  	_ =	shalt  }
0x86: {  	_ =	shalt  }
0x87: {  	_ =	shalt  }
.Lfunc_end0:
.L_simem_size_0:
called_computation_lowered:
.L_overlay_start_0:
0x88: {  	s2 =	sld [smem:$0x3FD9]  }
0x89: {  	s3 =	sld [smem:$0x3FFE];
	_ =	sdelay $0x1  }
0x8a: {  	s1 =	srdreg.scid  }
0x8b: {  	s0 =	sand.u32 $0x1, s1  }
0x8c: {  	s17 =	sshll.u32 s0, $0xA;
	s2 =	sadd.s32 s3, s2  }
0x8d: {  	s2 =	sadd.s32 s2, s17  }
0x8e: {  	[smem:$0x3FC4] =	sst s2  }
0x8f: {  	_ = 	snop  }
0x90: {  	s2 =	sld [smem:$0x3FC9]  }
0x91: {  	s18 =	sld [smem:$0x3FC8];
	(tm) =	ssettm $0x1  }
0x92: {  	s4 =	sld [smem:$0x3FFB];
	_ =	sdelay $0x3  }
0x93: {  	_ =	strace s4  }
0x94: {  	s4 =	sld [smem:$0x3FFC];
	_ =	sdelay $0x3  }
0x95: {  	_ =	strace s4  }
0x96: {  	s4 =	sld [smem:$0x3FFD];
	_ =	sdelay $0x3  }
0x97: {  	_ =	strace s4  }
0x98: {  	_ =	strace $0x8FFFFFFF  }
0x99: {  	s19 =	sld [smem:$0x3FDB];
	_ =	sdelay $0x1  }
0x9a: {  	s5 =	simm.s32 $_scs_section_size  }
0x9b: {  	s6 =	simm.s32 $_size__tile_overlayer_lowered;
	s7 =	simm.s32 $_tile_overlayer_lowered  }
0x9c: {  	s22 =	simm.s32 $0x1BFF;
	s21 =	sshll.u32 s7, $0x1;
	s4 =	sadd.s32 s5, s19  }
0x9d: {  	s8 =	simm.s32 $0x0;
	s20 =	sshll.u32 s6, $0x1;
	s6 =	sadd.s32 s21, s4  }
0x9e: {  	[timem:s8], [sflag:s22] =	dma.local [hbm:s6], s20  }
0x9f: {  	_ =	swait.ge [sflag:s22], s20  }
0xa0: {  	s5 =	ssub.s32 $0x0, s20;
	[sflag:s22] =	ssyncset.done $0x0  }
0xa1: {  	[sflag:s22] =	ssyncadd.s32 s5;
	_ =	sdelay $0x1  }
0xa2: {  	s23 =	simm.s32 $0x1B8B  }
0xa3: {  	_ =	swait.ge [sflag:s23], $0x1  }
0xa4: {  	[sflag:s23] =	ssyncset.done $0x0  }
0xa5: {  	s25 =	simm.s32 $0x1B8E;
	s24 =	sld [smem:$0x3FFE];
	[sflag:s23] =	ssyncadd.s32 $0xFFFFFFFF  }
0xa6: {  	s26 =	simm.s32 $execute0_lowered;
	[smem:$0x3FD2] =	sst s25  }
0xa7: {  	s6 =	sshll.u32 s26, $0x1;
	_ =	strace $0x80000046;
	[dreg:$0x1] =	wrdreg $0xFFFFFFFF  }
0xa8: {  	s28 =	simm.s32 $_size_execute0_lowered;
	s4 =	sadd.s32 s4, s6;
	[dreg:$0x0] =	wrdreg $0x0  }
0xa9: {  	s6 =	sshll.u32 s28, $0x1;
	[dreg:$0x2] =	wrdreg s4  }
0xaa: {  	[dreg:$0x3] =	wrdreg s6  }
0xab: {  	[dreg:$0x4] =	wrdreg $0xC0  }
0xac: {  	_ =	task [dreg:s8], $0x5FFFF  }
0xad: {  	[dreg:$0x1] =	wrdreg $0xFFFFFFFF  }
0xae: {  	[dreg:$0x0] =	wrdreg $0x60  }
0xaf: {  	[dreg:$0x2] =	wrdreg s2  }
0xb0: {  	[dreg:$0x3] =	wrdreg s18  }
0xb1: {  	[dreg:$0x4] =	wrdreg s24  }
0xb2: {  	[dreg:$0x5] =	wrdreg $0x9  }
0xb3: {  	_ =	task.clear_ibuf [dreg:s8], $0x6FFFF;
	_ =	strace $0x90000046  }
0xb4: {  	s29 =	simm.s32 $0x9;
	_ =	strace $0x80000048  }
0xb5: {  	_ =	swait.ge [sflag:s29], $0x1  }
0xb6: {  	[sflag:s29] =	ssyncadd.s32 $0xFFFFFFFF  }
0xb7: {  	_ =	strace $0x90000048  }
0xb8: {  	_ =	sfence  }
0xb9: {  	s30 =	sld [smem:$0x0];
	_ =	sdelay $0x2  }
0xba: {  	s31 =	sshll.u32 s1, $0xD;
	s1 =	sshrl.u32 s1, $0x2  }
0xbb: {  	s3 =	sand.u32 $0x4000, s31;
	s1 =	sadd.s32 s1, s30  }
0xbc: {  	s0 =	sor.u32 s3, s0;
	s1 =	sshll.u32 s1, $0x11  }
0xbd: {  	s0 =	sor.u32 s1, s0  }
0xbe: {  	s0 =	sadd.s32 $0x8F2B, s0  }
0xbf: {  	[sflag:s0] =	ssyncadd.remote.s32 $0x1  }
0xc0: {  	_ =	sfence.sel $0xFFFF  }
0xc1: {  	[dreg:$0x0] =	wrdreg $0xFFFFFFFF;
	(pc) =	sbr.abs _section_cstart, $3  }
0xc2: {  	[dreg:$0x1] =	wrdreg $0xFFFFFFFF  }
0xc3: {  	_ =	task.clear_ibuf [dreg:s8], $0x2FFFF;
	_ =	strace $0x9FFFFFFF  }
0xc4: {  	(tm) =	ssettm $0x7FFFFFFF  }
0xc5: {  	_ =	shalt  }
tec
execute0_lowered:
.L_overlay_start_1:
0x0: {  	(tag) =	ssettag $0x1  }
0x1: {  	s4 =	rddreg [dreg:$0x0]  }
0x2: {  	s2 =	rddreg [dreg:$0x1];
	s0 =	srdreg.scid  }
0x3: {  	s1 =	rddreg [dreg:$0x2];
	s5 =	stileid.u32;
	s0 =	sand.u32 $0x1, s0  }
0x4: {  	s3 =	simm.s32 $0x0;
	s5 =	sshll.u32 s5, $0xB;
	s6 =	sshll.u32 s0, $0xA  }
0x5: {  	[smem:$0x7FF] =	sst s3;
	s5 =	sor.u32 s6, s5  }
0x6: {  	s1 =	sadd.s32 $0x800, s1;
	_ =	strace $0x80000047;
	s6 =	sshrl.u32 s5, $0x3  }
0x7: {  	s11 =	sor.u32 $0x140, s5;
	s13 =	sor.u32 $0x180, s5;
	s7 =	sadd.s32 s4, s6  }
0x8: {  	s6 =	sor.u32 $0x40, s5;
	s12 =	sshrl.u32 s11, $0x3;
	s14 =	sshrl.u32 s13, $0x3  }
0x9: {  	[dreg:$0x4] =	wrdreg s7;
	s8 =	sshrl.u32 s6, $0x3;
	s7 =	sor.u32 $0x80, s5  }
0xa: {  	s12 =	sadd.s32 s4, s12;
	s15 =	sadd.s32 s4, s14;
	s14 =	sor.u32 $0x200, s5  }
0xb: {  	s9 =	sadd.s32 s4, s8;
	s10 =	sshrl.u32 s7, $0x3;
	[dreg:$0x9] =	wrdreg s12  }
0xc: {  	s8 =	sor.u32 $0xC0, s5;
	s12 =	sor.u32 $0x1C0, s5;
	[dreg:$0xa] =	wrdreg s15  }
0xd: {  	s15 =	sshrl.u32 s14, $0x3;
	[dreg:$0x5] =	wrdreg s9;
	s28 =	sadd.s32 s4, s10  }
0xe: {  	s29 =	sshrl.u32 s8, $0x3;
	s10 =	sor.u32 $0x100, s5;
	s16 =	sshrl.u32 s12, $0x3  }
0xf: {  	s17 =	sadd.s32 s4, s15;
	s15 =	sor.u32 $0x280, s5;
	[dreg:$0x6] =	wrdreg s28  }
0x10: {  	s30 =	sadd.s32 s4, s29;
	s31 =	sshrl.u32 s10, $0x3;
	[dreg:$0xc] =	wrdreg s17  }
0x11: {  	s20 =	sshrl.u32 s15, $0x3;
	s29 =	sshll.u32 s6, $0x6;
	s6 =	sshll.u32 s8, $0x6  }
0x12: {  	s8 =	sshll.u32 s10, $0x6;
	[dreg:$0x7] =	wrdreg s30;
	s9 =	sadd.s32 s4, s31  }
0x13: {  	s10 =	sshll.u32 s11, $0x6;
	s30 =	sadd.s32 s1, s29;
	[dreg:$0x8] =	wrdreg s9  }
0x14: {  	s31 =	sshll.u32 s7, $0x6;
	s7 =	sadd.s32 s1, s6;
	[dreg:$0x15] =	wrdreg s30  }
0x15: {  	s17 =	sor.u32 $0x2C0, s5;
	s11 =	sadd.s32 s1, s10;
	[dreg:$0x17] =	wrdreg s7  }
0x16: {  	s6 =	sshll.u32 s17, $0x6;
	s9 =	sadd.s32 s4, s16;
	[dreg:$0x19] =	wrdreg s11  }
0x17: {  	s16 =	sor.u32 $0x240, s5;
	s7 =	sadd.s32 s1, s6;
	[dreg:$0xb] =	wrdreg s9  }
0x18: {  	s18 =	sshrl.u32 s16, $0x3;
	s9 =	sadd.s32 s4, s20;
	[dreg:$0x1f] =	wrdreg s7  }
0x19: {  	s29 =	sshll.u32 s16, $0x6;
	s16 =	simm.s32 $0x100;
	[dreg:$0xe] =	wrdreg s9  }
0x1a: {  	s20 =	sor.u32 $0x380, s5;
	s19 =	sadd.s32 s4, s18;
	[smem:$0x7F0] =	sst s16  }
0x1b: {  	s18 =	sshrl.u32 s17, $0x3;
	s30 =	sadd.s32 s1, s29;
	[dreg:$0xd] =	wrdreg s19  }
0x1c: {  	s17 =	simm.s32 $0x180;
	s29 =	simm.s32 $0x680;
	[dreg:$0x1d] =	wrdreg s30  }
0x1d: {  	s19 =	sor.u32 $0x300, s5;
	s21 =	sadd.s32 s4, s18;
	[smem:$0x7F1] =	sst s17  }
0x1e: {  	s18 =	sor.u32 $0x340, s5;
	[smem:$0x7FB] =	sst s29;
	s30 =	simm.s32 $0x700  }
0x1f: {  	s22 =	sshrl.u32 s19, $0x3;
	[dreg:$0xf] =	wrdreg s21;
	s24 =	sshrl.u32 s18, $0x3  }
0x20: {  	s10 =	sshll.u32 s18, $0x6;
	s18 =	simm.s32 $0x200;
	[smem:$0x7FC] =	sst s30  }
0x21: {  	s21 =	sshrl.u32 s20, $0x3;
	s23 =	sadd.s32 s4, s22;
	[smem:$0x7F2] =	sst s18  }
0x22: {  	s9 =	sadd.s32 s4, s24;
	s22 =	sor.u32 $0x3C0, s5;
	[dreg:$0x10] =	wrdreg s23  }
0x23: {  	s25 =	sadd.s32 s4, s21;
	s5 =	sshll.u32 s5, $0x6;
	[dreg:$0x11] =	wrdreg s9  }
0x24: {  	s24 =	sshll.u32 s12, $0x6;
	s11 =	sadd.s32 s1, s10;
	[dreg:$0x12] =	wrdreg s25  }
0x25: {  	s12 =	sshll.u32 s20, $0x6;
	s20 =	simm.s32 $0x300;
	[smem:$0x7EC] =	sst s11  }
0x26: {  	s28 =	sadd.s32 s1, s5;
	[smem:$0x7F4] =	sst s20  }
0x27: {  	s5 =	sadd.s32 s1, s31;
	[dreg:$0x14] =	wrdreg s28  }
0x28: {  	s21 =	sshll.u32 s13, $0x6;
	s9 =	sadd.s32 s1, s8;
	[dreg:$0x16] =	wrdreg s5  }
0x29: {  	s23 =	sadd.s32 s1, s21;
	[dreg:$0x18] =	wrdreg s9  }
0x2a: {  	s25 =	sadd.s32 s1, s24;
	[dreg:$0x1a] =	wrdreg s23  }
0x2b: {  	s13 =	sadd.s32 s1, s12;
	[dreg:$0x1b] =	wrdreg s25  }
0x2c: {  	s31 =	sshll.u32 s15, $0x6;
	s15 =	simm.s32 $0x80;
	[smem:$0x7ED] =	sst s13  }
0x2d: {  	s8 =	sshll.u32 s19, $0x6;
	s19 =	simm.s32 $0x280;
	[smem:$0x7EF] =	sst s15  }
0x2e: {  	s21 =	simm.s32 $0x380;
	[smem:$0x7F3] =	sst s19  }
0x2f: {  	s26 =	sshrl.u32 s22, $0x3;
	s24 =	simm.s32 $0x500;
	[smem:$0x7F5] =	sst s21  }
0x30: {  	s0 =	ssub.s32 $0x2, s0;
	s4 =	sadd.s32 s4, s26;
	[smem:$0x7F8] =	sst s24  }
0x31: {  	s6 =	simm.s32 $0x1;
	s5 =	sadd.s32 s1, s31;
	[dreg:$0x13] =	wrdreg s4  }
0x32: {  	s26 =	sshll.u32 s14, $0x6;
	s9 =	sadd.s32 s1, s8;
	[dreg:$0x1e] =	wrdreg s5  }
0x33: {  	s14 =	sshll.u32 s22, $0x6;
	s22 =	simm.s32 $0x400;
	[smem:$0x7EB] =	sst s9  }
0x34: {  	s7 =	simm.s32 $0x800;
	s23 =	simm.s32 $0x480;
	[smem:$0x7F6] =	sst s22  }
0x35: {  	s25 =	simm.s32 $0x580;
	s31 =	simm.s32 $0x780;
	[smem:$0x7F7] =	sst s23  }
0x36: {  	s15 =	simm.s32 $0x3;
	s28 =	sadd.s32 s1, s26;
	[smem:$0x7F9] =	sst s25  }
0x37: {  	s1 =	sadd.s32 s1, s14;
	s26 =	sshrl.u32 s0, $0x1;
	[smem:$0x7FD] =	sst s31  }
0x38: {  	v2 =	vlaneseq.u32;
	s4 =	sadd.s32 $0x100, s2;
	s23 =	simm.s32 $0x8800;
	[dreg:$0x1c] =	wrdreg s28  }
0x39: {  	vm0 =	vmmov $0xffff;
	v1 =	vshrl.u32 v2, $0x3;
	[smem:$0x7EE] =	sst s1;
	s28 =	simm.s32 $0x600;
	s0 =	ssub.s32 s0, s26  }
0x3a: {  	v0 =	vand.u32 $0x7, v2;
	v2 =	vor.u32 $0x8, v2;
	v1 =	vmul.u32 $0x8, v1;
	s14 =	simm.s32 $0x2;
	[smem:$0x7FA] =	sst s28;
	s5 =	smax.u32 s0, $0x1  }
.LBB2_1:
0x3b: {  	[smem:$0x7EA] =	sst s5  }
0x3c: {  	s16 =	rddreg [dreg:$0x4]  }
0x3d: {  	s17 =	rddreg [dreg:$0x5]  }
0x3e: {  	s18 =	sld [smem:$0x7EF]  }
0x3f: {  	s11 =	rddreg [dreg:$0x6]  }
0x40: {  	s12 =	sld [smem:$0x7F0]  }
0x41: {  	s13 =	rddreg [dreg:$0x7]  }
0x42: {  	s19 =	sld [smem:$0x7F1]  }
0x43: {  	s20 =	sld [smem:$0x7F2]  }
0x44: {  	s21 =	rddreg [dreg:$0x9]  }
0x45: {  	s22 =	sld [smem:$0x7F3]  }
0x46: {  	s24 =	rddreg [dreg:$0xa]  }
0x47: {  	s25 =	sld [smem:$0x7F4]  }
0x48: {  	s26 =	rddreg [dreg:$0xb]  }
0x49: {  	s28 =	sld [smem:$0x7F5]  }
0x4a: {  	s29 =	rddreg [dreg:$0xc]  }
0x4b: {  	s30 =	sld [smem:$0x7F6]  }
0x4c: {  	[tilespmem:s3], [sflag:$0x1] =	stream.linear.gather [hbm4b:s16+s3], $0x40, $0x38;
	[tilespmem:$0x10800] =	vst v63  }
0x4d: {  	s31 =	rddreg [dreg:$0xd]  }
0x4e: {  	[tilespmem:s18], [sflag:$0x1] =	stream.linear.gather [hbm4b:s17+s3], $0x40, $0x38;
	[tilespmem:$0x10800] =	vst v63  }
0x4f: {  	s0 =	sld [smem:$0x7F7]  }
0x50: {  	[tilespmem:s12], [sflag:$0x1] =	stream.linear.gather [hbm4b:s11+s3], $0x40, $0x38;
	[tilespmem:$0x10800] =	vst v63  }
0x51: {  	s1 =	rddreg [dreg:$0xe]  }
0x52: {  	[tilespmem:s19], [sflag:$0x1] =	stream.linear.gather [hbm4b:s13+s3], $0x40, $0x38;
	[tilespmem:$0x10800] =	vst v63  }
0x53: {  	s19 =	rddreg [dreg:$0x8]  }
0x54: {  	[tilespmem:s20], [sflag:$0x1] =	stream.linear.gather [hbm4b:s19+s3], $0x40, $0x38;
	[tilespmem:$0x10800] =	vst v63  }
0x55: {  	s5 =	sld [smem:$0x7F8]  }
0x56: {  	[tilespmem:s22], [sflag:$0x1] =	stream.linear.gather [hbm4b:s21+s3], $0x40, $0x38;
	[tilespmem:$0x10800] =	vst v63  }
0x57: {  	s8 =	rddreg [dreg:$0xf]  }
0x58: {  	[tilespmem:s25], [sflag:$0x1] =	stream.linear.gather [hbm4b:s24+s3], $0x40, $0x38;
	[tilespmem:$0x10800] =	vst v63  }
0x59: {  	s9 =	sld [smem:$0x7F9]  }
0x5a: {  	[tilespmem:s28], [sflag:$0x1] =	stream.linear.gather [hbm4b:s26+s3], $0x40, $0x38;
	[tilespmem:$0x10800] =	vst v63  }
0x5b: {  	s10 =	rddreg [dreg:$0x10]  }
0x5c: {  	[tilespmem:s30], [sflag:$0x1] =	stream.linear.gather [hbm4b:s29+s3], $0x40, $0x38;
	[tilespmem:$0x10800] =	vst v63  }
0x5d: {  	s11 =	sld [smem:$0x7FA]  }
0x5e: {  	[tilespmem:s0], [sflag:$0x1] =	stream.linear.gather [hbm4b:s31+s3], $0x40, $0x38;
	[tilespmem:$0x10800] =	vst v63  }
0x5f: {  	s12 =	rddreg [dreg:$0x11]  }
0x60: {  	[tilespmem:s5], [sflag:$0x1] =	stream.linear.gather [hbm4b:s1+s3], $0x40, $0x38;
	[tilespmem:$0x10800] =	vst v63  }
0x61: {  	s13 =	sld [smem:$0x7FB]  }
0x62: {  	[tilespmem:s9], [sflag:$0x1] =	stream.linear.gather [hbm4b:s8+s3], $0x40, $0x38;
	[tilespmem:$0x10800] =	vst v63  }
0x63: {  	s20 =	rddreg [dreg:$0x12]  }
0x64: {  	[tilespmem:s11], [sflag:$0x1] =	stream.linear.gather [hbm4b:s10+s3], $0x40, $0x38;
	[tilespmem:$0x10800] =	vst v63  }
0x65: {  	s21 =	sld [smem:$0x7FC]  }
0x66: {  	[tilespmem:s13], [sflag:$0x1] =	stream.linear.gather [hbm4b:s12+s3], $0x40, $0x38;
	[tilespmem:$0x10800] =	vst v63  }
0x67: {  	s24 =	sld [smem:$0x7FD]  }
0x68: {  	[tilespmem:s21], [sflag:$0x1] =	stream.linear.gather [hbm4b:s20+s3], $0x40, $0x38;
	[tilespmem:$0x10800] =	vst v63  }
0x69: {  	s22 =	rddreg [dreg:$0x13]  }
0x6a: {  	[tilespmem:s24], [sflag:$0x1] =	stream.linear.gather [hbm4b:s22+s3], $0x40, $0x38;
	[tilespmem:$0x10800] =	vst v63  }
0x6b: {  	_ =	swait.ge [sflag:s6], $0x40  }
0x6c: {  	[sflag:s6] =	ssyncset.done $0x0  }
0x6d: {  	[sflag:s6] =	ssyncadd.s32 $0xFFFFFFC0  }
0x6e: {  	v3 =	vld [tilespmem:$0x0];
	_ =	sdelay $0x4  }
0x6f: {  	v4 =	vshll.u32 v3, $0x2  }
0x70: {  	v3 =	vand.u32 $0x7, v3;
	v4 =	vand.u32 $0xFFFFFFE0, v4  }
0x71: {  	v3 =	vor.u32 v3, v4  }
0x72: {  	v4 =	vperm.xlane v3, v0;
	_ =	sdelay $0x1  }
0x73: {  	v4 =	vadd.s32 v1, v4;
	_ =	sdelay $0x1  }
0x74: {  	v3 =	vperm.xlane v3, v2;
	_ =	sdelay $0x1  }
0x75: {  	v3 =	vadd.s32 v1, v3  }
0x76: {  	[tilespmem:s7], [sflag:$0x2] =	stream.indirect_vreg.gather [hbm4b:s2+s3], $0x80, v4, vm0, $0xb8;
	[tilespmem:$0x10800] =	vst v63  }
0x77: {  	s0 =	simm.s32 $0x1000  }
0x78: {  	[tilespmem:s0], [sflag:$0x2] =	stream.indirect_vreg.gather [hbm4b:s4+s3], $0x80, v4, vm0, $0xb8;
	[tilespmem:$0x10800] =	vst v63  }
0x79: {  	s25 =	simm.s32 $0x1800  }
0x7a: {  	[tilespmem:s25], [sflag:$0x2] =	stream.indirect_vreg.gather [hbm4b:s2+s3], $0x80, v3, vm0, $0xb8;
	[tilespmem:$0x10800] =	vst v63  }
0x7b: {  	s26 =	simm.s32 $0x2000  }
0x7c: {  	[tilespmem:s26], [sflag:$0x2] =	stream.indirect_vreg.gather [hbm4b:s4+s3], $0x80, v3, vm0, $0xb8;
	[tilespmem:$0x10800] =	vst v63  }
0x7d: {  	v3 =	vld [tilespmem:$0x10];
	_ =	sdelay $0x4  }
0x7e: {  	v57 =	vshll.u32 v3, $0x2  }
0x7f: {  	v3 =	vand.u32 $0x7, v3;
	v4 =	vand.u32 $0xFFFFFFE0, v57  }
0x80: {  	v3 =	vor.u32 v3, v4  }
0x81: {  	v4 =	vperm.xlane v3, v0;
	_ =	sdelay $0x1  }
0x82: {  	v4 =	vadd.s32 v1, v4;
	_ =	sdelay $0x1  }
0x83: {  	v3 =	vperm.xlane v3, v2;
	_ =	sdelay $0x1  }
0x84: {  	s28 =	simm.s32 $0x2800;
	v3 =	vadd.s32 v1, v3  }
0x85: {  	[tilespmem:s28], [sflag:$0x2] =	stream.indirect_vreg.gather [hbm4b:s2+s3], $0x80, v4, vm0, $0xb8;
	[tilespmem:$0x10800] =	vst v63  }
0x86: {  	s29 =	simm.s32 $0x3000  }
0x87: {  	[tilespmem:s29], [sflag:$0x2] =	stream.indirect_vreg.gather [hbm4b:s4+s3], $0x80, v4, vm0, $0xb8;
	[tilespmem:$0x10800] =	vst v63  }
0x88: {  	s30 =	simm.s32 $0x3800  }
0x89: {  	[tilespmem:s30], [sflag:$0x2] =	stream.indirect_vreg.gather [hbm4b:s2+s3], $0x80, v3, vm0, $0xb8;
	[tilespmem:$0x10800] =	vst v63  }
0x8a: {  	s31 =	simm.s32 $0x4000  }
0x8b: {  	[tilespmem:s31], [sflag:$0x2] =	stream.indirect_vreg.gather [hbm4b:s4+s3], $0x80, v3, vm0, $0xb8;
	[tilespmem:$0x10800] =	vst v63  }
0x8c: {  	v3 =	vld [tilespmem:$0x20];
	_ =	sdelay $0x4  }
0x8d: {  	v58 =	vshll.u32 v3, $0x2  }
0x8e: {  	v3 =	vand.u32 $0x7, v3;
	v4 =	vand.u32 $0xFFFFFFE0, v58  }
0x8f: {  	v3 =	vor.u32 v3, v4  }
0x90: {  	v4 =	vperm.xlane v3, v0;
	_ =	sdelay $0x1  }
0x91: {  	v4 =	vadd.s32 v1, v4;
	_ =	sdelay $0x1  }
0x92: {  	v3 =	vperm.xlane v3, v2;
	_ =	sdelay $0x1  }
0x93: {  	s1 =	simm.s32 $0x4800;
	v3 =	vadd.s32 v1, v3  }
0x94: {  	[tilespmem:s1], [sflag:$0x2] =	stream.indirect_vreg.gather [hbm4b:s2+s3], $0x80, v4, vm0, $0xb8;
	[tilespmem:$0x10800] =	vst v63  }
0x95: {  	s5 =	simm.s32 $0x5000  }
0x96: {  	[tilespmem:s5], [sflag:$0x2] =	stream.indirect_vreg.gather [hbm4b:s4+s3], $0x80, v4, vm0, $0xb8;
	[tilespmem:$0x10800] =	vst v63  }
0x97: {  	s8 =	simm.s32 $0x5800  }
0x98: {  	[tilespmem:s8], [sflag:$0x2] =	stream.indirect_vreg.gather [hbm4b:s2+s3], $0x80, v3, vm0, $0xb8;
	[tilespmem:$0x10800] =	vst v63  }
0x99: {  	s9 =	simm.s32 $0x6000  }
0x9a: {  	[tilespmem:s9], [sflag:$0x2] =	stream.indirect_vreg.gather [hbm4b:s4+s3], $0x80, v3, vm0, $0xb8;
	[tilespmem:$0x10800] =	vst v63  }
0x9b: {  	v3 =	vld [tilespmem:$0x30];
	_ =	sdelay $0x4  }
0x9c: {  	v59 =	vshll.u32 v3, $0x2  }
0x9d: {  	v3 =	vand.u32 $0x7, v3;
	v4 =	vand.u32 $0xFFFFFFE0, v59  }
0x9e: {  	v3 =	vor.u32 v3, v4  }
0x9f: {  	v4 =	vperm.xlane v3, v0;
	_ =	sdelay $0x1  }
0xa0: {  	v4 =	vadd.s32 v1, v4;
	_ =	sdelay $0x1  }
0xa1: {  	v3 =	vperm.xlane v3, v2;
	_ =	sdelay $0x1  }
0xa2: {  	s10 =	simm.s32 $0x6800;
	v3 =	vadd.s32 v1, v3  }
0xa3: {  	[tilespmem:s10], [sflag:$0x2] =	stream.indirect_vreg.gather [hbm4b:s2+s3], $0x80, v4, vm0, $0xb8;
	[tilespmem:$0x10800] =	vst v63  }
0xa4: {  	s12 =	simm.s32 $0x7000  }
0xa5: {  	[tilespmem:s12], [sflag:$0x2] =	stream.indirect_vreg.gather [hbm4b:s4+s3], $0x80, v4, vm0, $0xb8;
	[tilespmem:$0x10800] =	vst v63  }
0xa6: {  	s16 =	simm.s32 $0x7800  }
0xa7: {  	[tilespmem:s16], [sflag:$0x2] =	stream.indirect_vreg.gather [hbm4b:s2+s3], $0x80, v3, vm0, $0xb8;
	[tilespmem:$0x10800] =	vst v63  }
0xa8: {  	s17 =	simm.s32 $0x8000  }
0xa9: {  	[tilespmem:s17], [sflag:$0x2] =	stream.indirect_vreg.gather [hbm4b:s4+s3], $0x80, v3, vm0, $0xb8;
	[tilespmem:$0x10800] =	vst v63  }
0xaa: {  	_ =	swait.ge [sflag:s6], $0x40  }
0xab: {  	[sflag:s6] =	ssyncset.done $0x0  }
0xac: {  	[sflag:s6] =	ssyncadd.s32 $0xFFFFFFC0  }
0xad: {  	v3 =	vld [tilespmem:$0x80];
	_ =	sdelay $0x4  }
0xae: {  	v60 =	vshll.u32 v3, $0x2  }
0xaf: {  	v3 =	vand.u32 $0x7, v3;
	v4 =	vand.u32 $0xFFFFFFE0, v60  }
0xb0: {  	v3 =	vor.u32 v3, v4  }
0xb1: {  	v4 =	vperm.xlane v3, v0;
	_ =	sdelay $0x1  }
0xb2: {  	v4 =	vadd.s32 v1, v4;
	_ =	sdelay $0x1  }
0xb3: {  	v3 =	vperm.xlane v3, v2;
	_ =	sdelay $0x1  }
0xb4: {  	v3 =	vadd.s32 v1, v3  }
0xb5: {  	[tilespmem:s23], [sflag:$0x2] =	stream.indirect_vreg.gather [hbm4b:s2+s3], $0x80, v4, vm0, $0xb8;
	[tilespmem:$0x10800] =	vst v63  }
0xb6: {  	s18 =	simm.s32 $0x9000  }
0xb7: {  	[tilespmem:s18], [sflag:$0x2] =	stream.indirect_vreg.gather [hbm4b:s4+s3], $0x80, v4, vm0, $0xb8;
	[tilespmem:$0x10800] =	vst v63  }
0xb8: {  	s21 =	simm.s32 $0x9800  }
0xb9: {  	[tilespmem:s21], [sflag:$0x2] =	stream.indirect_vreg.gather [hbm4b:s2+s3], $0x80, v3, vm0, $0xb8;
	[tilespmem:$0x10800] =	vst v63  }
0xba: {  	s22 =	simm.s32 $0xA000  }
0xbb: {  	[tilespmem:s22], [sflag:$0x2] =	stream.indirect_vreg.gather [hbm4b:s4+s3], $0x80, v3, vm0, $0xb8;
	[tilespmem:$0x10800] =	vst v63  }
0xbc: {  	v3 =	vld [tilespmem:$0x90];
	_ =	sdelay $0x4  }
0xbd: {  	v61 =	vshll.u32 v3, $0x2  }
0xbe: {  	v3 =	vand.u32 $0x7, v3;
	v4 =	vand.u32 $0xFFFFFFE0, v61  }
0xbf: {  	v3 =	vor.u32 v3, v4  }
0xc0: {  	v4 =	vperm.xlane v3, v0;
	_ =	sdelay $0x1  }
0xc1: {  	v4 =	vadd.s32 v1, v4;
	_ =	sdelay $0x1  }
0xc2: {  	v3 =	vperm.xlane v3, v2;
	_ =	sdelay $0x1  }
0xc3: {  	s24 =	simm.s32 $0xA800;
	v3 =	vadd.s32 v1, v3  }
0xc4: {  	[tilespmem:s24], [sflag:$0x2] =	stream.indirect_vreg.gather [hbm4b:s2+s3], $0x80, v4, vm0, $0xb8;
	[tilespmem:$0x10800] =	vst v63  }
0xc5: {  	s29 =	simm.s32 $0xB000  }
0xc6: {  	[tilespmem:s29], [sflag:$0x2] =	stream.indirect_vreg.gather [hbm4b:s4+s3], $0x80, v4, vm0, $0xb8;
	[tilespmem:$0x10800] =	vst v63  }
0xc7: {  	s31 =	simm.s32 $0xB800  }
0xc8: {  	[tilespmem:s31], [sflag:$0x2] =	stream.indirect_vreg.gather [hbm4b:s2+s3], $0x80, v3, vm0, $0xb8;
	[tilespmem:$0x10800] =	vst v63  }
0xc9: {  	s0 =	simm.s32 $0xC000  }
0xca: {  	[tilespmem:s0], [sflag:$0x2] =	stream.indirect_vreg.gather [hbm4b:s4+s3], $0x80, v3, vm0, $0xb8;
	[tilespmem:$0x10800] =	vst v63  }
0xcb: {  	v3 =	vld [tilespmem:$0xA0];
	_ =	sdelay $0x4  }
0xcc: {  	v62 =	vshll.u32 v3, $0x2  }
0xcd: {  	v3 =	vand.u32 $0x7, v3;
	v4 =	vand.u32 $0xFFFFFFE0, v62  }
0xce: {  	v3 =	vor.u32 v3, v4  }
0xcf: {  	v4 =	vperm.xlane v3, v0;
	_ =	sdelay $0x1  }
0xd0: {  	v4 =	vadd.s32 v1, v4;
	_ =	sdelay $0x1  }
0xd1: {  	v3 =	vperm.xlane v3, v2;
	_ =	sdelay $0x1  }
0xd2: {  	s1 =	simm.s32 $0xC800;
	v3 =	vadd.s32 v1, v3  }
0xd3: {  	[tilespmem:s1], [sflag:$0x2] =	stream.indirect_vreg.gather [hbm4b:s2+s3], $0x80, v4, vm0, $0xb8;
	[tilespmem:$0x10800] =	vst v63  }
0xd4: {  	s5 =	simm.s32 $0xD000  }
0xd5: {  	[tilespmem:s5], [sflag:$0x2] =	stream.indirect_vreg.gather [hbm4b:s4+s3], $0x80, v4, vm0, $0xb8;
	[tilespmem:$0x10800] =	vst v63  }
0xd6: {  	s8 =	simm.s32 $0xD800  }
0xd7: {  	[tilespmem:s8], [sflag:$0x2] =	stream.indirect_vreg.gather [hbm4b:s2+s3], $0x80, v3, vm0, $0xb8;
	[tilespmem:$0x10800] =	vst v63  }
0xd8: {  	s9 =	simm.s32 $0xE000  }
0xd9: {  	[tilespmem:s9], [sflag:$0x2] =	stream.indirect_vreg.gather [hbm4b:s4+s3], $0x80, v3, vm0, $0xb8;
	[tilespmem:$0x10800] =	vst v63  }
0xda: {  	v3 =	vld [tilespmem:$0xB0];
	_ =	sdelay $0x4  }
0xdb: {  	v63 =	vshll.u32 v3, $0x2  }
0xdc: {  	v3 =	vand.u32 $0x7, v3;
	v4 =	vand.u32 $0xFFFFFFE0, v63  }
0xdd: {  	v3 =	vor.u32 v3, v4  }
0xde: {  	v4 =	vperm.xlane v3, v0;
	_ =	sdelay $0x1  }
0xdf: {  	v4 =	vadd.s32 v1, v4;
	_ =	sdelay $0x1  }
0xe0: {  	v3 =	vperm.xlane v3, v2;
	_ =	sdelay $0x1  }
0xe1: {  	s10 =	simm.s32 $0xE800;
	v3 =	vadd.s32 v1, v3  }
0xe2: {  	[tilespmem:s10], [sflag:$0x2] =	stream.indirect_vreg.gather [hbm4b:s2+s3], $0x80, v4, vm0, $0xb8;
	[tilespmem:$0x10800] =	vst v63  }
0xe3: {  	s24 =	simm.s32 $0xF000  }
0xe4: {  	[tilespmem:s24], [sflag:$0x2] =	stream.indirect_vreg.gather [hbm4b:s4+s3], $0x80, v4, vm0, $0xb8;
	[tilespmem:$0x10800] =	vst v63  }
0xe5: {  	s29 =	simm.s32 $0xF800  }
0xe6: {  	[tilespmem:s29], [sflag:$0x2] =	stream.indirect_vreg.gather [hbm4b:s2+s3], $0x80, v3, vm0, $0xb8;
	[tilespmem:$0x10800] =	vst v63  }
0xe7: {  	s31 =	simm.s32 $0x10000  }
0xe8: {  	[tilespmem:s31], [sflag:$0x2] =	stream.indirect_vreg.gather [hbm4b:s4+s3], $0x80, v3, vm0, $0xb8;
	[tilespmem:$0x10800] =	vst v63  }
0xe9: {  	_ =	swait.ge [sflag:s14], $0x8000  }
0xea: {  	[sflag:s14] =	ssyncset.done $0x0  }
0xeb: {  	s0 =	rddreg [dreg:$0x14];
	[sflag:s14] =	ssyncadd.s32 $0xFFFF8000  }
0xec: {  	[hbm4b:s0+s3] =	stream.linear.scatter [tilespmem:s7], [sflag:$0x3], $0x8000, $0x38;
	[tilespmem:$0x10800] =	vst v63  }
0xed: {  	_ =	swait.ge [sflag:s15], $0x8000  }
0xee: {  	[sflag:s15] =	ssyncset.done $0x0  }
0xef: {  	[sflag:s15] =	ssyncadd.s32 $0xFFFF8000  }
0xf0: {  	_ =	swait.ge [sflag:s6], $0x40  }
0xf1: {  	[sflag:s6] =	ssyncset.done $0x0  }
0xf2: {  	[sflag:s6] =	ssyncadd.s32 $0xFFFFFFC0  }
0xf3: {  	v3 =	vld [tilespmem:$0x100];
	_ =	sdelay $0x4  }
0xf4: {  	v8 =	vshll.u32 v3, $0x2  }
0xf5: {  	v3 =	vand.u32 $0x7, v3;
	v4 =	vand.u32 $0xFFFFFFE0, v8  }
0xf6: {  	v3 =	vor.u32 v3, v4  }
0xf7: {  	v4 =	vperm.xlane v3, v0;
	_ =	sdelay $0x1  }
0xf8: {  	v4 =	vadd.s32 v1, v4;
	_ =	sdelay $0x1  }
0xf9: {  	v3 =	vperm.xlane v3, v2;
	_ =	sdelay $0x1  }
0xfa: {  	v3 =	vadd.s32 v1, v3  }
0xfb: {  	[tilespmem:s7], [sflag:$0x2] =	stream.indirect_vreg.gather [hbm4b:s2+s3], $0x80, v4, vm0, $0xb8;
	[tilespmem:$0x10800] =	vst v63  }
0xfc: {  	s11 =	simm.s32 $0x1000  }
0xfd: {  	[tilespmem:s11], [sflag:$0x2] =	stream.indirect_vreg.gather [hbm4b:s4+s3], $0x80, v4, vm0, $0xb8;
	[tilespmem:$0x10800] =	vst v63  }
0xfe: {  	s25 =	simm.s32 $0x1800  }
0xff: {  	[tilespmem:s25], [sflag:$0x2] =	stream.indirect_vreg.gather [hbm4b:s2+s3], $0x80, v3, vm0, $0xb8;
	[tilespmem:$0x10800] =	vst v63  }
0x100: {  	s19 =	simm.s32 $0x2000  }
0x101: {  	[tilespmem:s19], [sflag:$0x2] =	stream.indirect_vreg.gather [hbm4b:s4+s3], $0x80, v3, vm0, $0xb8;
	[tilespmem:$0x10800] =	vst v63  }
0x102: {  	v3 =	vld [tilespmem:$0x110];
	_ =	sdelay $0x4  }
0x103: {  	v9 =	vshll.u32 v3, $0x2  }
0x104: {  	v3 =	vand.u32 $0x7, v3;
	v4 =	vand.u32 $0xFFFFFFE0, v9  }
0x105: {  	v3 =	vor.u32 v3, v4  }
0x106: {  	v4 =	vperm.xlane v3, v0;
	_ =	sdelay $0x1  }
0x107: {  	v4 =	vadd.s32 v1, v4;
	_ =	sdelay $0x1  }
0x108: {  	v3 =	vperm.xlane v3, v2;
	_ =	sdelay $0x1  }
0x109: {  	s13 =	simm.s32 $0x2800;
	v3 =	vadd.s32 v1, v3  }
0x10a: {  	[tilespmem:s13], [sflag:$0x2] =	stream.indirect_vreg.gather [hbm4b:s2+s3], $0x80, v4, vm0, $0xb8;
	[tilespmem:$0x10800] =	vst v63  }
0x10b: {  	s20 =	simm.s32 $0x3000  }
0x10c: {  	[tilespmem:s20], [sflag:$0x2] =	stream.indirect_vreg.gather [hbm4b:s4+s3], $0x80, v4, vm0, $0xb8;
	[tilespmem:$0x10800] =	vst v63  }
0x10d: {  	s25 =	simm.s32 $0x3800  }
0x10e: {  	[tilespmem:s25], [sflag:$0x2] =	stream.indirect_vreg.gather [hbm4b:s2+s3], $0x80, v3, vm0, $0xb8;
	[tilespmem:$0x10800] =	vst v63  }
0x10f: {  	s26 =	simm.s32 $0x4000  }
0x110: {  	[tilespmem:s26], [sflag:$0x2] =	stream.indirect_vreg.gather [hbm4b:s4+s3], $0x80, v3, vm0, $0xb8;
	[tilespmem:$0x10800] =	vst v63  }
0x111: {  	v3 =	vld [tilespmem:$0x120];
	_ =	sdelay $0x4  }
0x112: {  	v10 =	vshll.u32 v3, $0x2  }
0x113: {  	v3 =	vand.u32 $0x7, v3;
	v4 =	vand.u32 $0xFFFFFFE0, v10  }
0x114: {  	v3 =	vor.u32 v3, v4  }
0x115: {  	v4 =	vperm.xlane v3, v0;
	_ =	sdelay $0x1  }
0x116: {  	v4 =	vadd.s32 v1, v4;
	_ =	sdelay $0x1  }
0x117: {  	v3 =	vperm.xlane v3, v2;
	_ =	sdelay $0x1  }
0x118: {  	s26 =	simm.s32 $0x4800;
	v3 =	vadd.s32 v1, v3  }
0x119: {  	[tilespmem:s26], [sflag:$0x2] =	stream.indirect_vreg.gather [hbm4b:s2+s3], $0x80, v4, vm0, $0xb8;
	[tilespmem:$0x10800] =	vst v63  }
0x11a: {  	s28 =	simm.s32 $0x5000  }
0x11b: {  	[tilespmem:s28], [sflag:$0x2] =	stream.indirect_vreg.gather [hbm4b:s4+s3], $0x80, v4, vm0, $0xb8;
	[tilespmem:$0x10800] =	vst v63  }
0x11c: {  	s29 =	simm.s32 $0x5800  }
0x11d: {  	[tilespmem:s29], [sflag:$0x2] =	stream.indirect_vreg.gather [hbm4b:s2+s3], $0x80, v3, vm0, $0xb8;
	[tilespmem:$0x10800] =	vst v63  }
0x11e: {  	s30 =	simm.s32 $0x6000  }
0x11f: {  	[tilespmem:s30], [sflag:$0x2] =	stream.indirect_vreg.gather [hbm4b:s4+s3], $0x80, v3, vm0, $0xb8;
	[tilespmem:$0x10800] =	vst v63  }
0x120: {  	v3 =	vld [tilespmem:$0x130];
	_ =	sdelay $0x4  }
0x121: {  	v11 =	vshll.u32 v3, $0x2  }
0x122: {  	v3 =	vand.u32 $0x7, v3;
	v4 =	vand.u32 $0xFFFFFFE0, v11  }
0x123: {  	v3 =	vor.u32 v3, v4  }
0x124: {  	v4 =	vperm.xlane v3, v0;
	_ =	sdelay $0x1  }
0x125: {  	v4 =	vadd.s32 v1, v4;
	_ =	sdelay $0x1  }
0x126: {  	v3 =	vperm.xlane v3, v2;
	_ =	sdelay $0x1  }
0x127: {  	s30 =	simm.s32 $0x6800;
	v3 =	vadd.s32 v1, v3  }
0x128: {  	[tilespmem:s30], [sflag:$0x2] =	stream.indirect_vreg.gather [hbm4b:s2+s3], $0x80, v4, vm0, $0xb8;
	[tilespmem:$0x10800] =	vst v63  }
0x129: {  	s31 =	simm.s32 $0x7000  }
0x12a: {  	[tilespmem:s31], [sflag:$0x2] =	stream.indirect_vreg.gather [hbm4b:s4+s3], $0x80, v4, vm0, $0xb8;
	[tilespmem:$0x10800] =	vst v63  }
0x12b: {  	s28 =	simm.s32 $0x7800  }
0x12c: {  	[tilespmem:s28], [sflag:$0x2] =	stream.indirect_vreg.gather [hbm4b:s2+s3], $0x80, v3, vm0, $0xb8;
	[tilespmem:$0x10800] =	vst v63  }
0x12d: {  	s0 =	simm.s32 $0x8000  }
0x12e: {  	[tilespmem:s0], [sflag:$0x2] =	stream.indirect_vreg.gather [hbm4b:s4+s3], $0x80, v3, vm0, $0xb8;
	[tilespmem:$0x10800] =	vst v63  }
0x12f: {  	_ =	swait.ge [sflag:s14], $0x8000  }
0x130: {  	[sflag:s14] =	ssyncset.done $0x0  }
0x131: {  	s20 =	rddreg [dreg:$0x15];
	[sflag:s14] =	ssyncadd.s32 $0xFFFF8000  }
0x132: {  	[hbm4b:s20+s3] =	stream.linear.scatter [tilespmem:s23], [sflag:$0x3], $0x8000, $0x38;
	[tilespmem:$0x10800] =	vst v63  }
0x133: {  	_ =	swait.ge [sflag:s15], $0x8000  }
0x134: {  	[sflag:s15] =	ssyncset.done $0x0  }
0x135: {  	[sflag:s15] =	ssyncadd.s32 $0xFFFF8000  }
0x136: {  	_ =	swait.ge [sflag:s6], $0x40  }
0x137: {  	[sflag:s6] =	ssyncset.done $0x0  }
0x138: {  	[sflag:s6] =	ssyncadd.s32 $0xFFFFFFC0  }
0x139: {  	v3 =	vld [tilespmem:$0x180];
	_ =	sdelay $0x4  }
0x13a: {  	v12 =	vshll.u32 v3, $0x2  }
0x13b: {  	v3 =	vand.u32 $0x7, v3;
	v4 =	vand.u32 $0xFFFFFFE0, v12  }
0x13c: {  	v3 =	vor.u32 v3, v4  }
0x13d: {  	v4 =	vperm.xlane v3, v0;
	_ =	sdelay $0x1  }
0x13e: {  	v4 =	vadd.s32 v1, v4;
	_ =	sdelay $0x1  }
0x13f: {  	v3 =	vperm.xlane v3, v2;
	_ =	sdelay $0x1  }
0x140: {  	v3 =	vadd.s32 v1, v3  }
0x141: {  	[tilespmem:s23], [sflag:$0x2] =	stream.indirect_vreg.gather [hbm4b:s2+s3], $0x80, v4, vm0, $0xb8;
	[tilespmem:$0x10800] =	vst v63  }
0x142: {  	s13 =	simm.s32 $0x9000  }
0x143: {  	[tilespmem:s13], [sflag:$0x2] =	stream.indirect_vreg.gather [hbm4b:s4+s3], $0x80, v4, vm0, $0xb8;
	[tilespmem:$0x10800] =	vst v63  }
0x144: {  	s11 =	simm.s32 $0x9800  }
0x145: {  	[tilespmem:s11], [sflag:$0x2] =	stream.indirect_vreg.gather [hbm4b:s2+s3], $0x80, v3, vm0, $0xb8;
	[tilespmem:$0x10800] =	vst v63  }
0x146: {  	s12 =	simm.s32 $0xA000  }
0x147: {  	[tilespmem:s12], [sflag:$0x2] =	stream.indirect_vreg.gather [hbm4b:s4+s3], $0x80, v3, vm0, $0xb8;
	[tilespmem:$0x10800] =	vst v63  }
0x148: {  	v3 =	vld [tilespmem:$0x190];
	_ =	sdelay $0x4  }
0x149: {  	v13 =	vshll.u32 v3, $0x2  }
0x14a: {  	v3 =	vand.u32 $0x7, v3;
	v4 =	vand.u32 $0xFFFFFFE0, v13  }
0x14b: {  	v3 =	vor.u32 v3, v4  }
0x14c: {  	v4 =	vperm.xlane v3, v0;
	_ =	sdelay $0x1  }
0x14d: {  	v4 =	vadd.s32 v1, v4;
	_ =	sdelay $0x1  }
0x14e: {  	v3 =	vperm.xlane v3, v2;
	_ =	sdelay $0x1  }
0x14f: {  	s12 =	simm.s32 $0xA800;
	v3 =	vadd.s32 v1, v3  }
0x150: {  	[tilespmem:s12], [sflag:$0x2] =	stream.indirect_vreg.gather [hbm4b:s2+s3], $0x80, v4, vm0, $0xb8;
	[tilespmem:$0x10800] =	vst v63  }
0x151: {  	s20 =	simm.s32 $0xB000  }
0x152: {  	[tilespmem:s20], [sflag:$0x2] =	stream.indirect_vreg.gather [hbm4b:s4+s3], $0x80, v4, vm0, $0xb8;
	[tilespmem:$0x10800] =	vst v63  }
0x153: {  	s17 =	simm.s32 $0xB800  }
0x154: {  	[tilespmem:s17], [sflag:$0x2] =	stream.indirect_vreg.gather [hbm4b:s2+s3], $0x80, v3, vm0, $0xb8;
	[tilespmem:$0x10800] =	vst v63  }
0x155: {  	s21 =	simm.s32 $0xC000  }
0x156: {  	[tilespmem:s21], [sflag:$0x2] =	stream.indirect_vreg.gather [hbm4b:s4+s3], $0x80, v3, vm0, $0xb8;
	[tilespmem:$0x10800] =	vst v63  }
0x157: {  	v3 =	vld [tilespmem:$0x1A0];
	_ =	sdelay $0x4  }
0x158: {  	v14 =	vshll.u32 v3, $0x2  }
0x159: {  	v3 =	vand.u32 $0x7, v3;
	v4 =	vand.u32 $0xFFFFFFE0, v14  }
0x15a: {  	v3 =	vor.u32 v3, v4  }
0x15b: {  	v4 =	vperm.xlane v3, v0;
	_ =	sdelay $0x1  }
0x15c: {  	v4 =	vadd.s32 v1, v4;
	_ =	sdelay $0x1  }
0x15d: {  	v3 =	vperm.xlane v3, v2;
	_ =	sdelay $0x1  }
0x15e: {  	s18 =	simm.s32 $0xC800;
	v3 =	vadd.s32 v1, v3  }
0x15f: {  	[tilespmem:s18], [sflag:$0x2] =	stream.indirect_vreg.gather [hbm4b:s2+s3], $0x80, v4, vm0, $0xb8;
	[tilespmem:$0x10800] =	vst v63  }
0x160: {  	s1 =	simm.s32 $0xD000  }
0x161: {  	[tilespmem:s1], [sflag:$0x2] =	stream.indirect_vreg.gather [hbm4b:s4+s3], $0x80, v4, vm0, $0xb8;
	[tilespmem:$0x10800] =	vst v63  }
0x162: {  	s5 =	simm.s32 $0xD800  }
0x163: {  	[tilespmem:s5], [sflag:$0x2] =	stream.indirect_vreg.gather [hbm4b:s2+s3], $0x80, v3, vm0, $0xb8;
	[tilespmem:$0x10800] =	vst v63  }
0x164: {  	s22 =	simm.s32 $0xE000  }
0x165: {  	[tilespmem:s22], [sflag:$0x2] =	stream.indirect_vreg.gather [hbm4b:s4+s3], $0x80, v3, vm0, $0xb8;
	[tilespmem:$0x10800] =	vst v63  }
0x166: {  	v3 =	vld [tilespmem:$0x1B0];
	_ =	sdelay $0x4  }
0x167: {  	v15 =	vshll.u32 v3, $0x2  }
0x168: {  	v3 =	vand.u32 $0x7, v3;
	v4 =	vand.u32 $0xFFFFFFE0, v15  }
0x169: {  	v3 =	vor.u32 v3, v4  }
0x16a: {  	v4 =	vperm.xlane v3, v0;
	_ =	sdelay $0x1  }
0x16b: {  	v4 =	vadd.s32 v1, v4;
	_ =	sdelay $0x1  }
0x16c: {  	v3 =	vperm.xlane v3, v2;
	_ =	sdelay $0x1  }
0x16d: {  	s8 =	simm.s32 $0xE800;
	v3 =	vadd.s32 v1, v3  }
0x16e: {  	[tilespmem:s8], [sflag:$0x2] =	stream.indirect_vreg.gather [hbm4b:s2+s3], $0x80, v4, vm0, $0xb8;
	[tilespmem:$0x10800] =	vst v63  }
0x16f: {  	s9 =	simm.s32 $0xF000  }
0x170: {  	[tilespmem:s9], [sflag:$0x2] =	stream.indirect_vreg.gather [hbm4b:s4+s3], $0x80, v4, vm0, $0xb8;
	[tilespmem:$0x10800] =	vst v63  }
0x171: {  	s10 =	simm.s32 $0xF800  }
0x172: {  	[tilespmem:s10], [sflag:$0x2] =	stream.indirect_vreg.gather [hbm4b:s2+s3], $0x80, v3, vm0, $0xb8;
	[tilespmem:$0x10800] =	vst v63  }
0x173: {  	s24 =	simm.s32 $0x10000  }
0x174: {  	[tilespmem:s24], [sflag:$0x2] =	stream.indirect_vreg.gather [hbm4b:s4+s3], $0x80, v3, vm0, $0xb8;
	[tilespmem:$0x10800] =	vst v63  }
0x175: {  	_ =	swait.ge [sflag:s14], $0x8000  }
0x176: {  	[sflag:s14] =	ssyncset.done $0x0  }
0x177: {  	s24 =	rddreg [dreg:$0x16];
	[sflag:s14] =	ssyncadd.s32 $0xFFFF8000  }
0x178: {  	[hbm4b:s24+s3] =	stream.linear.scatter [tilespmem:s7], [sflag:$0x3], $0x8000, $0x38;
	[tilespmem:$0x10800] =	vst v63  }
0x179: {  	_ =	swait.ge [sflag:s15], $0x8000  }
0x17a: {  	[sflag:s15] =	ssyncset.done $0x0  }
0x17b: {  	[sflag:s15] =	ssyncadd.s32 $0xFFFF8000  }
0x17c: {  	_ =	swait.ge [sflag:s6], $0x40  }
0x17d: {  	[sflag:s6] =	ssyncset.done $0x0  }
0x17e: {  	[sflag:s6] =	ssyncadd.s32 $0xFFFFFFC0  }
0x17f: {  	v3 =	vld [tilespmem:$0x200];
	_ =	sdelay $0x4  }
0x180: {  	v16 =	vshll.u32 v3, $0x2  }
0x181: {  	v3 =	vand.u32 $0x7, v3;
	v4 =	vand.u32 $0xFFFFFFE0, v16  }
0x182: {  	v3 =	vor.u32 v3, v4  }
0x183: {  	v4 =	vperm.xlane v3, v0;
	_ =	sdelay $0x1  }
0x184: {  	v4 =	vadd.s32 v1, v4;
	_ =	sdelay $0x1  }
0x185: {  	v3 =	vperm.xlane v3, v2;
	_ =	sdelay $0x1  }
0x186: {  	v3 =	vadd.s32 v1, v3  }
0x187: {  	[tilespmem:s7], [sflag:$0x2] =	stream.indirect_vreg.gather [hbm4b:s2+s3], $0x80, v4, vm0, $0xb8;
	[tilespmem:$0x10800] =	vst v63  }
0x188: {  	s24 =	simm.s32 $0x1000  }
0x189: {  	[tilespmem:s24], [sflag:$0x2] =	stream.indirect_vreg.gather [hbm4b:s4+s3], $0x80, v4, vm0, $0xb8;
	[tilespmem:$0x10800] =	vst v63  }
0x18a: {  	s24 =	simm.s32 $0x1800  }
0x18b: {  	[tilespmem:s24], [sflag:$0x2] =	stream.indirect_vreg.gather [hbm4b:s2+s3], $0x80, v3, vm0, $0xb8;
	[tilespmem:$0x10800] =	vst v63  }
0x18c: {  	s24 =	simm.s32 $0x2000  }
0x18d: {  	[tilespmem:s24], [sflag:$0x2] =	stream.indirect_vreg.gather [hbm4b:s4+s3], $0x80, v3, vm0, $0xb8;
	[tilespmem:$0x10800] =	vst v63  }
0x18e: {  	v3 =	vld [tilespmem:$0x210];
	_ =	sdelay $0x4  }
0x18f: {  	v17 =	vshll.u32 v3, $0x2  }
0x190: {  	v3 =	vand.u32 $0x7, v3;
	v4 =	vand.u32 $0xFFFFFFE0, v17  }
0x191: {  	v3 =	vor.u32 v3, v4  }
0x192: {  	v4 =	vperm.xlane v3, v0;
	_ =	sdelay $0x1  }
0x193: {  	v4 =	vadd.s32 v1, v4;
	_ =	sdelay $0x1  }
0x194: {  	v3 =	vperm.xlane v3, v2;
	_ =	sdelay $0x1  }
0x195: {  	s24 =	simm.s32 $0x2800;
	v3 =	vadd.s32 v1, v3  }
0x196: {  	[tilespmem:s24], [sflag:$0x2] =	stream.indirect_vreg.gather [hbm4b:s2+s3], $0x80, v4, vm0, $0xb8;
	[tilespmem:$0x10800] =	vst v63  }
0x197: {  	s24 =	simm.s32 $0x3000  }
0x198: {  	[tilespmem:s24], [sflag:$0x2] =	stream.indirect_vreg.gather [hbm4b:s4+s3], $0x80, v4, vm0, $0xb8;
	[tilespmem:$0x10800] =	vst v63  }
0x199: {  	_ = 	snop  }
0x19a: {  	[tilespmem:s25], [sflag:$0x2] =	stream.indirect_vreg.gather [hbm4b:s2+s3], $0x80, v3, vm0, $0xb8;
	[tilespmem:$0x10800] =	vst v63  }
0x19b: {  	s24 =	simm.s32 $0x4000  }
0x19c: {  	[tilespmem:s24], [sflag:$0x2] =	stream.indirect_vreg.gather [hbm4b:s4+s3], $0x80, v3, vm0, $0xb8;
	[tilespmem:$0x10800] =	vst v63  }
0x19d: {  	v3 =	vld [tilespmem:$0x220];
	_ =	sdelay $0x4  }
0x19e: {  	v18 =	vshll.u32 v3, $0x2  }
0x19f: {  	v3 =	vand.u32 $0x7, v3;
	v4 =	vand.u32 $0xFFFFFFE0, v18  }
0x1a0: {  	v3 =	vor.u32 v3, v4  }
0x1a1: {  	v4 =	vperm.xlane v3, v0;
	_ =	sdelay $0x1  }
0x1a2: {  	v4 =	vadd.s32 v1, v4;
	_ =	sdelay $0x1  }
0x1a3: {  	v3 =	vperm.xlane v3, v2;
	_ =	sdelay $0x1  }
0x1a4: {  	v3 =	vadd.s32 v1, v3  }
0x1a5: {  	[tilespmem:s26], [sflag:$0x2] =	stream.indirect_vreg.gather [hbm4b:s2+s3], $0x80, v4, vm0, $0xb8;
	[tilespmem:$0x10800] =	vst v63  }
0x1a6: {  	s24 =	simm.s32 $0x5000  }
0x1a7: {  	[tilespmem:s24], [sflag:$0x2] =	stream.indirect_vreg.gather [hbm4b:s4+s3], $0x80, v4, vm0, $0xb8;
	[tilespmem:$0x10800] =	vst v63  }
0x1a8: {  	_ = 	snop  }
0x1a9: {  	[tilespmem:s29], [sflag:$0x2] =	stream.indirect_vreg.gather [hbm4b:s2+s3], $0x80, v3, vm0, $0xb8;
	[tilespmem:$0x10800] =	vst v63  }
0x1aa: {  	s29 =	simm.s32 $0x6000  }
0x1ab: {  	[tilespmem:s29], [sflag:$0x2] =	stream.indirect_vreg.gather [hbm4b:s4+s3], $0x80, v3, vm0, $0xb8;
	[tilespmem:$0x10800] =	vst v63  }
0x1ac: {  	v3 =	vld [tilespmem:$0x230];
	_ =	sdelay $0x4  }
0x1ad: {  	v19 =	vshll.u32 v3, $0x2  }
0x1ae: {  	v3 =	vand.u32 $0x7, v3;
	v4 =	vand.u32 $0xFFFFFFE0, v19  }
0x1af: {  	v3 =	vor.u32 v3, v4  }
0x1b0: {  	v4 =	vperm.xlane v3, v0;
	_ =	sdelay $0x1  }
0x1b1: {  	v4 =	vadd.s32 v1, v4;
	_ =	sdelay $0x1  }
0x1b2: {  	v3 =	vperm.xlane v3, v2;
	_ =	sdelay $0x1  }
0x1b3: {  	v3 =	vadd.s32 v1, v3  }
0x1b4: {  	[tilespmem:s30], [sflag:$0x2] =	stream.indirect_vreg.gather [hbm4b:s2+s3], $0x80, v4, vm0, $0xb8;
	[tilespmem:$0x10800] =	vst v63  }
0x1b5: {  	_ = 	snop  }
0x1b6: {  	[tilespmem:s31], [sflag:$0x2] =	stream.indirect_vreg.gather [hbm4b:s4+s3], $0x80, v4, vm0, $0xb8;
	[tilespmem:$0x10800] =	vst v63  }
0x1b7: {  	_ = 	snop  }
0x1b8: {  	[tilespmem:s28], [sflag:$0x2] =	stream.indirect_vreg.gather [hbm4b:s2+s3], $0x80, v3, vm0, $0xb8;
	[tilespmem:$0x10800] =	vst v63  }
0x1b9: {  	_ = 	snop  }
0x1ba: {  	[tilespmem:s0], [sflag:$0x2] =	stream.indirect_vreg.gather [hbm4b:s4+s3], $0x80, v3, vm0, $0xb8;
	[tilespmem:$0x10800] =	vst v63  }
0x1bb: {  	_ =	swait.ge [sflag:s14], $0x8000  }
0x1bc: {  	[sflag:s14] =	ssyncset.done $0x0  }
0x1bd: {  	s29 =	rddreg [dreg:$0x17];
	[sflag:s14] =	ssyncadd.s32 $0xFFFF8000  }
0x1be: {  	[hbm4b:s29+s3] =	stream.linear.scatter [tilespmem:s23], [sflag:$0x3], $0x8000, $0x38;
	[tilespmem:$0x10800] =	vst v63  }
0x1bf: {  	_ =	swait.ge [sflag:s15], $0x8000  }
0x1c0: {  	[sflag:s15] =	ssyncset.done $0x0  }
0x1c1: {  	[sflag:s15] =	ssyncadd.s32 $0xFFFF8000  }
0x1c2: {  	_ =	swait.ge [sflag:s6], $0x40  }
0x1c3: {  	[sflag:s6] =	ssyncset.done $0x0  }
0x1c4: {  	[sflag:s6] =	ssyncadd.s32 $0xFFFFFFC0  }
0x1c5: {  	v3 =	vld [tilespmem:$0x280];
	_ =	sdelay $0x4  }
0x1c6: {  	v20 =	vshll.u32 v3, $0x2  }
0x1c7: {  	v3 =	vand.u32 $0x7, v3;
	v4 =	vand.u32 $0xFFFFFFE0, v20  }
0x1c8: {  	v3 =	vor.u32 v3, v4  }
0x1c9: {  	v4 =	vperm.xlane v3, v0;
	_ =	sdelay $0x1  }
0x1ca: {  	v4 =	vadd.s32 v1, v4;
	_ =	sdelay $0x1  }
0x1cb: {  	v3 =	vperm.xlane v3, v2;
	_ =	sdelay $0x1  }
0x1cc: {  	v3 =	vadd.s32 v1, v3  }
0x1cd: {  	[tilespmem:s23], [sflag:$0x2] =	stream.indirect_vreg.gather [hbm4b:s2+s3], $0x80, v4, vm0, $0xb8;
	[tilespmem:$0x10800] =	vst v63  }
0x1ce: {  	_ = 	snop  }
0x1cf: {  	[tilespmem:s13], [sflag:$0x2] =	stream.indirect_vreg.gather [hbm4b:s4+s3], $0x80, v4, vm0, $0xb8;
	[tilespmem:$0x10800] =	vst v63  }
0x1d0: {  	_ = 	snop  }
0x1d1: {  	[tilespmem:s11], [sflag:$0x2] =	stream.indirect_vreg.gather [hbm4b:s2+s3], $0x80, v3, vm0, $0xb8;
	[tilespmem:$0x10800] =	vst v63  }
0x1d2: {  	s16 =	simm.s32 $0xA000  }
0x1d3: {  	[tilespmem:s16], [sflag:$0x2] =	stream.indirect_vreg.gather [hbm4b:s4+s3], $0x80, v3, vm0, $0xb8;
	[tilespmem:$0x10800] =	vst v63  }
0x1d4: {  	v3 =	vld [tilespmem:$0x290];
	_ =	sdelay $0x4  }
0x1d5: {  	v21 =	vshll.u32 v3, $0x2  }
0x1d6: {  	v3 =	vand.u32 $0x7, v3;
	v4 =	vand.u32 $0xFFFFFFE0, v21  }
0x1d7: {  	v3 =	vor.u32 v3, v4  }
0x1d8: {  	v4 =	vperm.xlane v3, v0;
	_ =	sdelay $0x1  }
0x1d9: {  	v4 =	vadd.s32 v1, v4;
	_ =	sdelay $0x1  }
0x1da: {  	v3 =	vperm.xlane v3, v2;
	_ =	sdelay $0x1  }
0x1db: {  	v3 =	vadd.s32 v1, v3  }
0x1dc: {  	[tilespmem:s12], [sflag:$0x2] =	stream.indirect_vreg.gather [hbm4b:s2+s3], $0x80, v4, vm0, $0xb8;
	[tilespmem:$0x10800] =	vst v63  }
0x1dd: {  	_ = 	snop  }
0x1de: {  	[tilespmem:s20], [sflag:$0x2] =	stream.indirect_vreg.gather [hbm4b:s4+s3], $0x80, v4, vm0, $0xb8;
	[tilespmem:$0x10800] =	vst v63  }
0x1df: {  	s17 =	simm.s32 $0xB800  }
0x1e0: {  	[tilespmem:s17], [sflag:$0x2] =	stream.indirect_vreg.gather [hbm4b:s2+s3], $0x80, v3, vm0, $0xb8;
	[tilespmem:$0x10800] =	vst v63  }
0x1e1: {  	s19 =	simm.s32 $0xC000  }
0x1e2: {  	[tilespmem:s19], [sflag:$0x2] =	stream.indirect_vreg.gather [hbm4b:s4+s3], $0x80, v3, vm0, $0xb8;
	[tilespmem:$0x10800] =	vst v63  }
0x1e3: {  	v3 =	vld [tilespmem:$0x2A0];
	_ =	sdelay $0x4  }
0x1e4: {  	v22 =	vshll.u32 v3, $0x2  }
0x1e5: {  	v3 =	vand.u32 $0x7, v3;
	v4 =	vand.u32 $0xFFFFFFE0, v22  }
0x1e6: {  	v3 =	vor.u32 v3, v4  }
0x1e7: {  	v4 =	vperm.xlane v3, v0;
	_ =	sdelay $0x1  }
0x1e8: {  	v4 =	vadd.s32 v1, v4;
	_ =	sdelay $0x1  }
0x1e9: {  	v3 =	vperm.xlane v3, v2;
	_ =	sdelay $0x1  }
0x1ea: {  	s18 =	simm.s32 $0xC800;
	v3 =	vadd.s32 v1, v3  }
0x1eb: {  	[tilespmem:s18], [sflag:$0x2] =	stream.indirect_vreg.gather [hbm4b:s2+s3], $0x80, v4, vm0, $0xb8;
	[tilespmem:$0x10800] =	vst v63  }
0x1ec: {  	s1 =	simm.s32 $0xD000  }
0x1ed: {  	[tilespmem:s1], [sflag:$0x2] =	stream.indirect_vreg.gather [hbm4b:s4+s3], $0x80, v4, vm0, $0xb8;
	[tilespmem:$0x10800] =	vst v63  }
0x1ee: {  	s5 =	simm.s32 $0xD800  }
0x1ef: {  	[tilespmem:s5], [sflag:$0x2] =	stream.indirect_vreg.gather [hbm4b:s2+s3], $0x80, v3, vm0, $0xb8;
	[tilespmem:$0x10800] =	vst v63  }
0x1f0: {  	s21 =	simm.s32 $0xE000  }
0x1f1: {  	[tilespmem:s21], [sflag:$0x2] =	stream.indirect_vreg.gather [hbm4b:s4+s3], $0x80, v3, vm0, $0xb8;
	[tilespmem:$0x10800] =	vst v63  }
0x1f2: {  	v3 =	vld [tilespmem:$0x2B0];
	_ =	sdelay $0x4  }
0x1f3: {  	v23 =	vshll.u32 v3, $0x2  }
0x1f4: {  	v3 =	vand.u32 $0x7, v3;
	v4 =	vand.u32 $0xFFFFFFE0, v23  }
0x1f5: {  	v3 =	vor.u32 v3, v4  }
0x1f6: {  	v4 =	vperm.xlane v3, v0;
	_ =	sdelay $0x1  }
0x1f7: {  	v4 =	vadd.s32 v1, v4;
	_ =	sdelay $0x1  }
0x1f8: {  	v3 =	vperm.xlane v3, v2;
	_ =	sdelay $0x1  }
0x1f9: {  	s8 =	simm.s32 $0xE800;
	v3 =	vadd.s32 v1, v3  }
0x1fa: {  	[tilespmem:s8], [sflag:$0x2] =	stream.indirect_vreg.gather [hbm4b:s2+s3], $0x80, v4, vm0, $0xb8;
	[tilespmem:$0x10800] =	vst v63  }
0x1fb: {  	s9 =	simm.s32 $0xF000  }
0x1fc: {  	[tilespmem:s9], [sflag:$0x2] =	stream.indirect_vreg.gather [hbm4b:s4+s3], $0x80, v4, vm0, $0xb8;
	[tilespmem:$0x10800] =	vst v63  }
0x1fd: {  	s10 =	simm.s32 $0xF800  }
0x1fe: {  	[tilespmem:s10], [sflag:$0x2] =	stream.indirect_vreg.gather [hbm4b:s2+s3], $0x80, v3, vm0, $0xb8;
	[tilespmem:$0x10800] =	vst v63  }
0x1ff: {  	s22 =	simm.s32 $0x10000  }
0x200: {  	[tilespmem:s22], [sflag:$0x2] =	stream.indirect_vreg.gather [hbm4b:s4+s3], $0x80, v3, vm0, $0xb8;
	[tilespmem:$0x10800] =	vst v63  }
0x201: {  	_ =	swait.ge [sflag:s14], $0x8000  }
0x202: {  	[sflag:s14] =	ssyncset.done $0x0  }
0x203: {  	s21 =	rddreg [dreg:$0x18];
	[sflag:s14] =	ssyncadd.s32 $0xFFFF8000  }
0x204: {  	[hbm4b:s21+s3] =	stream.linear.scatter [tilespmem:s7], [sflag:$0x3], $0x8000, $0x38;
	[tilespmem:$0x10800] =	vst v63  }
0x205: {  	_ =	swait.ge [sflag:s15], $0x8000  }
0x206: {  	[sflag:s15] =	ssyncset.done $0x0  }
0x207: {  	[sflag:s15] =	ssyncadd.s32 $0xFFFF8000  }
0x208: {  	_ =	swait.ge [sflag:s6], $0x40  }
0x209: {  	[sflag:s6] =	ssyncset.done $0x0  }
0x20a: {  	[sflag:s6] =	ssyncadd.s32 $0xFFFFFFC0  }
0x20b: {  	v3 =	vld [tilespmem:$0x300];
	_ =	sdelay $0x4  }
0x20c: {  	v24 =	vshll.u32 v3, $0x2  }
0x20d: {  	v3 =	vand.u32 $0x7, v3;
	v4 =	vand.u32 $0xFFFFFFE0, v24  }
0x20e: {  	v3 =	vor.u32 v3, v4  }
0x20f: {  	v4 =	vperm.xlane v3, v0;
	_ =	sdelay $0x1  }
0x210: {  	v4 =	vadd.s32 v1, v4;
	_ =	sdelay $0x1  }
0x211: {  	v3 =	vperm.xlane v3, v2;
	_ =	sdelay $0x1  }
0x212: {  	v3 =	vadd.s32 v1, v3  }
0x213: {  	[tilespmem:s7], [sflag:$0x2] =	stream.indirect_vreg.gather [hbm4b:s2+s3], $0x80, v4, vm0, $0xb8;
	[tilespmem:$0x10800] =	vst v63  }
0x214: {  	s22 =	simm.s32 $0x1000  }
0x215: {  	[tilespmem:s22], [sflag:$0x2] =	stream.indirect_vreg.gather [hbm4b:s4+s3], $0x80, v4, vm0, $0xb8;
	[tilespmem:$0x10800] =	vst v63  }
0x216: {  	s19 =	simm.s32 $0x1800  }
0x217: {  	[tilespmem:s19], [sflag:$0x2] =	stream.indirect_vreg.gather [hbm4b:s2+s3], $0x80, v3, vm0, $0xb8;
	[tilespmem:$0x10800] =	vst v63  }
0x218: {  	s21 =	simm.s32 $0x2000  }
0x219: {  	[tilespmem:s21], [sflag:$0x2] =	stream.indirect_vreg.gather [hbm4b:s4+s3], $0x80, v3, vm0, $0xb8;
	[tilespmem:$0x10800] =	vst v63  }
0x21a: {  	v3 =	vld [tilespmem:$0x310];
	_ =	sdelay $0x4  }
0x21b: {  	v25 =	vshll.u32 v3, $0x2  }
0x21c: {  	v3 =	vand.u32 $0x7, v3;
	v4 =	vand.u32 $0xFFFFFFE0, v25  }
0x21d: {  	v3 =	vor.u32 v3, v4  }
0x21e: {  	v4 =	vperm.xlane v3, v0;
	_ =	sdelay $0x1  }
0x21f: {  	v4 =	vadd.s32 v1, v4;
	_ =	sdelay $0x1  }
0x220: {  	v3 =	vperm.xlane v3, v2;
	_ =	sdelay $0x1  }
0x221: {  	s22 =	simm.s32 $0x2800;
	v3 =	vadd.s32 v1, v3  }
0x222: {  	[tilespmem:s22], [sflag:$0x2] =	stream.indirect_vreg.gather [hbm4b:s2+s3], $0x80, v4, vm0, $0xb8;
	[tilespmem:$0x10800] =	vst v63  }
0x223: {  	s19 =	simm.s32 $0x3000  }
0x224: {  	[tilespmem:s19], [sflag:$0x2] =	stream.indirect_vreg.gather [hbm4b:s4+s3], $0x80, v4, vm0, $0xb8;
	[tilespmem:$0x10800] =	vst v63  }
0x225: {  	s25 =	simm.s32 $0x3800  }
0x226: {  	[tilespmem:s25], [sflag:$0x2] =	stream.indirect_vreg.gather [hbm4b:s2+s3], $0x80, v3, vm0, $0xb8;
	[tilespmem:$0x10800] =	vst v63  }
0x227: {  	s21 =	simm.s32 $0x4000  }
0x228: {  	[tilespmem:s21], [sflag:$0x2] =	stream.indirect_vreg.gather [hbm4b:s4+s3], $0x80, v3, vm0, $0xb8;
	[tilespmem:$0x10800] =	vst v63  }
0x229: {  	v3 =	vld [tilespmem:$0x320];
	_ =	sdelay $0x4  }
0x22a: {  	v26 =	vshll.u32 v3, $0x2  }
0x22b: {  	v3 =	vand.u32 $0x7, v3;
	v4 =	vand.u32 $0xFFFFFFE0, v26  }
0x22c: {  	v3 =	vor.u32 v3, v4  }
0x22d: {  	v4 =	vperm.xlane v3, v0;
	_ =	sdelay $0x1  }
0x22e: {  	v4 =	vadd.s32 v1, v4;
	_ =	sdelay $0x1  }
0x22f: {  	v3 =	vperm.xlane v3, v2;
	_ =	sdelay $0x1  }
0x230: {  	s26 =	simm.s32 $0x4800;
	v3 =	vadd.s32 v1, v3  }
0x231: {  	[tilespmem:s26], [sflag:$0x2] =	stream.indirect_vreg.gather [hbm4b:s2+s3], $0x80, v4, vm0, $0xb8;
	[tilespmem:$0x10800] =	vst v63  }
0x232: {  	s22 =	simm.s32 $0x5000  }
0x233: {  	[tilespmem:s22], [sflag:$0x2] =	stream.indirect_vreg.gather [hbm4b:s4+s3], $0x80, v4, vm0, $0xb8;
	[tilespmem:$0x10800] =	vst v63  }
0x234: {  	s24 =	simm.s32 $0x5800  }
0x235: {  	[tilespmem:s24], [sflag:$0x2] =	stream.indirect_vreg.gather [hbm4b:s2+s3], $0x80, v3, vm0, $0xb8;
	[tilespmem:$0x10800] =	vst v63  }
0x236: {  	s24 =	simm.s32 $0x6000  }
0x237: {  	[tilespmem:s24], [sflag:$0x2] =	stream.indirect_vreg.gather [hbm4b:s4+s3], $0x80, v3, vm0, $0xb8;
	[tilespmem:$0x10800] =	vst v63  }
0x238: {  	v3 =	vld [tilespmem:$0x330];
	_ =	sdelay $0x4  }
0x239: {  	v27 =	vshll.u32 v3, $0x2  }
0x23a: {  	v3 =	vand.u32 $0x7, v3;
	v4 =	vand.u32 $0xFFFFFFE0, v27  }
0x23b: {  	v3 =	vor.u32 v3, v4  }
0x23c: {  	v4 =	vperm.xlane v3, v0;
	_ =	sdelay $0x1  }
0x23d: {  	v4 =	vadd.s32 v1, v4;
	_ =	sdelay $0x1  }
0x23e: {  	v3 =	vperm.xlane v3, v2;
	_ =	sdelay $0x1  }
0x23f: {  	s30 =	simm.s32 $0x6800;
	v3 =	vadd.s32 v1, v3  }
0x240: {  	[tilespmem:s30], [sflag:$0x2] =	stream.indirect_vreg.gather [hbm4b:s2+s3], $0x80, v4, vm0, $0xb8;
	[tilespmem:$0x10800] =	vst v63  }
0x241: {  	s31 =	simm.s32 $0x7000  }
0x242: {  	[tilespmem:s31], [sflag:$0x2] =	stream.indirect_vreg.gather [hbm4b:s4+s3], $0x80, v4, vm0, $0xb8;
	[tilespmem:$0x10800] =	vst v63  }
0x243: {  	s28 =	simm.s32 $0x7800  }
0x244: {  	[tilespmem:s28], [sflag:$0x2] =	stream.indirect_vreg.gather [hbm4b:s2+s3], $0x80, v3, vm0, $0xb8;
	[tilespmem:$0x10800] =	vst v63  }
0x245: {  	s0 =	simm.s32 $0x8000  }
0x246: {  	[tilespmem:s0], [sflag:$0x2] =	stream.indirect_vreg.gather [hbm4b:s4+s3], $0x80, v3, vm0, $0xb8;
	[tilespmem:$0x10800] =	vst v63  }
0x247: {  	_ =	swait.ge [sflag:s14], $0x8000  }
0x248: {  	[sflag:s14] =	ssyncset.done $0x0  }
0x249: {  	s0 =	rddreg [dreg:$0x19];
	[sflag:s14] =	ssyncadd.s32 $0xFFFF8000  }
0x24a: {  	[hbm4b:s0+s3] =	stream.linear.scatter [tilespmem:s23], [sflag:$0x3], $0x8000, $0x38;
	[tilespmem:$0x10800] =	vst v63  }
0x24b: {  	_ =	swait.ge [sflag:s15], $0x8000  }
0x24c: {  	[sflag:s15] =	ssyncset.done $0x0  }
0x24d: {  	[sflag:s15] =	ssyncadd.s32 $0xFFFF8000  }
0x24e: {  	_ =	swait.ge [sflag:s6], $0x40  }
0x24f: {  	[sflag:s6] =	ssyncset.done $0x0  }
0x250: {  	[sflag:s6] =	ssyncadd.s32 $0xFFFFFFC0  }
0x251: {  	v3 =	vld [tilespmem:$0x380];
	_ =	sdelay $0x4  }
0x252: {  	v28 =	vshll.u32 v3, $0x2  }
0x253: {  	v3 =	vand.u32 $0x7, v3;
	v4 =	vand.u32 $0xFFFFFFE0, v28  }
0x254: {  	v3 =	vor.u32 v3, v4  }
0x255: {  	v4 =	vperm.xlane v3, v0;
	_ =	sdelay $0x1  }
0x256: {  	v4 =	vadd.s32 v1, v4;
	_ =	sdelay $0x1  }
0x257: {  	v3 =	vperm.xlane v3, v2;
	_ =	sdelay $0x1  }
0x258: {  	v3 =	vadd.s32 v1, v3  }
0x259: {  	[tilespmem:s23], [sflag:$0x2] =	stream.indirect_vreg.gather [hbm4b:s2+s3], $0x80, v4, vm0, $0xb8;
	[tilespmem:$0x10800] =	vst v63  }
0x25a: {  	s19 =	simm.s32 $0x9000  }
0x25b: {  	[tilespmem:s19], [sflag:$0x2] =	stream.indirect_vreg.gather [hbm4b:s4+s3], $0x80, v4, vm0, $0xb8;
	[tilespmem:$0x10800] =	vst v63  }
0x25c: {  	s29 =	simm.s32 $0x9800  }
0x25d: {  	[tilespmem:s29], [sflag:$0x2] =	stream.indirect_vreg.gather [hbm4b:s2+s3], $0x80, v3, vm0, $0xb8;
	[tilespmem:$0x10800] =	vst v63  }
0x25e: {  	s29 =	simm.s32 $0xA000  }
0x25f: {  	[tilespmem:s29], [sflag:$0x2] =	stream.indirect_vreg.gather [hbm4b:s4+s3], $0x80, v3, vm0, $0xb8;
	[tilespmem:$0x10800] =	vst v63  }
0x260: {  	v3 =	vld [tilespmem:$0x390];
	_ =	sdelay $0x4  }
0x261: {  	v29 =	vshll.u32 v3, $0x2  }
0x262: {  	v3 =	vand.u32 $0x7, v3;
	v4 =	vand.u32 $0xFFFFFFE0, v29  }
0x263: {  	v3 =	vor.u32 v3, v4  }
0x264: {  	v4 =	vperm.xlane v3, v0;
	_ =	sdelay $0x1  }
0x265: {  	v4 =	vadd.s32 v1, v4;
	_ =	sdelay $0x1  }
0x266: {  	v3 =	vperm.xlane v3, v2;
	_ =	sdelay $0x1  }
0x267: {  	s12 =	simm.s32 $0xA800;
	v3 =	vadd.s32 v1, v3  }
0x268: {  	[tilespmem:s12], [sflag:$0x2] =	stream.indirect_vreg.gather [hbm4b:s2+s3], $0x80, v4, vm0, $0xb8;
	[tilespmem:$0x10800] =	vst v63  }
0x269: {  	s13 =	simm.s32 $0xB000  }
0x26a: {  	[tilespmem:s13], [sflag:$0x2] =	stream.indirect_vreg.gather [hbm4b:s4+s3], $0x80, v4, vm0, $0xb8;
	[tilespmem:$0x10800] =	vst v63  }
0x26b: {  	s16 =	simm.s32 $0xB800  }
0x26c: {  	[tilespmem:s16], [sflag:$0x2] =	stream.indirect_vreg.gather [hbm4b:s2+s3], $0x80, v3, vm0, $0xb8;
	[tilespmem:$0x10800] =	vst v63  }
0x26d: {  	s20 =	simm.s32 $0xC000  }
0x26e: {  	[tilespmem:s20], [sflag:$0x2] =	stream.indirect_vreg.gather [hbm4b:s4+s3], $0x80, v3, vm0, $0xb8;
	[tilespmem:$0x10800] =	vst v63  }
0x26f: {  	v3 =	vld [tilespmem:$0x3A0];
	_ =	sdelay $0x4  }
0x270: {  	v30 =	vshll.u32 v3, $0x2  }
0x271: {  	v3 =	vand.u32 $0x7, v3;
	v4 =	vand.u32 $0xFFFFFFE0, v30  }
0x272: {  	v3 =	vor.u32 v3, v4  }
0x273: {  	v4 =	vperm.xlane v3, v0;
	_ =	sdelay $0x1  }
0x274: {  	v4 =	vadd.s32 v1, v4;
	_ =	sdelay $0x1  }
0x275: {  	v3 =	vperm.xlane v3, v2;
	_ =	sdelay $0x1  }
0x276: {  	s17 =	simm.s32 $0xC800;
	v3 =	vadd.s32 v1, v3  }
0x277: {  	[tilespmem:s17], [sflag:$0x2] =	stream.indirect_vreg.gather [hbm4b:s2+s3], $0x80, v4, vm0, $0xb8;
	[tilespmem:$0x10800] =	vst v63  }
0x278: {  	s1 =	simm.s32 $0xD000  }
0x279: {  	[tilespmem:s1], [sflag:$0x2] =	stream.indirect_vreg.gather [hbm4b:s4+s3], $0x80, v4, vm0, $0xb8;
	[tilespmem:$0x10800] =	vst v63  }
0x27a: {  	s5 =	simm.s32 $0xD800  }
0x27b: {  	[tilespmem:s5], [sflag:$0x2] =	stream.indirect_vreg.gather [hbm4b:s2+s3], $0x80, v3, vm0, $0xb8;
	[tilespmem:$0x10800] =	vst v63  }
0x27c: {  	s18 =	simm.s32 $0xE000  }
0x27d: {  	[tilespmem:s18], [sflag:$0x2] =	stream.indirect_vreg.gather [hbm4b:s4+s3], $0x80, v3, vm0, $0xb8;
	[tilespmem:$0x10800] =	vst v63  }
0x27e: {  	v3 =	vld [tilespmem:$0x3B0];
	_ =	sdelay $0x4  }
0x27f: {  	v31 =	vshll.u32 v3, $0x2  }
0x280: {  	v3 =	vand.u32 $0x7, v3;
	v4 =	vand.u32 $0xFFFFFFE0, v31  }
0x281: {  	v3 =	vor.u32 v3, v4  }
0x282: {  	v4 =	vperm.xlane v3, v0;
	_ =	sdelay $0x1  }
0x283: {  	v4 =	vadd.s32 v1, v4;
	_ =	sdelay $0x1  }
0x284: {  	v3 =	vperm.xlane v3, v2;
	_ =	sdelay $0x1  }
0x285: {  	s8 =	simm.s32 $0xE800;
	v3 =	vadd.s32 v1, v3  }
0x286: {  	[tilespmem:s8], [sflag:$0x2] =	stream.indirect_vreg.gather [hbm4b:s2+s3], $0x80, v4, vm0, $0xb8;
	[tilespmem:$0x10800] =	vst v63  }
0x287: {  	s9 =	simm.s32 $0xF000  }
0x288: {  	[tilespmem:s9], [sflag:$0x2] =	stream.indirect_vreg.gather [hbm4b:s4+s3], $0x80, v4, vm0, $0xb8;
	[tilespmem:$0x10800] =	vst v63  }
0x289: {  	s10 =	simm.s32 $0xF800  }
0x28a: {  	[tilespmem:s10], [sflag:$0x2] =	stream.indirect_vreg.gather [hbm4b:s2+s3], $0x80, v3, vm0, $0xb8;
	[tilespmem:$0x10800] =	vst v63  }
0x28b: {  	s11 =	simm.s32 $0x10000  }
0x28c: {  	[tilespmem:s11], [sflag:$0x2] =	stream.indirect_vreg.gather [hbm4b:s4+s3], $0x80, v3, vm0, $0xb8;
	[tilespmem:$0x10800] =	vst v63  }
0x28d: {  	_ =	swait.ge [sflag:s14], $0x8000  }
0x28e: {  	[sflag:s14] =	ssyncset.done $0x0  }
0x28f: {  	s11 =	rddreg [dreg:$0x1a];
	[sflag:s14] =	ssyncadd.s32 $0xFFFF8000  }
0x290: {  	[hbm4b:s11+s3] =	stream.linear.scatter [tilespmem:s7], [sflag:$0x3], $0x8000, $0x38;
	[tilespmem:$0x10800] =	vst v63  }
0x291: {  	_ =	swait.ge [sflag:s15], $0x8000  }
0x292: {  	[sflag:s15] =	ssyncset.done $0x0  }
0x293: {  	[sflag:s15] =	ssyncadd.s32 $0xFFFF8000  }
0x294: {  	_ =	swait.ge [sflag:s6], $0x40  }
0x295: {  	[sflag:s6] =	ssyncset.done $0x0  }
0x296: {  	[sflag:s6] =	ssyncadd.s32 $0xFFFFFFC0  }
0x297: {  	v3 =	vld [tilespmem:$0x400];
	_ =	sdelay $0x4  }
0x298: {  	v32 =	vshll.u32 v3, $0x2  }
0x299: {  	v3 =	vand.u32 $0x7, v3;
	v4 =	vand.u32 $0xFFFFFFE0, v32  }
0x29a: {  	v3 =	vor.u32 v3, v4  }
0x29b: {  	v4 =	vperm.xlane v3, v0;
	_ =	sdelay $0x1  }
0x29c: {  	v4 =	vadd.s32 v1, v4;
	_ =	sdelay $0x1  }
0x29d: {  	v3 =	vperm.xlane v3, v2;
	_ =	sdelay $0x1  }
0x29e: {  	v3 =	vadd.s32 v1, v3  }
0x29f: {  	[tilespmem:s7], [sflag:$0x2] =	stream.indirect_vreg.gather [hbm4b:s2+s3], $0x80, v4, vm0, $0xb8;
	[tilespmem:$0x10800] =	vst v63  }
0x2a0: {  	s16 =	simm.s32 $0x1000  }
0x2a1: {  	[tilespmem:s16], [sflag:$0x2] =	stream.indirect_vreg.gather [hbm4b:s4+s3], $0x80, v4, vm0, $0xb8;
	[tilespmem:$0x10800] =	vst v63  }
0x2a2: {  	s16 =	simm.s32 $0x1800  }
0x2a3: {  	[tilespmem:s16], [sflag:$0x2] =	stream.indirect_vreg.gather [hbm4b:s2+s3], $0x80, v3, vm0, $0xb8;
	[tilespmem:$0x10800] =	vst v63  }
0x2a4: {  	s16 =	simm.s32 $0x2000  }
0x2a5: {  	[tilespmem:s16], [sflag:$0x2] =	stream.indirect_vreg.gather [hbm4b:s4+s3], $0x80, v3, vm0, $0xb8;
	[tilespmem:$0x10800] =	vst v63  }
0x2a6: {  	v3 =	vld [tilespmem:$0x410];
	_ =	sdelay $0x4  }
0x2a7: {  	v33 =	vshll.u32 v3, $0x2  }
0x2a8: {  	v3 =	vand.u32 $0x7, v3;
	v4 =	vand.u32 $0xFFFFFFE0, v33  }
0x2a9: {  	v3 =	vor.u32 v3, v4  }
0x2aa: {  	v4 =	vperm.xlane v3, v0;
	_ =	sdelay $0x1  }
0x2ab: {  	v4 =	vadd.s32 v1, v4;
	_ =	sdelay $0x1  }
0x2ac: {  	v3 =	vperm.xlane v3, v2;
	_ =	sdelay $0x1  }
0x2ad: {  	s16 =	simm.s32 $0x2800;
	v3 =	vadd.s32 v1, v3  }
0x2ae: {  	[tilespmem:s16], [sflag:$0x2] =	stream.indirect_vreg.gather [hbm4b:s2+s3], $0x80, v4, vm0, $0xb8;
	[tilespmem:$0x10800] =	vst v63  }
0x2af: {  	s16 =	simm.s32 $0x3000  }
0x2b0: {  	[tilespmem:s16], [sflag:$0x2] =	stream.indirect_vreg.gather [hbm4b:s4+s3], $0x80, v4, vm0, $0xb8;
	[tilespmem:$0x10800] =	vst v63  }
0x2b1: {  	s25 =	simm.s32 $0x3800  }
0x2b2: {  	[tilespmem:s25], [sflag:$0x2] =	stream.indirect_vreg.gather [hbm4b:s2+s3], $0x80, v3, vm0, $0xb8;
	[tilespmem:$0x10800] =	vst v63  }
0x2b3: {  	s16 =	simm.s32 $0x4000  }
0x2b4: {  	[tilespmem:s16], [sflag:$0x2] =	stream.indirect_vreg.gather [hbm4b:s4+s3], $0x80, v3, vm0, $0xb8;
	[tilespmem:$0x10800] =	vst v63  }
0x2b5: {  	v3 =	vld [tilespmem:$0x420];
	_ =	sdelay $0x4  }
0x2b6: {  	v34 =	vshll.u32 v3, $0x2  }
0x2b7: {  	v3 =	vand.u32 $0x7, v3;
	v4 =	vand.u32 $0xFFFFFFE0, v34  }
0x2b8: {  	v3 =	vor.u32 v3, v4  }
0x2b9: {  	v4 =	vperm.xlane v3, v0;
	_ =	sdelay $0x1  }
0x2ba: {  	v4 =	vadd.s32 v1, v4;
	_ =	sdelay $0x1  }
0x2bb: {  	v3 =	vperm.xlane v3, v2;
	_ =	sdelay $0x1  }
0x2bc: {  	s26 =	simm.s32 $0x4800;
	v3 =	vadd.s32 v1, v3  }
0x2bd: {  	[tilespmem:s26], [sflag:$0x2] =	stream.indirect_vreg.gather [hbm4b:s2+s3], $0x80, v4, vm0, $0xb8;
	[tilespmem:$0x10800] =	vst v63  }
0x2be: {  	s16 =	simm.s32 $0x5000  }
0x2bf: {  	[tilespmem:s16], [sflag:$0x2] =	stream.indirect_vreg.gather [hbm4b:s4+s3], $0x80, v4, vm0, $0xb8;
	[tilespmem:$0x10800] =	vst v63  }
0x2c0: {  	s22 =	simm.s32 $0x5800  }
0x2c1: {  	[tilespmem:s22], [sflag:$0x2] =	stream.indirect_vreg.gather [hbm4b:s2+s3], $0x80, v3, vm0, $0xb8;
	[tilespmem:$0x10800] =	vst v63  }
0x2c2: {  	s16 =	simm.s32 $0x6000  }
0x2c3: {  	[tilespmem:s16], [sflag:$0x2] =	stream.indirect_vreg.gather [hbm4b:s4+s3], $0x80, v3, vm0, $0xb8;
	[tilespmem:$0x10800] =	vst v63  }
0x2c4: {  	v3 =	vld [tilespmem:$0x430];
	_ =	sdelay $0x4  }
0x2c5: {  	v35 =	vshll.u32 v3, $0x2  }
0x2c6: {  	v3 =	vand.u32 $0x7, v3;
	v4 =	vand.u32 $0xFFFFFFE0, v35  }
0x2c7: {  	v3 =	vor.u32 v3, v4  }
0x2c8: {  	v4 =	vperm.xlane v3, v0;
	_ =	sdelay $0x1  }
0x2c9: {  	v4 =	vadd.s32 v1, v4;
	_ =	sdelay $0x1  }
0x2ca: {  	v3 =	vperm.xlane v3, v2;
	_ =	sdelay $0x1  }
0x2cb: {  	s21 =	simm.s32 $0x6800;
	v3 =	vadd.s32 v1, v3  }
0x2cc: {  	[tilespmem:s21], [sflag:$0x2] =	stream.indirect_vreg.gather [hbm4b:s2+s3], $0x80, v4, vm0, $0xb8;
	[tilespmem:$0x10800] =	vst v63  }
0x2cd: {  	s31 =	simm.s32 $0x7000  }
0x2ce: {  	[tilespmem:s31], [sflag:$0x2] =	stream.indirect_vreg.gather [hbm4b:s4+s3], $0x80, v4, vm0, $0xb8;
	[tilespmem:$0x10800] =	vst v63  }
0x2cf: {  	s28 =	simm.s32 $0x7800  }
0x2d0: {  	[tilespmem:s28], [sflag:$0x2] =	stream.indirect_vreg.gather [hbm4b:s2+s3], $0x80, v3, vm0, $0xb8;
	[tilespmem:$0x10800] =	vst v63  }
0x2d1: {  	s24 =	simm.s32 $0x8000  }
0x2d2: {  	[tilespmem:s24], [sflag:$0x2] =	stream.indirect_vreg.gather [hbm4b:s4+s3], $0x80, v3, vm0, $0xb8;
	[tilespmem:$0x10800] =	vst v63  }
0x2d3: {  	_ =	swait.ge [sflag:s14], $0x8000  }
0x2d4: {  	[sflag:s14] =	ssyncset.done $0x0  }
0x2d5: {  	s28 =	rddreg [dreg:$0x1b];
	[sflag:s14] =	ssyncadd.s32 $0xFFFF8000  }
0x2d6: {  	[hbm4b:s28+s3] =	stream.linear.scatter [tilespmem:s23], [sflag:$0x3], $0x8000, $0x38;
	[tilespmem:$0x10800] =	vst v63  }
0x2d7: {  	_ =	swait.ge [sflag:s15], $0x8000  }
0x2d8: {  	[sflag:s15] =	ssyncset.done $0x0  }
0x2d9: {  	[sflag:s15] =	ssyncadd.s32 $0xFFFF8000  }
0x2da: {  	_ =	swait.ge [sflag:s6], $0x40  }
0x2db: {  	[sflag:s6] =	ssyncset.done $0x0  }
0x2dc: {  	[sflag:s6] =	ssyncadd.s32 $0xFFFFFFC0  }
0x2dd: {  	v3 =	vld [tilespmem:$0x480];
	_ =	sdelay $0x4  }
0x2de: {  	v36 =	vshll.u32 v3, $0x2  }
0x2df: {  	v3 =	vand.u32 $0x7, v3;
	v4 =	vand.u32 $0xFFFFFFE0, v36  }
0x2e0: {  	v3 =	vor.u32 v3, v4  }
0x2e1: {  	v4 =	vperm.xlane v3, v0;
	_ =	sdelay $0x1  }
0x2e2: {  	v4 =	vadd.s32 v1, v4;
	_ =	sdelay $0x1  }
0x2e3: {  	v3 =	vperm.xlane v3, v2;
	_ =	sdelay $0x1  }
0x2e4: {  	v3 =	vadd.s32 v1, v3  }
0x2e5: {  	[tilespmem:s23], [sflag:$0x2] =	stream.indirect_vreg.gather [hbm4b:s2+s3], $0x80, v4, vm0, $0xb8;
	[tilespmem:$0x10800] =	vst v63  }
0x2e6: {  	s31 =	simm.s32 $0x9000  }
0x2e7: {  	[tilespmem:s31], [sflag:$0x2] =	stream.indirect_vreg.gather [hbm4b:s4+s3], $0x80, v4, vm0, $0xb8;
	[tilespmem:$0x10800] =	vst v63  }
0x2e8: {  	s30 =	simm.s32 $0x9800  }
0x2e9: {  	[tilespmem:s30], [sflag:$0x2] =	stream.indirect_vreg.gather [hbm4b:s2+s3], $0x80, v3, vm0, $0xb8;
	[tilespmem:$0x10800] =	vst v63  }
0x2ea: {  	s19 =	simm.s32 $0xA000  }
0x2eb: {  	[tilespmem:s19], [sflag:$0x2] =	stream.indirect_vreg.gather [hbm4b:s4+s3], $0x80, v3, vm0, $0xb8;
	[tilespmem:$0x10800] =	vst v63  }
0x2ec: {  	v3 =	vld [tilespmem:$0x490];
	_ =	sdelay $0x4  }
0x2ed: {  	v37 =	vshll.u32 v3, $0x2  }
0x2ee: {  	v3 =	vand.u32 $0x7, v3;
	v4 =	vand.u32 $0xFFFFFFE0, v37  }
0x2ef: {  	v3 =	vor.u32 v3, v4  }
0x2f0: {  	v4 =	vperm.xlane v3, v0;
	_ =	sdelay $0x1  }
0x2f1: {  	v4 =	vadd.s32 v1, v4;
	_ =	sdelay $0x1  }
0x2f2: {  	v3 =	vperm.xlane v3, v2;
	_ =	sdelay $0x1  }
0x2f3: {  	s29 =	simm.s32 $0xA800;
	v3 =	vadd.s32 v1, v3  }
0x2f4: {  	[tilespmem:s29], [sflag:$0x2] =	stream.indirect_vreg.gather [hbm4b:s2+s3], $0x80, v4, vm0, $0xb8;
	[tilespmem:$0x10800] =	vst v63  }
0x2f5: {  	s13 =	simm.s32 $0xB000  }
0x2f6: {  	[tilespmem:s13], [sflag:$0x2] =	stream.indirect_vreg.gather [hbm4b:s4+s3], $0x80, v4, vm0, $0xb8;
	[tilespmem:$0x10800] =	vst v63  }
0x2f7: {  	s0 =	simm.s32 $0xB800  }
0x2f8: {  	[tilespmem:s0], [sflag:$0x2] =	stream.indirect_vreg.gather [hbm4b:s2+s3], $0x80, v3, vm0, $0xb8;
	[tilespmem:$0x10800] =	vst v63  }
0x2f9: {  	s20 =	simm.s32 $0xC000  }
0x2fa: {  	[tilespmem:s20], [sflag:$0x2] =	stream.indirect_vreg.gather [hbm4b:s4+s3], $0x80, v3, vm0, $0xb8;
	[tilespmem:$0x10800] =	vst v63  }
0x2fb: {  	v3 =	vld [tilespmem:$0x4A0];
	_ =	sdelay $0x4  }
0x2fc: {  	v38 =	vshll.u32 v3, $0x2  }
0x2fd: {  	v3 =	vand.u32 $0x7, v3;
	v4 =	vand.u32 $0xFFFFFFE0, v38  }
0x2fe: {  	v3 =	vor.u32 v3, v4  }
0x2ff: {  	v4 =	vperm.xlane v3, v0;
	_ =	sdelay $0x1  }
0x300: {  	v4 =	vadd.s32 v1, v4;
	_ =	sdelay $0x1  }
0x301: {  	v3 =	vperm.xlane v3, v2;
	_ =	sdelay $0x1  }
0x302: {  	s17 =	simm.s32 $0xC800;
	v3 =	vadd.s32 v1, v3  }
0x303: {  	[tilespmem:s17], [sflag:$0x2] =	stream.indirect_vreg.gather [hbm4b:s2+s3], $0x80, v4, vm0, $0xb8;
	[tilespmem:$0x10800] =	vst v63  }
0x304: {  	s1 =	simm.s32 $0xD000  }
0x305: {  	[tilespmem:s1], [sflag:$0x2] =	stream.indirect_vreg.gather [hbm4b:s4+s3], $0x80, v4, vm0, $0xb8;
	[tilespmem:$0x10800] =	vst v63  }
0x306: {  	s5 =	simm.s32 $0xD800  }
0x307: {  	[tilespmem:s5], [sflag:$0x2] =	stream.indirect_vreg.gather [hbm4b:s2+s3], $0x80, v3, vm0, $0xb8;
	[tilespmem:$0x10800] =	vst v63  }
0x308: {  	s18 =	simm.s32 $0xE000  }
0x309: {  	[tilespmem:s18], [sflag:$0x2] =	stream.indirect_vreg.gather [hbm4b:s4+s3], $0x80, v3, vm0, $0xb8;
	[tilespmem:$0x10800] =	vst v63  }
0x30a: {  	v3 =	vld [tilespmem:$0x4B0];
	_ =	sdelay $0x4  }
0x30b: {  	v39 =	vshll.u32 v3, $0x2  }
0x30c: {  	v3 =	vand.u32 $0x7, v3;
	v4 =	vand.u32 $0xFFFFFFE0, v39  }
0x30d: {  	v3 =	vor.u32 v3, v4  }
0x30e: {  	v4 =	vperm.xlane v3, v0;
	_ =	sdelay $0x1  }
0x30f: {  	v4 =	vadd.s32 v1, v4;
	_ =	sdelay $0x1  }
0x310: {  	v3 =	vperm.xlane v3, v2;
	_ =	sdelay $0x1  }
0x311: {  	s12 =	simm.s32 $0xE800;
	v3 =	vadd.s32 v1, v3  }
0x312: {  	[tilespmem:s12], [sflag:$0x2] =	stream.indirect_vreg.gather [hbm4b:s2+s3], $0x80, v4, vm0, $0xb8;
	[tilespmem:$0x10800] =	vst v63  }
0x313: {  	s8 =	simm.s32 $0xF000  }
0x314: {  	[tilespmem:s8], [sflag:$0x2] =	stream.indirect_vreg.gather [hbm4b:s4+s3], $0x80, v4, vm0, $0xb8;
	[tilespmem:$0x10800] =	vst v63  }
0x315: {  	s9 =	simm.s32 $0xF800  }
0x316: {  	[tilespmem:s9], [sflag:$0x2] =	stream.indirect_vreg.gather [hbm4b:s2+s3], $0x80, v3, vm0, $0xb8;
	[tilespmem:$0x10800] =	vst v63  }
0x317: {  	s10 =	simm.s32 $0x10000  }
0x318: {  	[tilespmem:s10], [sflag:$0x2] =	stream.indirect_vreg.gather [hbm4b:s4+s3], $0x80, v3, vm0, $0xb8;
	[tilespmem:$0x10800] =	vst v63  }
0x319: {  	_ =	swait.ge [sflag:s14], $0x8000  }
0x31a: {  	[sflag:s14] =	ssyncset.done $0x0  }
0x31b: {  	s10 =	rddreg [dreg:$0x1c];
	[sflag:s14] =	ssyncadd.s32 $0xFFFF8000  }
0x31c: {  	[hbm4b:s10+s3] =	stream.linear.scatter [tilespmem:s7], [sflag:$0x3], $0x8000, $0x38;
	[tilespmem:$0x10800] =	vst v63  }
0x31d: {  	_ =	swait.ge [sflag:s15], $0x8000  }
0x31e: {  	[sflag:s15] =	ssyncset.done $0x0  }
0x31f: {  	[sflag:s15] =	ssyncadd.s32 $0xFFFF8000  }
0x320: {  	_ =	swait.ge [sflag:s6], $0x40  }
0x321: {  	[sflag:s6] =	ssyncset.done $0x0  }
0x322: {  	[sflag:s6] =	ssyncadd.s32 $0xFFFFFFC0  }
0x323: {  	v3 =	vld [tilespmem:$0x500];
	_ =	sdelay $0x4  }
0x324: {  	v40 =	vshll.u32 v3, $0x2  }
0x325: {  	v3 =	vand.u32 $0x7, v3;
	v4 =	vand.u32 $0xFFFFFFE0, v40  }
0x326: {  	v3 =	vor.u32 v3, v4  }
0x327: {  	v4 =	vperm.xlane v3, v0;
	_ =	sdelay $0x1  }
0x328: {  	v4 =	vadd.s32 v1, v4;
	_ =	sdelay $0x1  }
0x329: {  	v3 =	vperm.xlane v3, v2;
	_ =	sdelay $0x1  }
0x32a: {  	v3 =	vadd.s32 v1, v3  }
0x32b: {  	[tilespmem:s7], [sflag:$0x2] =	stream.indirect_vreg.gather [hbm4b:s2+s3], $0x80, v4, vm0, $0xb8;
	[tilespmem:$0x10800] =	vst v63  }
0x32c: {  	s16 =	simm.s32 $0x1000  }
0x32d: {  	[tilespmem:s16], [sflag:$0x2] =	stream.indirect_vreg.gather [hbm4b:s4+s3], $0x80, v4, vm0, $0xb8;
	[tilespmem:$0x10800] =	vst v63  }
0x32e: {  	s16 =	simm.s32 $0x1800  }
0x32f: {  	[tilespmem:s16], [sflag:$0x2] =	stream.indirect_vreg.gather [hbm4b:s2+s3], $0x80, v3, vm0, $0xb8;
	[tilespmem:$0x10800] =	vst v63  }
0x330: {  	s16 =	simm.s32 $0x2000  }
0x331: {  	[tilespmem:s16], [sflag:$0x2] =	stream.indirect_vreg.gather [hbm4b:s4+s3], $0x80, v3, vm0, $0xb8;
	[tilespmem:$0x10800] =	vst v63  }
0x332: {  	v3 =	vld [tilespmem:$0x510];
	_ =	sdelay $0x4  }
0x333: {  	v41 =	vshll.u32 v3, $0x2  }
0x334: {  	v3 =	vand.u32 $0x7, v3;
	v4 =	vand.u32 $0xFFFFFFE0, v41  }
0x335: {  	v3 =	vor.u32 v3, v4  }
0x336: {  	v4 =	vperm.xlane v3, v0;
	_ =	sdelay $0x1  }
0x337: {  	v4 =	vadd.s32 v1, v4;
	_ =	sdelay $0x1  }
0x338: {  	v3 =	vperm.xlane v3, v2;
	_ =	sdelay $0x1  }
0x339: {  	s16 =	simm.s32 $0x2800;
	v3 =	vadd.s32 v1, v3  }
0x33a: {  	[tilespmem:s16], [sflag:$0x2] =	stream.indirect_vreg.gather [hbm4b:s2+s3], $0x80, v4, vm0, $0xb8;
	[tilespmem:$0x10800] =	vst v63  }
0x33b: {  	s16 =	simm.s32 $0x3000  }
0x33c: {  	[tilespmem:s16], [sflag:$0x2] =	stream.indirect_vreg.gather [hbm4b:s4+s3], $0x80, v4, vm0, $0xb8;
	[tilespmem:$0x10800] =	vst v63  }
0x33d: {  	s25 =	simm.s32 $0x3800  }
0x33e: {  	[tilespmem:s25], [sflag:$0x2] =	stream.indirect_vreg.gather [hbm4b:s2+s3], $0x80, v3, vm0, $0xb8;
	[tilespmem:$0x10800] =	vst v63  }
0x33f: {  	s25 =	simm.s32 $0x4000  }
0x340: {  	[tilespmem:s25], [sflag:$0x2] =	stream.indirect_vreg.gather [hbm4b:s4+s3], $0x80, v3, vm0, $0xb8;
	[tilespmem:$0x10800] =	vst v63  }
0x341: {  	v3 =	vld [tilespmem:$0x520];
	_ =	sdelay $0x4  }
0x342: {  	v42 =	vshll.u32 v3, $0x2  }
0x343: {  	v3 =	vand.u32 $0x7, v3;
	v4 =	vand.u32 $0xFFFFFFE0, v42  }
0x344: {  	v3 =	vor.u32 v3, v4  }
0x345: {  	v4 =	vperm.xlane v3, v0;
	_ =	sdelay $0x1  }
0x346: {  	v4 =	vadd.s32 v1, v4;
	_ =	sdelay $0x1  }
0x347: {  	v3 =	vperm.xlane v3, v2;
	_ =	sdelay $0x1  }
0x348: {  	s26 =	simm.s32 $0x4800;
	v3 =	vadd.s32 v1, v3  }
0x349: {  	[tilespmem:s26], [sflag:$0x2] =	stream.indirect_vreg.gather [hbm4b:s2+s3], $0x80, v4, vm0, $0xb8;
	[tilespmem:$0x10800] =	vst v63  }
0x34a: {  	s25 =	simm.s32 $0x5000  }
0x34b: {  	[tilespmem:s25], [sflag:$0x2] =	stream.indirect_vreg.gather [hbm4b:s4+s3], $0x80, v4, vm0, $0xb8;
	[tilespmem:$0x10800] =	vst v63  }
0x34c: {  	s22 =	simm.s32 $0x5800  }
0x34d: {  	[tilespmem:s22], [sflag:$0x2] =	stream.indirect_vreg.gather [hbm4b:s2+s3], $0x80, v3, vm0, $0xb8;
	[tilespmem:$0x10800] =	vst v63  }
0x34e: {  	s25 =	simm.s32 $0x6000  }
0x34f: {  	[tilespmem:s25], [sflag:$0x2] =	stream.indirect_vreg.gather [hbm4b:s4+s3], $0x80, v3, vm0, $0xb8;
	[tilespmem:$0x10800] =	vst v63  }
0x350: {  	v3 =	vld [tilespmem:$0x530];
	_ =	sdelay $0x4  }
0x351: {  	v43 =	vshll.u32 v3, $0x2  }
0x352: {  	v3 =	vand.u32 $0x7, v3;
	v4 =	vand.u32 $0xFFFFFFE0, v43  }
0x353: {  	v3 =	vor.u32 v3, v4  }
0x354: {  	v4 =	vperm.xlane v3, v0;
	_ =	sdelay $0x1  }
0x355: {  	v4 =	vadd.s32 v1, v4;
	_ =	sdelay $0x1  }
0x356: {  	v3 =	vperm.xlane v3, v2;
	_ =	sdelay $0x1  }
0x357: {  	s11 =	simm.s32 $0x6800;
	v3 =	vadd.s32 v1, v3  }
0x358: {  	[tilespmem:s11], [sflag:$0x2] =	stream.indirect_vreg.gather [hbm4b:s2+s3], $0x80, v4, vm0, $0xb8;
	[tilespmem:$0x10800] =	vst v63  }
0x359: {  	s22 =	simm.s32 $0x7000  }
0x35a: {  	[tilespmem:s22], [sflag:$0x2] =	stream.indirect_vreg.gather [hbm4b:s4+s3], $0x80, v4, vm0, $0xb8;
	[tilespmem:$0x10800] =	vst v63  }
0x35b: {  	s21 =	simm.s32 $0x7800  }
0x35c: {  	[tilespmem:s21], [sflag:$0x2] =	stream.indirect_vreg.gather [hbm4b:s2+s3], $0x80, v3, vm0, $0xb8;
	[tilespmem:$0x10800] =	vst v63  }
0x35d: {  	s24 =	simm.s32 $0x8000  }
0x35e: {  	[tilespmem:s24], [sflag:$0x2] =	stream.indirect_vreg.gather [hbm4b:s4+s3], $0x80, v3, vm0, $0xb8;
	[tilespmem:$0x10800] =	vst v63  }
0x35f: {  	_ =	swait.ge [sflag:s14], $0x8000  }
0x360: {  	[sflag:s14] =	ssyncset.done $0x0  }
0x361: {  	s24 =	rddreg [dreg:$0x1d];
	[sflag:s14] =	ssyncadd.s32 $0xFFFF8000  }
0x362: {  	[hbm4b:s24+s3] =	stream.linear.scatter [tilespmem:s23], [sflag:$0x3], $0x8000, $0x38;
	[tilespmem:$0x10800] =	vst v63  }
0x363: {  	_ =	swait.ge [sflag:s15], $0x8000  }
0x364: {  	[sflag:s15] =	ssyncset.done $0x0  }
0x365: {  	[sflag:s15] =	ssyncadd.s32 $0xFFFF8000  }
0x366: {  	_ =	swait.ge [sflag:s6], $0x40  }
0x367: {  	[sflag:s6] =	ssyncset.done $0x0  }
0x368: {  	[sflag:s6] =	ssyncadd.s32 $0xFFFFFFC0  }
0x369: {  	v3 =	vld [tilespmem:$0x580];
	_ =	sdelay $0x4  }
0x36a: {  	v44 =	vshll.u32 v3, $0x2  }
0x36b: {  	v3 =	vand.u32 $0x7, v3;
	v4 =	vand.u32 $0xFFFFFFE0, v44  }
0x36c: {  	v3 =	vor.u32 v3, v4  }
0x36d: {  	v4 =	vperm.xlane v3, v0;
	_ =	sdelay $0x1  }
0x36e: {  	v4 =	vadd.s32 v1, v4;
	_ =	sdelay $0x1  }
0x36f: {  	v3 =	vperm.xlane v3, v2;
	_ =	sdelay $0x1  }
0x370: {  	v3 =	vadd.s32 v1, v3  }
0x371: {  	[tilespmem:s23], [sflag:$0x2] =	stream.indirect_vreg.gather [hbm4b:s2+s3], $0x80, v4, vm0, $0xb8;
	[tilespmem:$0x10800] =	vst v63  }
0x372: {  	s31 =	simm.s32 $0x9000  }
0x373: {  	[tilespmem:s31], [sflag:$0x2] =	stream.indirect_vreg.gather [hbm4b:s4+s3], $0x80, v4, vm0, $0xb8;
	[tilespmem:$0x10800] =	vst v63  }
0x374: {  	s30 =	simm.s32 $0x9800  }
0x375: {  	[tilespmem:s30], [sflag:$0x2] =	stream.indirect_vreg.gather [hbm4b:s2+s3], $0x80, v3, vm0, $0xb8;
	[tilespmem:$0x10800] =	vst v63  }
0x376: {  	s19 =	simm.s32 $0xA000  }
0x377: {  	[tilespmem:s19], [sflag:$0x2] =	stream.indirect_vreg.gather [hbm4b:s4+s3], $0x80, v3, vm0, $0xb8;
	[tilespmem:$0x10800] =	vst v63  }
0x378: {  	v3 =	vld [tilespmem:$0x590];
	_ =	sdelay $0x4  }
0x379: {  	v45 =	vshll.u32 v3, $0x2  }
0x37a: {  	v3 =	vand.u32 $0x7, v3;
	v4 =	vand.u32 $0xFFFFFFE0, v45  }
0x37b: {  	v3 =	vor.u32 v3, v4  }
0x37c: {  	v4 =	vperm.xlane v3, v0;
	_ =	sdelay $0x1  }
0x37d: {  	v4 =	vadd.s32 v1, v4;
	_ =	sdelay $0x1  }
0x37e: {  	v3 =	vperm.xlane v3, v2;
	_ =	sdelay $0x1  }
0x37f: {  	s28 =	simm.s32 $0xA800;
	v3 =	vadd.s32 v1, v3  }
0x380: {  	[tilespmem:s28], [sflag:$0x2] =	stream.indirect_vreg.gather [hbm4b:s2+s3], $0x80, v4, vm0, $0xb8;
	[tilespmem:$0x10800] =	vst v63  }
0x381: {  	s13 =	simm.s32 $0xB000  }
0x382: {  	[tilespmem:s13], [sflag:$0x2] =	stream.indirect_vreg.gather [hbm4b:s4+s3], $0x80, v4, vm0, $0xb8;
	[tilespmem:$0x10800] =	vst v63  }
0x383: {  	s0 =	simm.s32 $0xB800  }
0x384: {  	[tilespmem:s0], [sflag:$0x2] =	stream.indirect_vreg.gather [hbm4b:s2+s3], $0x80, v3, vm0, $0xb8;
	[tilespmem:$0x10800] =	vst v63  }
0x385: {  	s29 =	simm.s32 $0xC000  }
0x386: {  	[tilespmem:s29], [sflag:$0x2] =	stream.indirect_vreg.gather [hbm4b:s4+s3], $0x80, v3, vm0, $0xb8;
	[tilespmem:$0x10800] =	vst v63  }
0x387: {  	v3 =	vld [tilespmem:$0x5A0];
	_ =	sdelay $0x4  }
0x388: {  	v46 =	vshll.u32 v3, $0x2  }
0x389: {  	v3 =	vand.u32 $0x7, v3;
	v4 =	vand.u32 $0xFFFFFFE0, v46  }
0x38a: {  	v3 =	vor.u32 v3, v4  }
0x38b: {  	v4 =	vperm.xlane v3, v0;
	_ =	sdelay $0x1  }
0x38c: {  	v4 =	vadd.s32 v1, v4;
	_ =	sdelay $0x1  }
0x38d: {  	v3 =	vperm.xlane v3, v2;
	_ =	sdelay $0x1  }
0x38e: {  	s20 =	simm.s32 $0xC800;
	v3 =	vadd.s32 v1, v3  }
0x38f: {  	[tilespmem:s20], [sflag:$0x2] =	stream.indirect_vreg.gather [hbm4b:s2+s3], $0x80, v4, vm0, $0xb8;
	[tilespmem:$0x10800] =	vst v63  }
0x390: {  	s17 =	simm.s32 $0xD000  }
0x391: {  	[tilespmem:s17], [sflag:$0x2] =	stream.indirect_vreg.gather [hbm4b:s4+s3], $0x80, v4, vm0, $0xb8;
	[tilespmem:$0x10800] =	vst v63  }
0x392: {  	s5 =	simm.s32 $0xD800  }
0x393: {  	[tilespmem:s5], [sflag:$0x2] =	stream.indirect_vreg.gather [hbm4b:s2+s3], $0x80, v3, vm0, $0xb8;
	[tilespmem:$0x10800] =	vst v63  }
0x394: {  	s18 =	simm.s32 $0xE000  }
0x395: {  	[tilespmem:s18], [sflag:$0x2] =	stream.indirect_vreg.gather [hbm4b:s4+s3], $0x80, v3, vm0, $0xb8;
	[tilespmem:$0x10800] =	vst v63  }
0x396: {  	v3 =	vld [tilespmem:$0x5B0];
	_ =	sdelay $0x4  }
0x397: {  	v47 =	vshll.u32 v3, $0x2  }
0x398: {  	v3 =	vand.u32 $0x7, v3;
	v4 =	vand.u32 $0xFFFFFFE0, v47  }
0x399: {  	v3 =	vor.u32 v3, v4  }
0x39a: {  	v4 =	vperm.xlane v3, v0;
	_ =	sdelay $0x1  }
0x39b: {  	v4 =	vadd.s32 v1, v4;
	_ =	sdelay $0x1  }
0x39c: {  	v3 =	vperm.xlane v3, v2;
	_ =	sdelay $0x1  }
0x39d: {  	s12 =	simm.s32 $0xE800;
	v3 =	vadd.s32 v1, v3  }
0x39e: {  	[tilespmem:s12], [sflag:$0x2] =	stream.indirect_vreg.gather [hbm4b:s2+s3], $0x80, v4, vm0, $0xb8;
	[tilespmem:$0x10800] =	vst v63  }
0x39f: {  	s1 =	simm.s32 $0xF000  }
0x3a0: {  	[tilespmem:s1], [sflag:$0x2] =	stream.indirect_vreg.gather [hbm4b:s4+s3], $0x80, v4, vm0, $0xb8;
	[tilespmem:$0x10800] =	vst v63  }
0x3a1: {  	s8 =	simm.s32 $0xF800  }
0x3a2: {  	[tilespmem:s8], [sflag:$0x2] =	stream.indirect_vreg.gather [hbm4b:s2+s3], $0x80, v3, vm0, $0xb8;
	[tilespmem:$0x10800] =	vst v63  }
0x3a3: {  	s9 =	simm.s32 $0x10000  }
0x3a4: {  	[tilespmem:s9], [sflag:$0x2] =	stream.indirect_vreg.gather [hbm4b:s4+s3], $0x80, v3, vm0, $0xb8;
	[tilespmem:$0x10800] =	vst v63  }
0x3a5: {  	_ =	swait.ge [sflag:s14], $0x8000  }
0x3a6: {  	[sflag:s14] =	ssyncset.done $0x0  }
0x3a7: {  	s9 =	rddreg [dreg:$0x1e];
	[sflag:s14] =	ssyncadd.s32 $0xFFFF8000  }
0x3a8: {  	[hbm4b:s9+s3] =	stream.linear.scatter [tilespmem:s7], [sflag:$0x3], $0x8000, $0x38;
	[tilespmem:$0x10800] =	vst v63  }
0x3a9: {  	_ =	swait.ge [sflag:s15], $0x8000  }
0x3aa: {  	[sflag:s15] =	ssyncset.done $0x0  }
0x3ab: {  	[sflag:s15] =	ssyncadd.s32 $0xFFFF8000  }
0x3ac: {  	_ =	swait.ge [sflag:s6], $0x40  }
0x3ad: {  	[sflag:s6] =	ssyncset.done $0x0  }
0x3ae: {  	[sflag:s6] =	ssyncadd.s32 $0xFFFFFFC0  }
0x3af: {  	v3 =	vld [tilespmem:$0x600];
	_ =	sdelay $0x4  }
0x3b0: {  	v48 =	vshll.u32 v3, $0x2  }
0x3b1: {  	v3 =	vand.u32 $0x7, v3;
	v4 =	vand.u32 $0xFFFFFFE0, v48  }
0x3b2: {  	v3 =	vor.u32 v3, v4  }
0x3b3: {  	v4 =	vperm.xlane v3, v0;
	_ =	sdelay $0x1  }
0x3b4: {  	v4 =	vadd.s32 v1, v4;
	_ =	sdelay $0x1  }
0x3b5: {  	v3 =	vperm.xlane v3, v2;
	_ =	sdelay $0x1  }
0x3b6: {  	v3 =	vadd.s32 v1, v3  }
0x3b7: {  	[tilespmem:s7], [sflag:$0x2] =	stream.indirect_vreg.gather [hbm4b:s2+s3], $0x80, v4, vm0, $0xb8;
	[tilespmem:$0x10800] =	vst v63  }
0x3b8: {  	s16 =	simm.s32 $0x1000  }
0x3b9: {  	[tilespmem:s16], [sflag:$0x2] =	stream.indirect_vreg.gather [hbm4b:s4+s3], $0x80, v4, vm0, $0xb8;
	[tilespmem:$0x10800] =	vst v63  }
0x3ba: {  	s18 =	simm.s32 $0x1800  }
0x3bb: {  	[tilespmem:s18], [sflag:$0x2] =	stream.indirect_vreg.gather [hbm4b:s2+s3], $0x80, v3, vm0, $0xb8;
	[tilespmem:$0x10800] =	vst v63  }
0x3bc: {  	s20 =	simm.s32 $0x2000  }
0x3bd: {  	[tilespmem:s20], [sflag:$0x2] =	stream.indirect_vreg.gather [hbm4b:s4+s3], $0x80, v3, vm0, $0xb8;
	[tilespmem:$0x10800] =	vst v63  }
0x3be: {  	v3 =	vld [tilespmem:$0x610];
	_ =	sdelay $0x4  }
0x3bf: {  	v49 =	vshll.u32 v3, $0x2  }
0x3c0: {  	v3 =	vand.u32 $0x7, v3;
	v4 =	vand.u32 $0xFFFFFFE0, v49  }
0x3c1: {  	v3 =	vor.u32 v3, v4  }
0x3c2: {  	v4 =	vperm.xlane v3, v0;
	_ =	sdelay $0x1  }
0x3c3: {  	v4 =	vadd.s32 v1, v4;
	_ =	sdelay $0x1  }
0x3c4: {  	v3 =	vperm.xlane v3, v2;
	_ =	sdelay $0x1  }
0x3c5: {  	s28 =	simm.s32 $0x2800;
	v3 =	vadd.s32 v1, v3  }
0x3c6: {  	[tilespmem:s28], [sflag:$0x2] =	stream.indirect_vreg.gather [hbm4b:s2+s3], $0x80, v4, vm0, $0xb8;
	[tilespmem:$0x10800] =	vst v63  }
0x3c7: {  	s29 =	simm.s32 $0x3000  }
0x3c8: {  	[tilespmem:s29], [sflag:$0x2] =	stream.indirect_vreg.gather [hbm4b:s4+s3], $0x80, v4, vm0, $0xb8;
	[tilespmem:$0x10800] =	vst v63  }
0x3c9: {  	s10 =	simm.s32 $0x3800  }
0x3ca: {  	[tilespmem:s10], [sflag:$0x2] =	stream.indirect_vreg.gather [hbm4b:s2+s3], $0x80, v3, vm0, $0xb8;
	[tilespmem:$0x10800] =	vst v63  }
0x3cb: {  	s8 =	simm.s32 $0x4000  }
0x3cc: {  	[tilespmem:s8], [sflag:$0x2] =	stream.indirect_vreg.gather [hbm4b:s4+s3], $0x80, v3, vm0, $0xb8;
	[tilespmem:$0x10800] =	vst v63  }
0x3cd: {  	v3 =	vld [tilespmem:$0x620];
	_ =	sdelay $0x4  }
0x3ce: {  	v50 =	vshll.u32 v3, $0x2  }
0x3cf: {  	v3 =	vand.u32 $0x7, v3;
	v4 =	vand.u32 $0xFFFFFFE0, v50  }
0x3d0: {  	v3 =	vor.u32 v3, v4  }
0x3d1: {  	v4 =	vperm.xlane v3, v0;
	_ =	sdelay $0x1  }
0x3d2: {  	v4 =	vadd.s32 v1, v4;
	_ =	sdelay $0x1  }
0x3d3: {  	v3 =	vperm.xlane v3, v2;
	_ =	sdelay $0x1  }
0x3d4: {  	s26 =	simm.s32 $0x4800;
	v3 =	vadd.s32 v1, v3  }
0x3d5: {  	[tilespmem:s26], [sflag:$0x2] =	stream.indirect_vreg.gather [hbm4b:s2+s3], $0x80, v4, vm0, $0xb8;
	[tilespmem:$0x10800] =	vst v63  }
0x3d6: {  	s10 =	simm.s32 $0x5000  }
0x3d7: {  	[tilespmem:s10], [sflag:$0x2] =	stream.indirect_vreg.gather [hbm4b:s4+s3], $0x80, v4, vm0, $0xb8;
	[tilespmem:$0x10800] =	vst v63  }
0x3d8: {  	s16 =	simm.s32 $0x5800  }
0x3d9: {  	[tilespmem:s16], [sflag:$0x2] =	stream.indirect_vreg.gather [hbm4b:s2+s3], $0x80, v3, vm0, $0xb8;
	[tilespmem:$0x10800] =	vst v63  }
0x3da: {  	s18 =	simm.s32 $0x6000  }
0x3db: {  	[tilespmem:s18], [sflag:$0x2] =	stream.indirect_vreg.gather [hbm4b:s4+s3], $0x80, v3, vm0, $0xb8;
	[tilespmem:$0x10800] =	vst v63  }
0x3dc: {  	v3 =	vld [tilespmem:$0x630];
	_ =	sdelay $0x4  }
0x3dd: {  	v51 =	vshll.u32 v3, $0x2  }
0x3de: {  	v3 =	vand.u32 $0x7, v3;
	v4 =	vand.u32 $0xFFFFFFE0, v51  }
0x3df: {  	v3 =	vor.u32 v3, v4  }
0x3e0: {  	v4 =	vperm.xlane v3, v0;
	_ =	sdelay $0x1  }
0x3e1: {  	v4 =	vadd.s32 v1, v4;
	_ =	sdelay $0x1  }
0x3e2: {  	v3 =	vperm.xlane v3, v2;
	_ =	sdelay $0x1  }
0x3e3: {  	s11 =	simm.s32 $0x6800;
	v3 =	vadd.s32 v1, v3  }
0x3e4: {  	[tilespmem:s11], [sflag:$0x2] =	stream.indirect_vreg.gather [hbm4b:s2+s3], $0x80, v4, vm0, $0xb8;
	[tilespmem:$0x10800] =	vst v63  }
0x3e5: {  	s20 =	simm.s32 $0x7000  }
0x3e6: {  	[tilespmem:s20], [sflag:$0x2] =	stream.indirect_vreg.gather [hbm4b:s4+s3], $0x80, v4, vm0, $0xb8;
	[tilespmem:$0x10800] =	vst v63  }
0x3e7: {  	s25 =	simm.s32 $0x7800  }
0x3e8: {  	[tilespmem:s25], [sflag:$0x2] =	stream.indirect_vreg.gather [hbm4b:s2+s3], $0x80, v3, vm0, $0xb8;
	[tilespmem:$0x10800] =	vst v63  }
0x3e9: {  	s22 =	simm.s32 $0x8000  }
0x3ea: {  	[tilespmem:s22], [sflag:$0x2] =	stream.indirect_vreg.gather [hbm4b:s4+s3], $0x80, v3, vm0, $0xb8;
	[tilespmem:$0x10800] =	vst v63  }
0x3eb: {  	_ =	swait.ge [sflag:s14], $0x8000  }
0x3ec: {  	[sflag:s14] =	ssyncset.done $0x0  }
0x3ed: {  	s28 =	rddreg [dreg:$0x1f];
	[sflag:s14] =	ssyncadd.s32 $0xFFFF8000  }
0x3ee: {  	[hbm4b:s28+s3] =	stream.linear.scatter [tilespmem:s23], [sflag:$0x3], $0x8000, $0x38;
	[tilespmem:$0x10800] =	vst v63  }
0x3ef: {  	_ =	swait.ge [sflag:s15], $0x8000  }
0x3f0: {  	[sflag:s15] =	ssyncset.done $0x0  }
0x3f1: {  	[sflag:s15] =	ssyncadd.s32 $0xFFFF8000  }
0x3f2: {  	_ =	swait.ge [sflag:s6], $0x40  }
0x3f3: {  	[sflag:s6] =	ssyncset.done $0x0  }
0x3f4: {  	[sflag:s6] =	ssyncadd.s32 $0xFFFFFFC0  }
0x3f5: {  	v3 =	vld [tilespmem:$0x680];
	_ =	sdelay $0x4  }
0x3f6: {  	v52 =	vshll.u32 v3, $0x2  }
0x3f7: {  	v3 =	vand.u32 $0x7, v3;
	v4 =	vand.u32 $0xFFFFFFE0, v52  }
0x3f8: {  	v3 =	vor.u32 v3, v4  }
0x3f9: {  	v4 =	vperm.xlane v3, v0;
	_ =	sdelay $0x1  }
0x3fa: {  	v4 =	vadd.s32 v1, v4;
	_ =	sdelay $0x1  }
0x3fb: {  	v3 =	vperm.xlane v3, v2;
	_ =	sdelay $0x1  }
0x3fc: {  	v3 =	vadd.s32 v1, v3  }
0x3fd: {  	[tilespmem:s23], [sflag:$0x2] =	stream.indirect_vreg.gather [hbm4b:s2+s3], $0x80, v4, vm0, $0xb8;
	[tilespmem:$0x10800] =	vst v63  }
0x3fe: {  	s21 =	simm.s32 $0x9000  }
0x3ff: {  	[tilespmem:s21], [sflag:$0x2] =	stream.indirect_vreg.gather [hbm4b:s4+s3], $0x80, v4, vm0, $0xb8;
	[tilespmem:$0x10800] =	vst v63  }
0x400: {  	s31 =	simm.s32 $0x9800  }
0x401: {  	[tilespmem:s31], [sflag:$0x2] =	stream.indirect_vreg.gather [hbm4b:s2+s3], $0x80, v3, vm0, $0xb8;
	[tilespmem:$0x10800] =	vst v63  }
0x402: {  	s30 =	simm.s32 $0xA000  }
0x403: {  	[tilespmem:s30], [sflag:$0x2] =	stream.indirect_vreg.gather [hbm4b:s4+s3], $0x80, v3, vm0, $0xb8;
	[tilespmem:$0x10800] =	vst v63  }
0x404: {  	v3 =	vld [tilespmem:$0x690];
	_ =	sdelay $0x4  }
0x405: {  	v53 =	vshll.u32 v3, $0x2  }
0x406: {  	v3 =	vand.u32 $0x7, v3;
	v4 =	vand.u32 $0xFFFFFFE0, v53  }
0x407: {  	v3 =	vor.u32 v3, v4  }
0x408: {  	v4 =	vperm.xlane v3, v0;
	_ =	sdelay $0x1  }
0x409: {  	v4 =	vadd.s32 v1, v4;
	_ =	sdelay $0x1  }
0x40a: {  	v3 =	vperm.xlane v3, v2;
	_ =	sdelay $0x1  }
0x40b: {  	s31 =	simm.s32 $0xA800;
	v3 =	vadd.s32 v1, v3  }
0x40c: {  	[tilespmem:s31], [sflag:$0x2] =	stream.indirect_vreg.gather [hbm4b:s2+s3], $0x80, v4, vm0, $0xb8;
	[tilespmem:$0x10800] =	vst v63  }
0x40d: {  	s16 =	simm.s32 $0xB000  }
0x40e: {  	[tilespmem:s16], [sflag:$0x2] =	stream.indirect_vreg.gather [hbm4b:s4+s3], $0x80, v4, vm0, $0xb8;
	[tilespmem:$0x10800] =	vst v63  }
0x40f: {  	s0 =	simm.s32 $0xB800  }
0x410: {  	[tilespmem:s0], [sflag:$0x2] =	stream.indirect_vreg.gather [hbm4b:s2+s3], $0x80, v3, vm0, $0xb8;
	[tilespmem:$0x10800] =	vst v63  }
0x411: {  	s21 =	simm.s32 $0xC000  }
0x412: {  	[tilespmem:s21], [sflag:$0x2] =	stream.indirect_vreg.gather [hbm4b:s4+s3], $0x80, v3, vm0, $0xb8;
	[tilespmem:$0x10800] =	vst v63  }
0x413: {  	v3 =	vld [tilespmem:$0x6A0];
	_ =	sdelay $0x4  }
0x414: {  	v54 =	vshll.u32 v3, $0x2  }
0x415: {  	v3 =	vand.u32 $0x7, v3;
	v4 =	vand.u32 $0xFFFFFFE0, v54  }
0x416: {  	v3 =	vor.u32 v3, v4  }
0x417: {  	v4 =	vperm.xlane v3, v0;
	_ =	sdelay $0x1  }
0x418: {  	v4 =	vadd.s32 v1, v4;
	_ =	sdelay $0x1  }
0x419: {  	v3 =	vperm.xlane v3, v2;
	_ =	sdelay $0x1  }
0x41a: {  	s22 =	simm.s32 $0xC800;
	v3 =	vadd.s32 v1, v3  }
0x41b: {  	[tilespmem:s22], [sflag:$0x2] =	stream.indirect_vreg.gather [hbm4b:s2+s3], $0x80, v4, vm0, $0xb8;
	[tilespmem:$0x10800] =	vst v63  }
0x41c: {  	s19 =	simm.s32 $0xD000  }
0x41d: {  	[tilespmem:s19], [sflag:$0x2] =	stream.indirect_vreg.gather [hbm4b:s4+s3], $0x80, v4, vm0, $0xb8;
	[tilespmem:$0x10800] =	vst v63  }
0x41e: {  	s24 =	simm.s32 $0xD800  }
0x41f: {  	[tilespmem:s24], [sflag:$0x2] =	stream.indirect_vreg.gather [hbm4b:s2+s3], $0x80, v3, vm0, $0xb8;
	[tilespmem:$0x10800] =	vst v63  }
0x420: {  	s24 =	simm.s32 $0xE000  }
0x421: {  	[tilespmem:s24], [sflag:$0x2] =	stream.indirect_vreg.gather [hbm4b:s4+s3], $0x80, v3, vm0, $0xb8;
	[tilespmem:$0x10800] =	vst v63  }
0x422: {  	v3 =	vld [tilespmem:$0x6B0];
	_ =	sdelay $0x4  }
0x423: {  	v55 =	vshll.u32 v3, $0x2  }
0x424: {  	v3 =	vand.u32 $0x7, v3;
	v4 =	vand.u32 $0xFFFFFFE0, v55  }
0x425: {  	v3 =	vor.u32 v3, v4  }
0x426: {  	v4 =	vperm.xlane v3, v0;
	_ =	sdelay $0x1  }
0x427: {  	v4 =	vadd.s32 v1, v4;
	_ =	sdelay $0x1  }
0x428: {  	v3 =	vperm.xlane v3, v2;
	_ =	sdelay $0x1  }
0x429: {  	s12 =	simm.s32 $0xE800;
	v3 =	vadd.s32 v1, v3  }
0x42a: {  	[tilespmem:s12], [sflag:$0x2] =	stream.indirect_vreg.gather [hbm4b:s2+s3], $0x80, v4, vm0, $0xb8;
	[tilespmem:$0x10800] =	vst v63  }
0x42b: {  	s13 =	simm.s32 $0xF000  }
0x42c: {  	[tilespmem:s13], [sflag:$0x2] =	stream.indirect_vreg.gather [hbm4b:s4+s3], $0x80, v4, vm0, $0xb8;
	[tilespmem:$0x10800] =	vst v63  }
0x42d: {  	s5 =	simm.s32 $0xF800  }
0x42e: {  	[tilespmem:s5], [sflag:$0x2] =	stream.indirect_vreg.gather [hbm4b:s2+s3], $0x80, v3, vm0, $0xb8;
	[tilespmem:$0x10800] =	vst v63  }
0x42f: {  	s17 =	simm.s32 $0x10000  }
0x430: {  	[tilespmem:s17], [sflag:$0x2] =	stream.indirect_vreg.gather [hbm4b:s4+s3], $0x80, v3, vm0, $0xb8;
	[tilespmem:$0x10800] =	vst v63  }
0x431: {  	_ =	swait.ge [sflag:s14], $0x8000  }
0x432: {  	s5 =	sld [smem:$0x7EB]  }
0x433: {  	[sflag:s14] =	ssyncset.done $0x0  }
0x434: {  	[sflag:s14] =	ssyncadd.s32 $0xFFFF8000  }
0x435: {  	[hbm4b:s5+s3] =	stream.linear.scatter [tilespmem:s7], [sflag:$0x3], $0x8000, $0x38;
	[tilespmem:$0x10800] =	vst v63  }
0x436: {  	_ =	swait.ge [sflag:s15], $0x8000  }
0x437: {  	[sflag:s15] =	ssyncset.done $0x0  }
0x438: {  	[sflag:s15] =	ssyncadd.s32 $0xFFFF8000  }
0x439: {  	_ =	swait.ge [sflag:s6], $0x40  }
0x43a: {  	[sflag:s6] =	ssyncset.done $0x0  }
0x43b: {  	[sflag:s6] =	ssyncadd.s32 $0xFFFFFFC0  }
0x43c: {  	v3 =	vld [tilespmem:$0x700];
	_ =	sdelay $0x4  }
0x43d: {  	v56 =	vshll.u32 v3, $0x2  }
0x43e: {  	v3 =	vand.u32 $0x7, v3;
	v4 =	vand.u32 $0xFFFFFFE0, v56  }
0x43f: {  	v3 =	vor.u32 v3, v4  }
0x440: {  	v4 =	vperm.xlane v3, v0;
	_ =	sdelay $0x1  }
0x441: {  	v4 =	vadd.s32 v1, v4;
	_ =	sdelay $0x1  }
0x442: {  	v3 =	vperm.xlane v3, v2;
	_ =	sdelay $0x1  }
0x443: {  	v3 =	vadd.s32 v1, v3  }
0x444: {  	[tilespmem:s7], [sflag:$0x2] =	stream.indirect_vreg.gather [hbm4b:s2+s3], $0x80, v4, vm0, $0xb8;
	[tilespmem:$0x10800] =	vst v63  }
0x445: {  	s17 =	simm.s32 $0x1000  }
0x446: {  	[tilespmem:s17], [sflag:$0x2] =	stream.indirect_vreg.gather [hbm4b:s4+s3], $0x80, v4, vm0, $0xb8;
	[tilespmem:$0x10800] =	vst v63  }
0x447: {  	s16 =	simm.s32 $0x1800  }
0x448: {  	[tilespmem:s16], [sflag:$0x2] =	stream.indirect_vreg.gather [hbm4b:s2+s3], $0x80, v3, vm0, $0xb8;
	[tilespmem:$0x10800] =	vst v63  }
0x449: {  	s17 =	simm.s32 $0x2000  }
0x44a: {  	[tilespmem:s17], [sflag:$0x2] =	stream.indirect_vreg.gather [hbm4b:s4+s3], $0x80, v3, vm0, $0xb8;
	[tilespmem:$0x10800] =	vst v63  }
0x44b: {  	v3 =	vld [tilespmem:$0x710];
	_ =	sdelay $0x4  }
0x44c: {  	v57 =	vshll.u32 v3, $0x2  }
0x44d: {  	v3 =	vand.u32 $0x7, v3;
	v4 =	vand.u32 $0xFFFFFFE0, v57  }
0x44e: {  	v3 =	vor.u32 v3, v4  }
0x44f: {  	v4 =	vperm.xlane v3, v0;
	_ =	sdelay $0x1  }
0x450: {  	v4 =	vadd.s32 v1, v4;
	_ =	sdelay $0x1  }
0x451: {  	v3 =	vperm.xlane v3, v2;
	_ =	sdelay $0x1  }
0x452: {  	s16 =	simm.s32 $0x2800;
	v3 =	vadd.s32 v1, v3  }
0x453: {  	[tilespmem:s16], [sflag:$0x2] =	stream.indirect_vreg.gather [hbm4b:s2+s3], $0x80, v4, vm0, $0xb8;
	[tilespmem:$0x10800] =	vst v63  }
0x454: {  	s17 =	simm.s32 $0x3000  }
0x455: {  	[tilespmem:s17], [sflag:$0x2] =	stream.indirect_vreg.gather [hbm4b:s4+s3], $0x80, v4, vm0, $0xb8;
	[tilespmem:$0x10800] =	vst v63  }
0x456: {  	s9 =	simm.s32 $0x3800  }
0x457: {  	[tilespmem:s9], [sflag:$0x2] =	stream.indirect_vreg.gather [hbm4b:s2+s3], $0x80, v3, vm0, $0xb8;
	[tilespmem:$0x10800] =	vst v63  }
0x458: {  	s9 =	simm.s32 $0x4000  }
0x459: {  	[tilespmem:s9], [sflag:$0x2] =	stream.indirect_vreg.gather [hbm4b:s4+s3], $0x80, v3, vm0, $0xb8;
	[tilespmem:$0x10800] =	vst v63  }
0x45a: {  	v3 =	vld [tilespmem:$0x720];
	_ =	sdelay $0x4  }
0x45b: {  	v58 =	vshll.u32 v3, $0x2  }
0x45c: {  	v3 =	vand.u32 $0x7, v3;
	v4 =	vand.u32 $0xFFFFFFE0, v58  }
0x45d: {  	v3 =	vor.u32 v3, v4  }
0x45e: {  	v4 =	vperm.xlane v3, v0;
	_ =	sdelay $0x1  }
0x45f: {  	v4 =	vadd.s32 v1, v4;
	_ =	sdelay $0x1  }
0x460: {  	v3 =	vperm.xlane v3, v2;
	_ =	sdelay $0x1  }
0x461: {  	s1 =	simm.s32 $0x4800;
	v3 =	vadd.s32 v1, v3  }
0x462: {  	[tilespmem:s1], [sflag:$0x2] =	stream.indirect_vreg.gather [hbm4b:s2+s3], $0x80, v4, vm0, $0xb8;
	[tilespmem:$0x10800] =	vst v63  }
0x463: {  	s16 =	simm.s32 $0x5000  }
0x464: {  	[tilespmem:s16], [sflag:$0x2] =	stream.indirect_vreg.gather [hbm4b:s4+s3], $0x80, v4, vm0, $0xb8;
	[tilespmem:$0x10800] =	vst v63  }
0x465: {  	s26 =	simm.s32 $0x5800  }
0x466: {  	[tilespmem:s26], [sflag:$0x2] =	stream.indirect_vreg.gather [hbm4b:s2+s3], $0x80, v3, vm0, $0xb8;
	[tilespmem:$0x10800] =	vst v63  }
0x467: {  	s17 =	simm.s32 $0x6000  }
0x468: {  	[tilespmem:s17], [sflag:$0x2] =	stream.indirect_vreg.gather [hbm4b:s4+s3], $0x80, v3, vm0, $0xb8;
	[tilespmem:$0x10800] =	vst v63  }
0x469: {  	v3 =	vld [tilespmem:$0x730];
	_ =	sdelay $0x4  }
0x46a: {  	v59 =	vshll.u32 v3, $0x2  }
0x46b: {  	v3 =	vand.u32 $0x7, v3;
	v4 =	vand.u32 $0xFFFFFFE0, v59  }
0x46c: {  	v3 =	vor.u32 v3, v4  }
0x46d: {  	v4 =	vperm.xlane v3, v0;
	_ =	sdelay $0x1  }
0x46e: {  	v4 =	vadd.s32 v1, v4;
	_ =	sdelay $0x1  }
0x46f: {  	v3 =	vperm.xlane v3, v2;
	_ =	sdelay $0x1  }
0x470: {  	s10 =	simm.s32 $0x6800;
	v3 =	vadd.s32 v1, v3  }
0x471: {  	[tilespmem:s10], [sflag:$0x2] =	stream.indirect_vreg.gather [hbm4b:s2+s3], $0x80, v4, vm0, $0xb8;
	[tilespmem:$0x10800] =	vst v63  }
0x472: {  	s8 =	simm.s32 $0x7000  }
0x473: {  	[tilespmem:s8], [sflag:$0x2] =	stream.indirect_vreg.gather [hbm4b:s4+s3], $0x80, v4, vm0, $0xb8;
	[tilespmem:$0x10800] =	vst v63  }
0x474: {  	s29 =	simm.s32 $0x7800  }
0x475: {  	[tilespmem:s29], [sflag:$0x2] =	stream.indirect_vreg.gather [hbm4b:s2+s3], $0x80, v3, vm0, $0xb8;
	[tilespmem:$0x10800] =	vst v63  }
0x476: {  	s20 =	simm.s32 $0x8000  }
0x477: {  	[tilespmem:s20], [sflag:$0x2] =	stream.indirect_vreg.gather [hbm4b:s4+s3], $0x80, v3, vm0, $0xb8;
	[tilespmem:$0x10800] =	vst v63  }
0x478: {  	_ =	swait.ge [sflag:s14], $0x8000  }
0x479: {  	s20 =	sld [smem:$0x7EC]  }
0x47a: {  	[sflag:s14] =	ssyncset.done $0x0  }
0x47b: {  	[sflag:s14] =	ssyncadd.s32 $0xFFFF8000  }
0x47c: {  	[hbm4b:s20+s3] =	stream.linear.scatter [tilespmem:s23], [sflag:$0x3], $0x8000, $0x38;
	[tilespmem:$0x10800] =	vst v63  }
0x47d: {  	_ =	swait.ge [sflag:s15], $0x8000  }
0x47e: {  	[sflag:s15] =	ssyncset.done $0x0  }
0x47f: {  	[sflag:s15] =	ssyncadd.s32 $0xFFFF8000  }
0x480: {  	_ =	swait.ge [sflag:s6], $0x40  }
0x481: {  	[sflag:s6] =	ssyncset.done $0x0  }
0x482: {  	[sflag:s6] =	ssyncadd.s32 $0xFFFFFFC0  }
0x483: {  	v3 =	vld [tilespmem:$0x780];
	_ =	sdelay $0x4  }
0x484: {  	v60 =	vshll.u32 v3, $0x2  }
0x485: {  	v3 =	vand.u32 $0x7, v3;
	v4 =	vand.u32 $0xFFFFFFE0, v60  }
0x486: {  	v3 =	vor.u32 v3, v4  }
0x487: {  	v4 =	vperm.xlane v3, v0;
	_ =	sdelay $0x1  }
0x488: {  	v4 =	vadd.s32 v1, v4;
	_ =	sdelay $0x1  }
0x489: {  	v3 =	vperm.xlane v3, v2;
	_ =	sdelay $0x1  }
0x48a: {  	v3 =	vadd.s32 v1, v3  }
0x48b: {  	[tilespmem:s23], [sflag:$0x2] =	stream.indirect_vreg.gather [hbm4b:s2+s3], $0x80, v4, vm0, $0xb8;
	[tilespmem:$0x10800] =	vst v63  }
0x48c: {  	s18 =	simm.s32 $0x9000  }
0x48d: {  	[tilespmem:s18], [sflag:$0x2] =	stream.indirect_vreg.gather [hbm4b:s4+s3], $0x80, v4, vm0, $0xb8;
	[tilespmem:$0x10800] =	vst v63  }
0x48e: {  	s28 =	simm.s32 $0x9800  }
0x48f: {  	[tilespmem:s28], [sflag:$0x2] =	stream.indirect_vreg.gather [hbm4b:s2+s3], $0x80, v3, vm0, $0xb8;
	[tilespmem:$0x10800] =	vst v63  }
0x490: {  	s25 =	simm.s32 $0xA000  }
0x491: {  	[tilespmem:s25], [sflag:$0x2] =	stream.indirect_vreg.gather [hbm4b:s4+s3], $0x80, v3, vm0, $0xb8;
	[tilespmem:$0x10800] =	vst v63  }
0x492: {  	v3 =	vld [tilespmem:$0x790];
	_ =	sdelay $0x4  }
0x493: {  	v61 =	vshll.u32 v3, $0x2  }
0x494: {  	v3 =	vand.u32 $0x7, v3;
	v4 =	vand.u32 $0xFFFFFFE0, v61  }
0x495: {  	v3 =	vor.u32 v3, v4  }
0x496: {  	v4 =	vperm.xlane v3, v0;
	_ =	sdelay $0x1  }
0x497: {  	v4 =	vadd.s32 v1, v4;
	_ =	sdelay $0x1  }
0x498: {  	v3 =	vperm.xlane v3, v2;
	_ =	sdelay $0x1  }
0x499: {  	s30 =	simm.s32 $0xA800;
	v3 =	vadd.s32 v1, v3  }
0x49a: {  	[tilespmem:s30], [sflag:$0x2] =	stream.indirect_vreg.gather [hbm4b:s2+s3], $0x80, v4, vm0, $0xb8;
	[tilespmem:$0x10800] =	vst v63  }
0x49b: {  	s31 =	simm.s32 $0xB000  }
0x49c: {  	[tilespmem:s31], [sflag:$0x2] =	stream.indirect_vreg.gather [hbm4b:s4+s3], $0x80, v4, vm0, $0xb8;
	[tilespmem:$0x10800] =	vst v63  }
0x49d: {  	s11 =	simm.s32 $0xB800  }
0x49e: {  	[tilespmem:s11], [sflag:$0x2] =	stream.indirect_vreg.gather [hbm4b:s2+s3], $0x80, v3, vm0, $0xb8;
	[tilespmem:$0x10800] =	vst v63  }
0x49f: {  	s26 =	simm.s32 $0xC000  }
0x4a0: {  	[tilespmem:s26], [sflag:$0x2] =	stream.indirect_vreg.gather [hbm4b:s4+s3], $0x80, v3, vm0, $0xb8;
	[tilespmem:$0x10800] =	vst v63  }
0x4a1: {  	v3 =	vld [tilespmem:$0x7A0];
	_ =	sdelay $0x4  }
0x4a2: {  	v62 =	vshll.u32 v3, $0x2  }
0x4a3: {  	v3 =	vand.u32 $0x7, v3;
	v4 =	vand.u32 $0xFFFFFFE0, v62  }
0x4a4: {  	v3 =	vor.u32 v3, v4  }
0x4a5: {  	v4 =	vperm.xlane v3, v0;
	_ =	sdelay $0x1  }
0x4a6: {  	v4 =	vadd.s32 v1, v4;
	_ =	sdelay $0x1  }
0x4a7: {  	v3 =	vperm.xlane v3, v2;
	_ =	sdelay $0x1  }
0x4a8: {  	s28 =	simm.s32 $0xC800;
	v3 =	vadd.s32 v1, v3  }
0x4a9: {  	[tilespmem:s28], [sflag:$0x2] =	stream.indirect_vreg.gather [hbm4b:s2+s3], $0x80, v4, vm0, $0xb8;
	[tilespmem:$0x10800] =	vst v63  }
0x4aa: {  	s22 =	simm.s32 $0xD000  }
0x4ab: {  	[tilespmem:s22], [sflag:$0x2] =	stream.indirect_vreg.gather [hbm4b:s4+s3], $0x80, v4, vm0, $0xb8;
	[tilespmem:$0x10800] =	vst v63  }
0x4ac: {  	s19 =	simm.s32 $0xD800  }
0x4ad: {  	[tilespmem:s19], [sflag:$0x2] =	stream.indirect_vreg.gather [hbm4b:s2+s3], $0x80, v3, vm0, $0xb8;
	[tilespmem:$0x10800] =	vst v63  }
0x4ae: {  	s24 =	simm.s32 $0xE000  }
0x4af: {  	[tilespmem:s24], [sflag:$0x2] =	stream.indirect_vreg.gather [hbm4b:s4+s3], $0x80, v3, vm0, $0xb8;
	[tilespmem:$0x10800] =	vst v63  }
0x4b0: {  	v3 =	vld [tilespmem:$0x7B0];
	_ =	sdelay $0x4  }
0x4b1: {  	v63 =	vshll.u32 v3, $0x2  }
0x4b2: {  	v3 =	vand.u32 $0x7, v3;
	v4 =	vand.u32 $0xFFFFFFE0, v63  }
0x4b3: {  	v3 =	vor.u32 v3, v4  }
0x4b4: {  	v4 =	vperm.xlane v3, v0;
	_ =	sdelay $0x1  }
0x4b5: {  	v4 =	vadd.s32 v1, v4;
	_ =	sdelay $0x1  }
0x4b6: {  	v3 =	vperm.xlane v3, v2;
	_ =	sdelay $0x1  }
0x4b7: {  	s21 =	simm.s32 $0xE800;
	v3 =	vadd.s32 v1, v3  }
0x4b8: {  	[tilespmem:s21], [sflag:$0x2] =	stream.indirect_vreg.gather [hbm4b:s2+s3], $0x80, v4, vm0, $0xb8;
	[tilespmem:$0x10800] =	vst v63  }
0x4b9: {  	s12 =	simm.s32 $0xF000  }
0x4ba: {  	[tilespmem:s12], [sflag:$0x2] =	stream.indirect_vreg.gather [hbm4b:s4+s3], $0x80, v4, vm0, $0xb8;
	[tilespmem:$0x10800] =	vst v63  }
0x4bb: {  	s0 =	simm.s32 $0xF800  }
0x4bc: {  	[tilespmem:s0], [sflag:$0x2] =	stream.indirect_vreg.gather [hbm4b:s2+s3], $0x80, v3, vm0, $0xb8;
	[tilespmem:$0x10800] =	vst v63  }
0x4bd: {  	s13 =	simm.s32 $0x10000  }
0x4be: {  	[tilespmem:s13], [sflag:$0x2] =	stream.indirect_vreg.gather [hbm4b:s4+s3], $0x80, v3, vm0, $0xb8;
	[tilespmem:$0x10800] =	vst v63  }
0x4bf: {  	s29 =	sld [smem:$0x7EA];
	_ =	swait.ge [sflag:s14], $0x8000  }
0x4c0: {  	s30 =	sld [smem:$0x7ED]  }
0x4c1: {  	[sflag:s14] =	ssyncset.done $0x0  }
0x4c2: {  	[sflag:s14] =	ssyncadd.s32 $0xFFFF8000  }
0x4c3: {  	[hbm4b:s30+s3] =	stream.linear.scatter [tilespmem:s7], [sflag:$0x3], $0x8000, $0x38;
	[tilespmem:$0x10800] =	vst v63  }
0x4c4: {  	_ =	swait.ge [sflag:s14], $0x8000  }
0x4c5: {  	s31 =	sld [smem:$0x7EE]  }
0x4c6: {  	[sflag:s14] =	ssyncset.done $0x0  }
0x4c7: {  	[sflag:s14] =	ssyncadd.s32 $0xFFFF8000  }
0x4c8: {  	[hbm4b:s31+s3] =	stream.linear.scatter [tilespmem:s23], [sflag:$0x3], $0x8000, $0x38;
	[tilespmem:$0x10800] =	vst v63  }
0x4c9: {  	p0 =	sne.s32 s29, $0x1;
	_ =	swait.ge [sflag:s15], $0x8000  }
.Ltmp0:
0x4ca: {  	[sflag:s15] =	ssyncset.done $0x0;
	(pc) =	sbr.rel @p0 .LBB2_1-.Ltmp0, $4  }
0x4cb: {  	[sflag:s15] =	ssyncadd.s32 $0xFFFF8000  }
0x4cc: {  	_ =	swait.ge [sflag:s15], $0x8000  }
0x4cd: {  	[sflag:s15] =	ssyncset.done $0x0  }
0x4ce: {  	s5 =	sadd.s32 $0xFFFFFFFF, s29;
	[sflag:s15] =	ssyncadd.s32 $0xFFFF8000  }
0x4cf: {  	_ =	sfence.sel $0x180000  }
0x4d0: {  	[bflag:$0x0] =	sbarrier.arrive $0xFFFF  }
0x4d1: {  	_ =	strace $0x90000047  }
0x4d2: {  	s0 =	stileid.u32;
	[bflag:$0x2] =	sbarrier.arrive $0xFFFF  }
0x4d3: {  	p0 =	sne.s32 s0, $0x0;
	s0 =	rddreg [dreg:$0x3]  }
0x4d4: {  	s0 =	sadd.s32 @!p0 $0x100000, s0  }
0x4d5: {  	[sflag:s0] =	ssyncadd.tile.s32 @!p0 $0x1;
	_ =	shalt  }
.Lfunc_end2:
_tile_overlayer_lowered:
.L_overlay_start_2:
0x4d6: {  	(tag) =	ssettag $0x2  }
0x4d7: {  	s0 =	rddreg [dreg:$0x0];
	s2 =	stileid.u32  }
0x4d8: {  	s1 =	rddreg [dreg:$0x1];
	p0 =	sne.s32 s2, $0x0  }
0x4d9: {  	s3 =	rddreg [dreg:$0x2];
	[bflag:$0x3] =	sbarrier.arrive $0xFFFF;
	s2 =	simm.s32 @!p0 $0x1C04  }
0x4da: {  	[timem:s3], [sflag:s2] =	dma.local @!p0 [hbm:s0], s1  }
0x4db: {  	s0 =	simm.s32 @!p0 $0x4  }
0x4dc: {  	_ =	swait.ge @!p0 [sflag:s0], s1  }
0x4dd: {  	s1 =	ssub.s32 @!p0 $0x0, s1;
	[sflag:s0] =	ssyncset.done @!p0 $0x0  }
0x4de: {  	[sflag:s0] =	ssyncadd.s32 @!p0 s1  }
0x4df: {  	[bflag:$0x3] =	sbarrier.arrive $0xFFFF  }
0x4e0: {  	_ =	shalt  }

</sc_bundles>
